<compile_context>
chip_gen: v7x
topology: tpu7x:2x2x1
jax: 0.10.2.dev20260603
libtpu: 0.0.44.dev20260713+nightly
codegen_flags: <defaults>
</compile_context>

<pallas_src>
import functools

import jax
import jax.numpy as jnp
from jax import lax
from jax.experimental import pallas as pl
from jax.experimental.pallas import tpu as pltpu
from jax.experimental.pallas import tpu_sc as plsc

_LANES = 16


def _pick_chunk(ept: int) -> int:
    for c in range(128, 0, -8):
        if ept % c == 0:
            return c
    raise ValueError(f"no chunk size divides {ept}")


def _sc_aggregate(x, src3, dst, edge_attrs):
    N, D = x.shape
    E = edge_attrs.shape[0]
    info = plsc.get_sparse_core_info()
    NC, NS = info.num_cores, info.num_subcores
    NW = NC * NS
    assert E % NW == 0 and N % NS == 0 and D % _LANES == 0
    EPT = E // NW
    NW_, NCHUNK, C = src3.shape
    assert NW_ == NW and NCHUNK * C == EPT
    RPT = (N // NS) // 8 * 8
    REM = N - NS * RPT
    assert REM % 8 == 0 and REM <= C
    ZFULL, ZREM = RPT // C, RPT % C

    mesh = plsc.VectorSubcoreMesh(core_axis_name="c", subcore_axis_name="s")

    @functools.partial(
        pl.kernel,
        out_type=jax.ShapeDtypeStruct((NC, N, D), jnp.float32),
        mesh=mesh,
        scratch_types=[
            pltpu.VMEM((NCHUNK, C), jnp.int32),
            pltpu.VMEM((C // 2,), jnp.int32),
            pltpu.VMEM((C // 2,), jnp.int32),
            pltpu.VMEM((C, D), jnp.float32),
            pltpu.VMEM((C, D), jnp.float32),
            pltpu.VMEM_SHARED((N, D), jnp.float32),
            pltpu.SemaphoreType.DMA,
            pltpu.SemaphoreType.DMA,
            pltpu.SemaphoreType.DMA,
            pltpu.SemaphoreType.DMA,
            pltpu.SemaphoreType.DMA,
            pltpu.SemaphoreType.DMA,
            pltpu.SemaphoreType.DMA,
            pltpu.SemaphoreType.DMA,
            pltpu.SemaphoreType.DMA,
        ],
    )
    def agg_kernel(x_hbm, src_hbm, dst_hbm, ea_hbm, out_hbm,
                   src_2d, dva, dvb, ea_v, xr_v, acc_sh, sem, sem2, sem3,
                   sem4, sem5, sem6, sem7, sem8, sem9):
        del sem5
        c = lax.axis_index("c")
        s = lax.axis_index("s")
        wid = c * NS + s
        row0 = s * RPT

        pltpu.sync_copy(src_hbm.at[wid], src_2d)

        def zrow(e, carry):
            for j in range(D // _LANES):
                ea_v[e, pl.ds(j * _LANES, _LANES)] = jnp.zeros(
                    (_LANES,), jnp.float32)
            return carry
        lax.fori_loop(0, C, zrow, 0)
        for k in range(ZFULL):
            pltpu.sync_copy(ea_v, acc_sh.at[pl.ds(row0 + k * C, C)])
        if ZREM:
            pltpu.sync_copy(ea_v.at[pl.ds(0, ZREM)],
                            acc_sh.at[pl.ds(row0 + ZFULL * C, ZREM)])
        if REM:
            @pl.when(s == NS - 1)
            def _zero_tail():
                pltpu.sync_copy(ea_v.at[pl.ds(0, REM)],
                                acc_sh.at[pl.ds(NS * RPT, REM)])
        plsc.subcore_barrier()

        ebase = wid * EPT

        H = C // 2
        assert H % 8 == 0

        def chunk(i, carry):
            b = ebase + i * C
            pltpu.async_copy(x_hbm.at[src_2d.at[i, pl.ds(0, H)]],
                             xr_v.at[pl.ds(0, H)], sem)
            pltpu.async_copy(x_hbm.at[src_2d.at[i, pl.ds(H, H)]],
                             xr_v.at[pl.ds(H, H)], sem4)
            pltpu.async_copy(dst_hbm.at[pl.ds(b, H)], dva, sem6)
            pltpu.async_copy(dst_hbm.at[pl.ds(b + H, H)], dvb, sem7)
            pltpu.async_copy(ea_hbm.at[pl.ds(b, H)],
                             ea_v.at[pl.ds(0, H)], sem2)
            pltpu.async_copy(ea_hbm.at[pl.ds(b + H, H)],
                             ea_v.at[pl.ds(H, H)], sem3)

            def edge(e, carry2):
                for j in range(D // _LANES):
                    sl = pl.ds(j * _LANES, _LANES)
                    ea_v[e, sl] = jnp.maximum(ea_v[e, sl] + xr_v[e, sl], 0.0)
                return carry2

            pltpu.make_async_copy(ea_hbm.at[pl.ds(b, H)],
                                  ea_v.at[pl.ds(0, H)], sem2).wait()
            pltpu.make_async_copy(x_hbm.at[src_2d.at[i, pl.ds(0, H)]],
                                  xr_v.at[pl.ds(0, H)], sem).wait()
            lax.fori_loop(0, H, edge, 0)
            pltpu.make_async_copy(dst_hbm.at[pl.ds(b, H)], dva,
                                  sem6).wait()
            pltpu.async_copy(ea_v.at[pl.ds(0, H)], acc_sh.at[dva],
                             sem8, add=True)
            pltpu.make_async_copy(ea_hbm.at[pl.ds(b + H, H)],
                                  ea_v.at[pl.ds(H, H)], sem3).wait()
            pltpu.make_async_copy(x_hbm.at[src_2d.at[i, pl.ds(H, H)]],
                                  xr_v.at[pl.ds(H, H)], sem4).wait()
            lax.fori_loop(H, C, edge, 0)
            pltpu.make_async_copy(dst_hbm.at[pl.ds(b + H, H)], dvb,
                                  sem7).wait()
            pltpu.async_copy(ea_v.at[pl.ds(H, H)], acc_sh.at[dvb],
                             sem9, add=True)
            pltpu.make_async_copy(ea_v.at[pl.ds(0, H)], acc_sh.at[dva],
                                  sem8).wait()
            pltpu.make_async_copy(ea_v.at[pl.ds(H, H)], acc_sh.at[dvb],
                                  sem9).wait()
            return carry
        lax.fori_loop(0, NCHUNK, chunk, 0)

        plsc.subcore_barrier()
        pltpu.sync_copy(acc_sh.at[pl.ds(row0, RPT)],
                        out_hbm.at[c, pl.ds(row0, RPT)])
        if REM:
            @pl.when(s == NS - 1)
            def _drain_tail():
                pltpu.sync_copy(acc_sh.at[pl.ds(NS * RPT, REM)],
                                out_hbm.at[c, pl.ds(NS * RPT, REM)])

    return agg_kernel(x, src3, dst, edge_attrs)


def _tc_layer(x, agg, W, b):
    N, D = x.shape
    R = 1000 if N % 1000 == 0 else N
    grid = N // R

    def body(x_ref, a0_ref, a1_ref, w_ref, b_ref, o_ref):
        ssum = x_ref[...] + a0_ref[...] + a1_ref[...]
        o_ref[...] = jnp.maximum(
            jnp.dot(ssum, w_ref[...], preferred_element_type=jnp.float32)
            + b_ref[...], 0.0)

    return pl.pallas_call(
        body,
        grid=(grid,),
        in_specs=[
            pl.BlockSpec((R, D), lambda i: (i, 0)),
            pl.BlockSpec((R, D), lambda i: (i, 0)),
            pl.BlockSpec((R, D), lambda i: (i, 0)),
            pl.BlockSpec((D, D), lambda i: (0, 0)),
            pl.BlockSpec((1, D), lambda i: (0, 0)),
        ],
        out_specs=pl.BlockSpec((R, D), lambda i: (i, 0)),
        out_shape=jax.ShapeDtypeStruct((N, D), jnp.float32),
    )(x, agg[0], agg[1], W, b.reshape(1, D))


def kernel(node_feats, edge_index, edge_attrs, W1, b1, W2, b2):
    E = edge_attrs.shape[0]
    info = plsc.get_sparse_core_info()
    NW = info.num_cores * info.num_subcores
    EPT = E // NW
    C = _pick_chunk(EPT)
    src3 = edge_index[0].astype(jnp.int32).reshape(NW, EPT // C, C)
    dst = edge_index[1].astype(jnp.int32)
    agg1 = _sc_aggregate(node_feats, src3, dst, edge_attrs)
    h1 = _tc_layer(node_feats, agg1, W1, b1)
    agg2 = _sc_aggregate(h1, src3, dst, edge_attrs)
    h2 = _tc_layer(h1, agg2, W2, b2)
    return h2

# --- scband reference (transcript-rebuilt; emitter-appended) ---
"""Pipeline reference for scband-singel-gnn-1073741824404 (READ-ONLY COPY).

The authoritative reference and input builder live on the scoring server;
editing this copy changes nothing except your own understanding.
"""

import jax, jax.numpy as jnp
import numpy as np

N = 10000
E = 320000
D = 128

def setup_inputs(seed: int = 0) -> dict:
    key = jax.random.key(seed)
    k1, k2, k3, k4, k5, k6, k7 = jax.random.split(key, 7)
    node_feats = jax.random.normal(k1, (N, D), dtype=jnp.float32)
    edge_index = jax.random.randint(k2, (2, E), 0, N, dtype=jnp.int64)
    edge_attrs = jax.random.normal(k3, (E, D), dtype=jnp.float32)
    # GINEConv internal nn.Linear(hidden_dim, hidden_dim) params, two layers
    s = 1.0 / np.sqrt(D)
    W1 = jax.random.uniform(k4, (D, D), dtype=jnp.float32, minval=-s, maxval=s)
    b1 = jax.random.uniform(k5, (D,), dtype=jnp.float32, minval=-s, maxval=s)
    W2 = jax.random.uniform(k6, (D, D), dtype=jnp.float32, minval=-s, maxval=s)
    b2 = jax.random.uniform(k7, (D,), dtype=jnp.float32, minval=-s, maxval=s)
    return {"node_feats": node_feats, "edge_index": edge_index, "edge_attrs": edge_attrs,
            "W1": W1, "b1": b1, "W2": W2, "b2": b2}

def _gine_conv(x, edge_index, edge_attr, W, b, eps=0.0):
    # PyG GINEConv: out = nn((1+eps)*x + sum_{j->i} relu(x_j + e_ji))
    src = edge_index[0]
    dst = edge_index[1]
    msg = jax.nn.relu(jnp.take(x, src, axis=0) + edge_attr)
    agg = jnp.zeros_like(x).at[dst].add(msg)
    return ((1.0 + eps) * x + agg) @ W + b

def reference(node_feats, edge_index, edge_attrs, W1, b1, W2, b2):
    h = jax.nn.relu(_gine_conv(node_feats, edge_index, edge_attrs, W1, b1))
    h = jax.nn.relu(_gine_conv(h, edge_index, edge_attrs, W2, b2))
    return h

if __name__ == "__main__":
    import jax
    _d = setup_inputs()
    print(jax.jit(kernel)(*tuple(_d.values())))

</pallas_src>

<mosaic_0001>
#map = affine_map<(d0, d1) -> (0, 0)>
#map1 = affine_map<(d0, d1) -> (0, 0, 0)>
#map2 = affine_map<(d0, d1) -> (0)>
module attributes {stable_mosaic.version = 14 : i64} {
  func.func @agg_kernel(%arg0: i32, %arg1: i32, %arg2: memref<10000x128xf32, #tpu.memory_space<hbm>>, %arg3: memref<32x125x80xi32, #tpu.memory_space<hbm>>, %arg4: memref<320000xi32, #tpu.memory_space<hbm>>, %arg5: memref<320000x128xf32, #tpu.memory_space<hbm>>, %arg6: memref<2x10000x128xf32, #tpu.memory_space<hbm>>, %arg7: memref<125x80xi32, #tpu.memory_space<vmem>>, %arg8: memref<40xi32, #tpu.memory_space<vmem>>, %arg9: memref<40xi32, #tpu.memory_space<vmem>>, %arg10: memref<80x128xf32, #tpu.memory_space<vmem>>, %arg11: memref<80x128xf32, #tpu.memory_space<vmem>>, %arg12: memref<10000x128xf32, #tpu.memory_space<vmem_shared>>, %arg13: memref<!tpu.dma_semaphore, #tpu.memory_space<semaphore_mem>>, %arg14: memref<!tpu.dma_semaphore, #tpu.memory_space<semaphore_mem>>, %arg15: memref<!tpu.dma_semaphore, #tpu.memory_space<semaphore_mem>>, %arg16: memref<!tpu.dma_semaphore, #tpu.memory_space<semaphore_mem>>, %arg17: memref<!tpu.dma_semaphore, #tpu.memory_space<semaphore_mem>>, %arg18: memref<!tpu.dma_semaphore, #tpu.memory_space<semaphore_mem>>, %arg19: memref<!tpu.dma_semaphore, #tpu.memory_space<semaphore_mem>>, %arg20: memref<!tpu.dma_semaphore, #tpu.memory_space<semaphore_mem>>, %arg21: memref<!tpu.dma_semaphore, #tpu.memory_space<semaphore_mem>>) attributes {dimension_semantics = [#tpu.dimension_semantics<core_parallel>, #tpu.dimension_semantics<subcore_parallel>], iteration_bounds = array<i64: 2, 16>, scalar_prefetch = 0 : i64, scratch_operands = 15 : i64, tpu.core_type = #tpu.core_type<sc_vector_subcore>, window_params = [{transform_indices = #map}, {transform_indices = #map1}, {transform_indices = #map2}, {transform_indices = #map}, {transform_indices = #map1}]} {
    %mul3A = arith.constant 16 : i32
    %mul3A_0 = arith.muli %arg0, %mul3A : i32
    %add3A = arith.addi %mul3A_0, %arg1 : i32
    %mul3A_1 = arith.constant 624 : i32
    %mul3A_2 = arith.muli %arg1, %mul3A_1 : i32
    "tpu.region"() ({
      %run_scoped3A = tpu.sem_alloc : memref<!tpu.dma_semaphore, #tpu.memory_space<semaphore_mem>>
      %dma_start3A = arith.constant 0 : i32
      %dma_start3A_40 = arith.constant 0 : i32
      %dma_start3A_41 = tpu.memref_slice %arg3[%add3A, %dma_start3A, %dma_start3A_40] : memref<32x125x80xi32, #tpu.memory_space<hbm>> -> memref<1x125x80xi32, #tpu.memory_space<hbm>>
      %dma_start3A_42 = tpu.memref_squeeze %dma_start3A_41 : memref<1x125x80xi32, #tpu.memory_space<hbm>> -> memref<125x80xi32, #tpu.memory_space<hbm>>
      %dma_start3A_43 = arith.constant 0 : i32
      %dma_start3A_44 = arith.constant 0 : i32
      %dma_start3A_45 = tpu.memref_slice %arg3[%add3A, %dma_start3A_43, %dma_start3A_44] : memref<32x125x80xi32, #tpu.memory_space<hbm>> -> memref<1x125x80xi32, #tpu.memory_space<hbm>>
      %dma_start3A_46 = tpu.memref_squeeze %dma_start3A_45 : memref<1x125x80xi32, #tpu.memory_space<hbm>> -> memref<125x80xi32, #tpu.memory_space<hbm>>
      tpu.enqueue_dma source(%dma_start3A_46 : memref<125x80xi32, #tpu.memory_space<hbm>>) target(%arg7 : memref<125x80xi32, #tpu.memory_space<vmem>>) target_semaphore(%run_scoped3A : memref<!tpu.dma_semaphore, #tpu.memory_space<semaphore_mem>>)
      %dma_wait3A = arith.constant 0 : i32
      %dma_wait3A_47 = arith.constant 0 : i32
      %dma_wait3A_48 = tpu.memref_slice %arg3[%add3A, %dma_wait3A, %dma_wait3A_47] : memref<32x125x80xi32, #tpu.memory_space<hbm>> -> memref<1x125x80xi32, #tpu.memory_space<hbm>>
      %dma_wait3A_49 = tpu.memref_squeeze %dma_wait3A_48 : memref<1x125x80xi32, #tpu.memory_space<hbm>> -> memref<125x80xi32, #tpu.memory_space<hbm>>
      %dma_wait3A_50 = arith.constant 0 : i32
      %dma_wait3A_51 = arith.constant 0 : i32
      %dma_wait3A_52 = tpu.memref_slice %arg3[%add3A, %dma_wait3A_50, %dma_wait3A_51] : memref<32x125x80xi32, #tpu.memory_space<hbm>> -> memref<1x125x80xi32, #tpu.memory_space<hbm>>
      %dma_wait3A_53 = tpu.memref_squeeze %dma_wait3A_52 : memref<1x125x80xi32, #tpu.memory_space<hbm>> -> memref<125x80xi32, #tpu.memory_space<hbm>>
      tpu.wait_dma2 semaphore(%run_scoped3A : memref<!tpu.dma_semaphore, #tpu.memory_space<semaphore_mem>>) src(%dma_wait3A_53 : memref<125x80xi32, #tpu.memory_space<hbm>>) dst(%arg7 : memref<125x80xi32, #tpu.memory_space<vmem>>)
      tpu.yield
    }) : () -> ()
    %scan3A = arith.constant 0 : i32
    %scan3A_3 = arith.constant 0 : i32
    %scan3A_4 = arith.constant 80 : i32
    %scan3A_5 = arith.addi %scan3A_3, %scan3A_4 : i32
    %scan3A_6 = arith.constant 1 : i32
    scf.for %scan3A_40 = %scan3A_3 to %scan3A_5 step %scan3A_6  : i32 {
      %broadcast_in_dim3A = arith.constant 0.000000e+00 : f32
      %broadcast_in_dim3A_41 = vector.broadcast %broadcast_in_dim3A : f32 to vector<16xf32>
      %swap3A = arith.index_cast %scan3A_40 : i32 to index
      %swap3A_42 = arith.constant 0 : index
      %swap3A_43 = tpu.vector_load %arg10[%swap3A, %swap3A_42] {strides = array<i32>} : memref<80x128xf32, #tpu.memory_space<vmem>>, vector<1x16xf32>,
      %swap3A_44 = vector.shape_cast %swap3A_43 : vector<1x16xf32> to vector<16xf32>
      %swap3A_45 = vector.shape_cast %broadcast_in_dim3A_41 : vector<16xf32> to vector<1x16xf32>
      tpu.vector_store %arg10[%swap3A, %swap3A_42], %swap3A_45 {strides = array<i32>} : memref<80x128xf32, #tpu.memory_space<vmem>>, vector<1x16xf32>,
      %broadcast_in_dim3A_46 = arith.constant 0.000000e+00 : f32
      %broadcast_in_dim3A_47 = vector.broadcast %broadcast_in_dim3A_46 : f32 to vector<16xf32>
      %swap3A_48 = arith.index_cast %scan3A_40 : i32 to index
      %swap3A_49 = arith.constant 16 : index
      %swap3A_50 = tpu.vector_load %arg10[%swap3A_48, %swap3A_49] {strides = array<i32>} : memref<80x128xf32, #tpu.memory_space<vmem>>, vector<1x16xf32>,
      %swap3A_51 = vector.shape_cast %swap3A_50 : vector<1x16xf32> to vector<16xf32>
      %swap3A_52 = vector.shape_cast %broadcast_in_dim3A_47 : vector<16xf32> to vector<1x16xf32>
      tpu.vector_store %arg10[%swap3A_48, %swap3A_49], %swap3A_52 {strides = array<i32>} : memref<80x128xf32, #tpu.memory_space<vmem>>, vector<1x16xf32>,
      %broadcast_in_dim3A_53 = arith.constant 0.000000e+00 : f32
      %broadcast_in_dim3A_54 = vector.broadcast %broadcast_in_dim3A_53 : f32 to vector<16xf32>
      %swap3A_55 = arith.index_cast %scan3A_40 : i32 to index
      %swap3A_56 = arith.constant 32 : index
      %swap3A_57 = tpu.vector_load %arg10[%swap3A_55, %swap3A_56] {strides = array<i32>} : memref<80x128xf32, #tpu.memory_space<vmem>>, vector<1x16xf32>,
      %swap3A_58 = vector.shape_cast %swap3A_57 : vector<1x16xf32> to vector<16xf32>
      %swap3A_59 = vector.shape_cast %broadcast_in_dim3A_54 : vector<16xf32> to vector<1x16xf32>
      tpu.vector_store %arg10[%swap3A_55, %swap3A_56], %swap3A_59 {strides = array<i32>} : memref<80x128xf32, #tpu.memory_space<vmem>>, vector<1x16xf32>,
      %broadcast_in_dim3A_60 = arith.constant 0.000000e+00 : f32
      %broadcast_in_dim3A_61 = vector.broadcast %broadcast_in_dim3A_60 : f32 to vector<16xf32>
      %swap3A_62 = arith.index_cast %scan3A_40 : i32 to index
      %swap3A_63 = arith.constant 48 : index
      %swap3A_64 = tpu.vector_load %arg10[%swap3A_62, %swap3A_63] {strides = array<i32>} : memref<80x128xf32, #tpu.memory_space<vmem>>, vector<1x16xf32>,
      %swap3A_65 = vector.shape_cast %swap3A_64 : vector<1x16xf32> to vector<16xf32>
      %swap3A_66 = vector.shape_cast %broadcast_in_dim3A_61 : vector<16xf32> to vector<1x16xf32>
      tpu.vector_store %arg10[%swap3A_62, %swap3A_63], %swap3A_66 {strides = array<i32>} : memref<80x128xf32, #tpu.memory_space<vmem>>, vector<1x16xf32>,
      %broadcast_in_dim3A_67 = arith.constant 0.000000e+00 : f32
      %broadcast_in_dim3A_68 = vector.broadcast %broadcast_in_dim3A_67 : f32 to vector<16xf32>
      %swap3A_69 = arith.index_cast %scan3A_40 : i32 to index
      %swap3A_70 = arith.constant 64 : index
      %swap3A_71 = tpu.vector_load %arg10[%swap3A_69, %swap3A_70] {strides = array<i32>} : memref<80x128xf32, #tpu.memory_space<vmem>>, vector<1x16xf32>,
      %swap3A_72 = vector.shape_cast %swap3A_71 : vector<1x16xf32> to vector<16xf32>
      %swap3A_73 = vector.shape_cast %broadcast_in_dim3A_68 : vector<16xf32> to vector<1x16xf32>
      tpu.vector_store %arg10[%swap3A_69, %swap3A_70], %swap3A_73 {strides = array<i32>} : memref<80x128xf32, #tpu.memory_space<vmem>>, vector<1x16xf32>,
      %broadcast_in_dim3A_74 = arith.constant 0.000000e+00 : f32
      %broadcast_in_dim3A_75 = vector.broadcast %broadcast_in_dim3A_74 : f32 to vector<16xf32>
      %swap3A_76 = arith.index_cast %scan3A_40 : i32 to index
      %swap3A_77 = arith.constant 80 : index
      %swap3A_78 = tpu.vector_load %arg10[%swap3A_76, %swap3A_77] {strides = array<i32>} : memref<80x128xf32, #tpu.memory_space<vmem>>, vector<1x16xf32>,
      %swap3A_79 = vector.shape_cast %swap3A_78 : vector<1x16xf32> to vector<16xf32>
      %swap3A_80 = vector.shape_cast %broadcast_in_dim3A_75 : vector<16xf32> to vector<1x16xf32>
      tpu.vector_store %arg10[%swap3A_76, %swap3A_77], %swap3A_80 {strides = array<i32>} : memref<80x128xf32, #tpu.memory_space<vmem>>, vector<1x16xf32>,
      %broadcast_in_dim3A_81 = arith.constant 0.000000e+00 : f32
      %broadcast_in_dim3A_82 = vector.broadcast %broadcast_in_dim3A_81 : f32 to vector<16xf32>
      %swap3A_83 = arith.index_cast %scan3A_40 : i32 to index
      %swap3A_84 = arith.constant 96 : index
      %swap3A_85 = tpu.vector_load %arg10[%swap3A_83, %swap3A_84] {strides = array<i32>} : memref<80x128xf32, #tpu.memory_space<vmem>>, vector<1x16xf32>,
      %swap3A_86 = vector.shape_cast %swap3A_85 : vector<1x16xf32> to vector<16xf32>
      %swap3A_87 = vector.shape_cast %broadcast_in_dim3A_82 : vector<16xf32> to vector<1x16xf32>
      tpu.vector_store %arg10[%swap3A_83, %swap3A_84], %swap3A_87 {strides = array<i32>} : memref<80x128xf32, #tpu.memory_space<vmem>>, vector<1x16xf32>,
      %broadcast_in_dim3A_88 = arith.constant 0.000000e+00 : f32
      %broadcast_in_dim3A_89 = vector.broadcast %broadcast_in_dim3A_88 : f32 to vector<16xf32>
      %swap3A_90 = arith.index_cast %scan3A_40 : i32 to index
      %swap3A_91 = arith.constant 112 : index
      %swap3A_92 = tpu.vector_load %arg10[%swap3A_90, %swap3A_91] {strides = array<i32>} : memref<80x128xf32, #tpu.memory_space<vmem>>, vector<1x16xf32>,
      %swap3A_93 = vector.shape_cast %swap3A_92 : vector<1x16xf32> to vector<16xf32>
      %swap3A_94 = vector.shape_cast %broadcast_in_dim3A_89 : vector<16xf32> to vector<1x16xf32>
      tpu.vector_store %arg10[%swap3A_90, %swap3A_91], %swap3A_94 {strides = array<i32>} : memref<80x128xf32, #tpu.memory_space<vmem>>, vector<1x16xf32>,
    }
    %scan3A_7 = arith.constant 80 : i32
    %add3A_8 = arith.constant 0 : i32
    %add3A_9 = arith.addi %mul3A_2, %add3A_8 : i32
    "tpu.region"() ({
      %run_scoped3A = tpu.sem_alloc : memref<!tpu.dma_semaphore, #tpu.memory_space<semaphore_mem>>
      %dma_start3A = arith.constant 0 : i32
      %dma_start3A_40 = tpu.memref_slice %arg12[%add3A_9, %dma_start3A] : memref<10000x128xf32, #tpu.memory_space<vmem_shared>> -> memref<80x128xf32, #tpu.memory_space<vmem_shared>>
      %dma_start3A_41 = arith.constant 0 : i32
      %dma_start3A_42 = tpu.memref_slice %arg12[%add3A_9, %dma_start3A_41] : memref<10000x128xf32, #tpu.memory_space<vmem_shared>> -> memref<80x128xf32, #tpu.memory_space<vmem_shared>>
      tpu.enqueue_dma source(%arg10 : memref<80x128xf32, #tpu.memory_space<vmem>>) target(%dma_start3A_42 : memref<80x128xf32, #tpu.memory_space<vmem_shared>>) target_semaphore(%run_scoped3A : memref<!tpu.dma_semaphore, #tpu.memory_space<semaphore_mem>>)
      %dma_wait3A = arith.constant 0 : i32
      %dma_wait3A_43 = tpu.memref_slice %arg12[%add3A_9, %dma_wait3A] : memref<10000x128xf32, #tpu.memory_space<vmem_shared>> -> memref<80x128xf32, #tpu.memory_space<vmem_shared>>
      %dma_wait3A_44 = arith.constant 0 : i32
      %dma_wait3A_45 = tpu.memref_slice %arg12[%add3A_9, %dma_wait3A_44] : memref<10000x128xf32, #tpu.memory_space<vmem_shared>> -> memref<80x128xf32, #tpu.memory_space<vmem_shared>>
      tpu.wait_dma2 semaphore(%run_scoped3A : memref<!tpu.dma_semaphore, #tpu.memory_space<semaphore_mem>>) src(%arg10 : memref<80x128xf32, #tpu.memory_space<vmem>>) dst(%dma_wait3A_45 : memref<80x128xf32, #tpu.memory_space<vmem_shared>>)
      tpu.yield
    }) : () -> ()
    %add3A_10 = arith.constant 80 : i32
    %add3A_11 = arith.addi %mul3A_2, %add3A_10 : i32
    "tpu.region"() ({
      %run_scoped3A = tpu.sem_alloc : memref<!tpu.dma_semaphore, #tpu.memory_space<semaphore_mem>>
      %dma_start3A = arith.constant 0 : i32
      %dma_start3A_40 = tpu.memref_slice %arg12[%add3A_11, %dma_start3A] : memref<10000x128xf32, #tpu.memory_space<vmem_shared>> -> memref<80x128xf32, #tpu.memory_space<vmem_shared>>
      %dma_start3A_41 = arith.constant 0 : i32
      %dma_start3A_42 = tpu.memref_slice %arg12[%add3A_11, %dma_start3A_41] : memref<10000x128xf32, #tpu.memory_space<vmem_shared>> -> memref<80x128xf32, #tpu.memory_space<vmem_shared>>
      tpu.enqueue_dma source(%arg10 : memref<80x128xf32, #tpu.memory_space<vmem>>) target(%dma_start3A_42 : memref<80x128xf32, #tpu.memory_space<vmem_shared>>) target_semaphore(%run_scoped3A : memref<!tpu.dma_semaphore, #tpu.memory_space<semaphore_mem>>)
      %dma_wait3A = arith.constant 0 : i32
      %dma_wait3A_43 = tpu.memref_slice %arg12[%add3A_11, %dma_wait3A] : memref<10000x128xf32, #tpu.memory_space<vmem_shared>> -> memref<80x128xf32, #tpu.memory_space<vmem_shared>>
      %dma_wait3A_44 = arith.constant 0 : i32
      %dma_wait3A_45 = tpu.memref_slice %arg12[%add3A_11, %dma_wait3A_44] : memref<10000x128xf32, #tpu.memory_space<vmem_shared>> -> memref<80x128xf32, #tpu.memory_space<vmem_shared>>
      tpu.wait_dma2 semaphore(%run_scoped3A : memref<!tpu.dma_semaphore, #tpu.memory_space<semaphore_mem>>) src(%arg10 : memref<80x128xf32, #tpu.memory_space<vmem>>) dst(%dma_wait3A_45 : memref<80x128xf32, #tpu.memory_space<vmem_shared>>)
      tpu.yield
    }) : () -> ()
    %add3A_12 = arith.constant 160 : i32
    %add3A_13 = arith.addi %mul3A_2, %add3A_12 : i32
    "tpu.region"() ({
      %run_scoped3A = tpu.sem_alloc : memref<!tpu.dma_semaphore, #tpu.memory_space<semaphore_mem>>
      %dma_start3A = arith.constant 0 : i32
      %dma_start3A_40 = tpu.memref_slice %arg12[%add3A_13, %dma_start3A] : memref<10000x128xf32, #tpu.memory_space<vmem_shared>> -> memref<80x128xf32, #tpu.memory_space<vmem_shared>>
      %dma_start3A_41 = arith.constant 0 : i32
      %dma_start3A_42 = tpu.memref_slice %arg12[%add3A_13, %dma_start3A_41] : memref<10000x128xf32, #tpu.memory_space<vmem_shared>> -> memref<80x128xf32, #tpu.memory_space<vmem_shared>>
      tpu.enqueue_dma source(%arg10 : memref<80x128xf32, #tpu.memory_space<vmem>>) target(%dma_start3A_42 : memref<80x128xf32, #tpu.memory_space<vmem_shared>>) target_semaphore(%run_scoped3A : memref<!tpu.dma_semaphore, #tpu.memory_space<semaphore_mem>>)
      %dma_wait3A = arith.constant 0 : i32
      %dma_wait3A_43 = tpu.memref_slice %arg12[%add3A_13, %dma_wait3A] : memref<10000x128xf32, #tpu.memory_space<vmem_shared>> -> memref<80x128xf32, #tpu.memory_space<vmem_shared>>
      %dma_wait3A_44 = arith.constant 0 : i32
      %dma_wait3A_45 = tpu.memref_slice %arg12[%add3A_13, %dma_wait3A_44] : memref<10000x128xf32, #tpu.memory_space<vmem_shared>> -> memref<80x128xf32, #tpu.memory_space<vmem_shared>>
      tpu.wait_dma2 semaphore(%run_scoped3A : memref<!tpu.dma_semaphore, #tpu.memory_space<semaphore_mem>>) src(%arg10 : memref<80x128xf32, #tpu.memory_space<vmem>>) dst(%dma_wait3A_45 : memref<80x128xf32, #tpu.memory_space<vmem_shared>>)
      tpu.yield
    }) : () -> ()
    %add3A_14 = arith.constant 240 : i32
    %add3A_15 = arith.addi %mul3A_2, %add3A_14 : i32
    "tpu.region"() ({
      %run_scoped3A = tpu.sem_alloc : memref<!tpu.dma_semaphore, #tpu.memory_space<semaphore_mem>>
      %dma_start3A = arith.constant 0 : i32
      %dma_start3A_40 = tpu.memref_slice %arg12[%add3A_15, %dma_start3A] : memref<10000x128xf32, #tpu.memory_space<vmem_shared>> -> memref<80x128xf32, #tpu.memory_space<vmem_shared>>
      %dma_start3A_41 = arith.constant 0 : i32
      %dma_start3A_42 = tpu.memref_slice %arg12[%add3A_15, %dma_start3A_41] : memref<10000x128xf32, #tpu.memory_space<vmem_shared>> -> memref<80x128xf32, #tpu.memory_space<vmem_shared>>
      tpu.enqueue_dma source(%arg10 : memref<80x128xf32, #tpu.memory_space<vmem>>) target(%dma_start3A_42 : memref<80x128xf32, #tpu.memory_space<vmem_shared>>) target_semaphore(%run_scoped3A : memref<!tpu.dma_semaphore, #tpu.memory_space<semaphore_mem>>)
      %dma_wait3A = arith.constant 0 : i32
      %dma_wait3A_43 = tpu.memref_slice %arg12[%add3A_15, %dma_wait3A] : memref<10000x128xf32, #tpu.memory_space<vmem_shared>> -> memref<80x128xf32, #tpu.memory_space<vmem_shared>>
      %dma_wait3A_44 = arith.constant 0 : i32
      %dma_wait3A_45 = tpu.memref_slice %arg12[%add3A_15, %dma_wait3A_44] : memref<10000x128xf32, #tpu.memory_space<vmem_shared>> -> memref<80x128xf32, #tpu.memory_space<vmem_shared>>
      tpu.wait_dma2 semaphore(%run_scoped3A : memref<!tpu.dma_semaphore, #tpu.memory_space<semaphore_mem>>) src(%arg10 : memref<80x128xf32, #tpu.memory_space<vmem>>) dst(%dma_wait3A_45 : memref<80x128xf32, #tpu.memory_space<vmem_shared>>)
      tpu.yield
    }) : () -> ()
    %add3A_16 = arith.constant 320 : i32
    %add3A_17 = arith.addi %mul3A_2, %add3A_16 : i32
    "tpu.region"() ({
      %run_scoped3A = tpu.sem_alloc : memref<!tpu.dma_semaphore, #tpu.memory_space<semaphore_mem>>
      %dma_start3A = arith.constant 0 : i32
      %dma_start3A_40 = tpu.memref_slice %arg12[%add3A_17, %dma_start3A] : memref<10000x128xf32, #tpu.memory_space<vmem_shared>> -> memref<80x128xf32, #tpu.memory_space<vmem_shared>>
      %dma_start3A_41 = arith.constant 0 : i32
      %dma_start3A_42 = tpu.memref_slice %arg12[%add3A_17, %dma_start3A_41] : memref<10000x128xf32, #tpu.memory_space<vmem_shared>> -> memref<80x128xf32, #tpu.memory_space<vmem_shared>>
      tpu.enqueue_dma source(%arg10 : memref<80x128xf32, #tpu.memory_space<vmem>>) target(%dma_start3A_42 : memref<80x128xf32, #tpu.memory_space<vmem_shared>>) target_semaphore(%run_scoped3A : memref<!tpu.dma_semaphore, #tpu.memory_space<semaphore_mem>>)
      %dma_wait3A = arith.constant 0 : i32
      %dma_wait3A_43 = tpu.memref_slice %arg12[%add3A_17, %dma_wait3A] : memref<10000x128xf32, #tpu.memory_space<vmem_shared>> -> memref<80x128xf32, #tpu.memory_space<vmem_shared>>
      %dma_wait3A_44 = arith.constant 0 : i32
      %dma_wait3A_45 = tpu.memref_slice %arg12[%add3A_17, %dma_wait3A_44] : memref<10000x128xf32, #tpu.memory_space<vmem_shared>> -> memref<80x128xf32, #tpu.memory_space<vmem_shared>>
      tpu.wait_dma2 semaphore(%run_scoped3A : memref<!tpu.dma_semaphore, #tpu.memory_space<semaphore_mem>>) src(%arg10 : memref<80x128xf32, #tpu.memory_space<vmem>>) dst(%dma_wait3A_45 : memref<80x128xf32, #tpu.memory_space<vmem_shared>>)
      tpu.yield
    }) : () -> ()
    %add3A_18 = arith.constant 400 : i32
    %add3A_19 = arith.addi %mul3A_2, %add3A_18 : i32
    "tpu.region"() ({
      %run_scoped3A = tpu.sem_alloc : memref<!tpu.dma_semaphore, #tpu.memory_space<semaphore_mem>>
      %dma_start3A = arith.constant 0 : i32
      %dma_start3A_40 = tpu.memref_slice %arg12[%add3A_19, %dma_start3A] : memref<10000x128xf32, #tpu.memory_space<vmem_shared>> -> memref<80x128xf32, #tpu.memory_space<vmem_shared>>
      %dma_start3A_41 = arith.constant 0 : i32
      %dma_start3A_42 = tpu.memref_slice %arg12[%add3A_19, %dma_start3A_41] : memref<10000x128xf32, #tpu.memory_space<vmem_shared>> -> memref<80x128xf32, #tpu.memory_space<vmem_shared>>
      tpu.enqueue_dma source(%arg10 : memref<80x128xf32, #tpu.memory_space<vmem>>) target(%dma_start3A_42 : memref<80x128xf32, #tpu.memory_space<vmem_shared>>) target_semaphore(%run_scoped3A : memref<!tpu.dma_semaphore, #tpu.memory_space<semaphore_mem>>)
      %dma_wait3A = arith.constant 0 : i32
      %dma_wait3A_43 = tpu.memref_slice %arg12[%add3A_19, %dma_wait3A] : memref<10000x128xf32, #tpu.memory_space<vmem_shared>> -> memref<80x128xf32, #tpu.memory_space<vmem_shared>>
      %dma_wait3A_44 = arith.constant 0 : i32
      %dma_wait3A_45 = tpu.memref_slice %arg12[%add3A_19, %dma_wait3A_44] : memref<10000x128xf32, #tpu.memory_space<vmem_shared>> -> memref<80x128xf32, #tpu.memory_space<vmem_shared>>
      tpu.wait_dma2 semaphore(%run_scoped3A : memref<!tpu.dma_semaphore, #tpu.memory_space<semaphore_mem>>) src(%arg10 : memref<80x128xf32, #tpu.memory_space<vmem>>) dst(%dma_wait3A_45 : memref<80x128xf32, #tpu.memory_space<vmem_shared>>)
      tpu.yield
    }) : () -> ()
    %add3A_20 = arith.constant 480 : i32
    %add3A_21 = arith.addi %mul3A_2, %add3A_20 : i32
    "tpu.region"() ({
      %run_scoped3A = tpu.sem_alloc : memref<!tpu.dma_semaphore, #tpu.memory_space<semaphore_mem>>
      %dma_start3A = arith.constant 0 : i32
      %dma_start3A_40 = tpu.memref_slice %arg12[%add3A_21, %dma_start3A] : memref<10000x128xf32, #tpu.memory_space<vmem_shared>> -> memref<80x128xf32, #tpu.memory_space<vmem_shared>>
      %dma_start3A_41 = arith.constant 0 : i32
      %dma_start3A_42 = tpu.memref_slice %arg12[%add3A_21, %dma_start3A_41] : memref<10000x128xf32, #tpu.memory_space<vmem_shared>> -> memref<80x128xf32, #tpu.memory_space<vmem_shared>>
      tpu.enqueue_dma source(%arg10 : memref<80x128xf32, #tpu.memory_space<vmem>>) target(%dma_start3A_42 : memref<80x128xf32, #tpu.memory_space<vmem_shared>>) target_semaphore(%run_scoped3A : memref<!tpu.dma_semaphore, #tpu.memory_space<semaphore_mem>>)
      %dma_wait3A = arith.constant 0 : i32
      %dma_wait3A_43 = tpu.memref_slice %arg12[%add3A_21, %dma_wait3A] : memref<10000x128xf32, #tpu.memory_space<vmem_shared>> -> memref<80x128xf32, #tpu.memory_space<vmem_shared>>
      %dma_wait3A_44 = arith.constant 0 : i32
      %dma_wait3A_45 = tpu.memref_slice %arg12[%add3A_21, %dma_wait3A_44] : memref<10000x128xf32, #tpu.memory_space<vmem_shared>> -> memref<80x128xf32, #tpu.memory_space<vmem_shared>>
      tpu.wait_dma2 semaphore(%run_scoped3A : memref<!tpu.dma_semaphore, #tpu.memory_space<semaphore_mem>>) src(%arg10 : memref<80x128xf32, #tpu.memory_space<vmem>>) dst(%dma_wait3A_45 : memref<80x128xf32, #tpu.memory_space<vmem_shared>>)
      tpu.yield
    }) : () -> ()
    %add3A_22 = arith.constant 560 : i32
    %add3A_23 = arith.addi %mul3A_2, %add3A_22 : i32
    "tpu.region"() ({
      %run_scoped3A = tpu.sem_alloc : memref<!tpu.dma_semaphore, #tpu.memory_space<semaphore_mem>>
      %dma_start3A = arith.constant 0 : i32
      %dma_start3A_40 = arith.constant 0 : i32
      %dma_start3A_41 = tpu.memref_slice %arg10[%dma_start3A, %dma_start3A_40] : memref<80x128xf32, #tpu.memory_space<vmem>> -> memref<64x128xf32, #tpu.memory_space<vmem>>
      %dma_start3A_42 = arith.constant 0 : i32
      %dma_start3A_43 = tpu.memref_slice %arg12[%add3A_23, %dma_start3A_42] : memref<10000x128xf32, #tpu.memory_space<vmem_shared>> -> memref<64x128xf32, #tpu.memory_space<vmem_shared>>
      %dma_start3A_44 = arith.constant 0 : i32
      %dma_start3A_45 = tpu.memref_slice %arg12[%add3A_23, %dma_start3A_44] : memref<10000x128xf32, #tpu.memory_space<vmem_shared>> -> memref<64x128xf32, #tpu.memory_space<vmem_shared>>
      %dma_start3A_46 = arith.constant 0 : i32
      %dma_start3A_47 = arith.constant 0 : i32
      %dma_start3A_48 = tpu.memref_slice %arg10[%dma_start3A_46, %dma_start3A_47] : memref<80x128xf32, #tpu.memory_space<vmem>> -> memref<64x128xf32, #tpu.memory_space<vmem>>
      tpu.enqueue_dma source(%dma_start3A_48 : memref<64x128xf32, #tpu.memory_space<vmem>>) target(%dma_start3A_45 : memref<64x128xf32, #tpu.memory_space<vmem_shared>>) target_semaphore(%run_scoped3A : memref<!tpu.dma_semaphore, #tpu.memory_space<semaphore_mem>>)
      %dma_wait3A = arith.constant 0 : i32
      %dma_wait3A_49 = arith.constant 0 : i32
      %dma_wait3A_50 = tpu.memref_slice %arg10[%dma_wait3A, %dma_wait3A_49] : memref<80x128xf32, #tpu.memory_space<vmem>> -> memref<64x128xf32, #tpu.memory_space<vmem>>
      %dma_wait3A_51 = arith.constant 0 : i32
      %dma_wait3A_52 = tpu.memref_slice %arg12[%add3A_23, %dma_wait3A_51] : memref<10000x128xf32, #tpu.memory_space<vmem_shared>> -> memref<64x128xf32, #tpu.memory_space<vmem_shared>>
      %dma_wait3A_53 = arith.constant 0 : i32
      %dma_wait3A_54 = tpu.memref_slice %arg12[%add3A_23, %dma_wait3A_53] : memref<10000x128xf32, #tpu.memory_space<vmem_shared>> -> memref<64x128xf32, #tpu.memory_space<vmem_shared>>
      %dma_wait3A_55 = arith.constant 0 : i32
      %dma_wait3A_56 = arith.constant 0 : i32
      %dma_wait3A_57 = tpu.memref_slice %arg10[%dma_wait3A_55, %dma_wait3A_56] : memref<80x128xf32, #tpu.memory_space<vmem>> -> memref<64x128xf32, #tpu.memory_space<vmem>>
      tpu.wait_dma2 semaphore(%run_scoped3A : memref<!tpu.dma_semaphore, #tpu.memory_space<semaphore_mem>>) src(%dma_wait3A_57 : memref<64x128xf32, #tpu.memory_space<vmem>>) dst(%dma_wait3A_54 : memref<64x128xf32, #tpu.memory_space<vmem_shared>>)
      tpu.yield
    }) : () -> ()
    %eq3A = arith.constant 15 : i32
    %eq3A_24 = arith.cmpi eq, %arg1, %eq3A : i32
    %convert_element_type3A = arith.extui %eq3A_24 : i1 to i32
    %cond3A = arith.constant 0 : i32
    %cond3A_25 = arith.cmpi ne, %convert_element_type3A, %cond3A : i32
    scf.if %cond3A_25 {
      "tpu.region"() ({
        %run_scoped3A = tpu.sem_alloc : memref<!tpu.dma_semaphore, #tpu.memory_space<semaphore_mem>>
        %dma_start3A = arith.constant 0 : i32
        %dma_start3A_40 = arith.constant 0 : i32
        %dma_start3A_41 = tpu.memref_slice %arg10[%dma_start3A, %dma_start3A_40] : memref<80x128xf32, #tpu.memory_space<vmem>> -> memref<16x128xf32, #tpu.memory_space<vmem>>
        %dma_start3A_42 = arith.constant 9984 : i32
        %dma_start3A_43 = arith.constant 0 : i32
        %dma_start3A_44 = tpu.memref_slice %arg12[%dma_start3A_42, %dma_start3A_43] : memref<10000x128xf32, #tpu.memory_space<vmem_shared>> -> memref<16x128xf32, #tpu.memory_space<vmem_shared>>
        %dma_start3A_45 = arith.constant 9984 : i32
        %dma_start3A_46 = arith.constant 0 : i32
        %dma_start3A_47 = tpu.memref_slice %arg12[%dma_start3A_45, %dma_start3A_46] : memref<10000x128xf32, #tpu.memory_space<vmem_shared>> -> memref<16x128xf32, #tpu.memory_space<vmem_shared>>
        %dma_start3A_48 = arith.constant 0 : i32
        %dma_start3A_49 = arith.constant 0 : i32
        %dma_start3A_50 = tpu.memref_slice %arg10[%dma_start3A_48, %dma_start3A_49] : memref<80x128xf32, #tpu.memory_space<vmem>> -> memref<16x128xf32, #tpu.memory_space<vmem>>
        tpu.enqueue_dma source(%dma_start3A_50 : memref<16x128xf32, #tpu.memory_space<vmem>>) target(%dma_start3A_47 : memref<16x128xf32, #tpu.memory_space<vmem_shared>>) target_semaphore(%run_scoped3A : memref<!tpu.dma_semaphore, #tpu.memory_space<semaphore_mem>>)
        %dma_wait3A = arith.constant 0 : i32
        %dma_wait3A_51 = arith.constant 0 : i32
        %dma_wait3A_52 = tpu.memref_slice %arg10[%dma_wait3A, %dma_wait3A_51] : memref<80x128xf32, #tpu.memory_space<vmem>> -> memref<16x128xf32, #tpu.memory_space<vmem>>
        %dma_wait3A_53 = arith.constant 9984 : i32
        %dma_wait3A_54 = arith.constant 0 : i32
        %dma_wait3A_55 = tpu.memref_slice %arg12[%dma_wait3A_53, %dma_wait3A_54] : memref<10000x128xf32, #tpu.memory_space<vmem_shared>> -> memref<16x128xf32, #tpu.memory_space<vmem_shared>>
        %dma_wait3A_56 = arith.constant 9984 : i32
        %dma_wait3A_57 = arith.constant 0 : i32
        %dma_wait3A_58 = tpu.memref_slice %arg12[%dma_wait3A_56, %dma_wait3A_57] : memref<10000x128xf32, #tpu.memory_space<vmem_shared>> -> memref<16x128xf32, #tpu.memory_space<vmem_shared>>
        %dma_wait3A_59 = arith.constant 0 : i32
        %dma_wait3A_60 = arith.constant 0 : i32
        %dma_wait3A_61 = tpu.memref_slice %arg10[%dma_wait3A_59, %dma_wait3A_60] : memref<80x128xf32, #tpu.memory_space<vmem>> -> memref<16x128xf32, #tpu.memory_space<vmem>>
        tpu.wait_dma2 semaphore(%run_scoped3A : memref<!tpu.dma_semaphore, #tpu.memory_space<semaphore_mem>>) src(%dma_wait3A_61 : memref<16x128xf32, #tpu.memory_space<vmem>>) dst(%dma_wait3A_58 : memref<16x128xf32, #tpu.memory_space<vmem_shared>>)
        tpu.yield
      }) : () -> ()
    } else {
    }
    %barrier3A = arith.constant 0 : index
    tpu.barrier barrier_id(%barrier3A)
    %mul3A_26 = arith.constant 10000 : i32
    %mul3A_27 = arith.muli %add3A, %mul3A_26 : i32
    %scan3A_28 = arith.constant 0 : i32
    %scan3A_29 = arith.constant 0 : i32
    %scan3A_30 = arith.constant 125 : i32
    %scan3A_31 = arith.addi %scan3A_29, %scan3A_30 : i32
    %scan3A_32 = arith.constant 1 : i32
    scf.for %scan3A_40 = %scan3A_29 to %scan3A_31 step %scan3A_32  : i32 {
      %mul3A_41 = arith.constant 80 : i32
      %mul3A_42 = arith.muli %scan3A_40, %mul3A_41 : i32
      %add3A_43 = arith.addi %mul3A_27, %mul3A_42 : i32
      %dma_start3A = arith.constant 0 : i32
      %dma_start3A_44 = arith.constant 0 : i32
      %dma_start3A_45 = tpu.memref_slice %arg11[%dma_start3A, %dma_start3A_44] : memref<80x128xf32, #tpu.memory_space<vmem>> -> memref<40x128xf32, #tpu.memory_space<vmem>>
      %dma_start3A_46 = arith.constant 0 : i32
      %dma_start3A_47 = tpu.memref_slice %arg7[%scan3A_40, %dma_start3A_46] : memref<125x80xi32, #tpu.memory_space<vmem>> -> memref<1x40xi32, #tpu.memory_space<vmem>>
      %dma_start3A_48 = tpu.memref_squeeze %dma_start3A_47 : memref<1x40xi32, #tpu.memory_space<vmem>> -> memref<40xi32, #tpu.memory_space<vmem>>
      %dma_start3A_49 = arith.constant 0 : i32
      %dma_start3A_50 = arith.constant 0 : i32
      %dma_start3A_51 = tpu.memref_slice %arg2[%dma_start3A_49, %dma_start3A_50] : memref<10000x128xf32, #tpu.memory_space<hbm>> -> memref<10000x128xf32, #tpu.memory_space<hbm>>
      tpu.enqueue_indirect_dma source(%dma_start3A_51 : memref<10000x128xf32, #tpu.memory_space<hbm>>) target(%dma_start3A_45 : memref<40x128xf32, #tpu.memory_space<vmem>>) offsets(%dma_start3A_48 : memref<40xi32, #tpu.memory_space<vmem>>) semaphore(%arg13 : memref<!tpu.dma_semaphore, #tpu.memory_space<semaphore_mem>>)
      %dma_start3A_52 = arith.constant 40 : i32
      %dma_start3A_53 = arith.constant 0 : i32
      %dma_start3A_54 = tpu.memref_slice %arg11[%dma_start3A_52, %dma_start3A_53] : memref<80x128xf32, #tpu.memory_space<vmem>> -> memref<40x128xf32, #tpu.memory_space<vmem>>
      %dma_start3A_55 = arith.constant 40 : i32
      %dma_start3A_56 = tpu.memref_slice %arg7[%scan3A_40, %dma_start3A_55] : memref<125x80xi32, #tpu.memory_space<vmem>> -> memref<1x40xi32, #tpu.memory_space<vmem>>
      %dma_start3A_57 = tpu.memref_squeeze %dma_start3A_56 : memref<1x40xi32, #tpu.memory_space<vmem>> -> memref<40xi32, #tpu.memory_space<vmem>>
      %dma_start3A_58 = arith.constant 0 : i32
      %dma_start3A_59 = arith.constant 0 : i32
      %dma_start3A_60 = tpu.memref_slice %arg2[%dma_start3A_58, %dma_start3A_59] : memref<10000x128xf32, #tpu.memory_space<hbm>> -> memref<10000x128xf32, #tpu.memory_space<hbm>>
      tpu.enqueue_indirect_dma source(%dma_start3A_60 : memref<10000x128xf32, #tpu.memory_space<hbm>>) target(%dma_start3A_54 : memref<40x128xf32, #tpu.memory_space<vmem>>) offsets(%dma_start3A_57 : memref<40xi32, #tpu.memory_space<vmem>>) semaphore(%arg16 : memref<!tpu.dma_semaphore, #tpu.memory_space<semaphore_mem>>)
      %dma_start3A_61 = tpu.memref_slice %arg4[%add3A_43] : memref<320000xi32, #tpu.memory_space<hbm>> -> memref<40xi32, #tpu.memory_space<hbm>>
      %dma_start3A_62 = tpu.memref_slice %arg4[%add3A_43] : memref<320000xi32, #tpu.memory_space<hbm>> -> memref<40xi32, #tpu.memory_space<hbm>>
      tpu.enqueue_dma source(%dma_start3A_62 : memref<40xi32, #tpu.memory_space<hbm>>) target(%arg8 : memref<40xi32, #tpu.memory_space<vmem>>) target_semaphore(%arg18 : memref<!tpu.dma_semaphore, #tpu.memory_space<semaphore_mem>>)
      %add3A_63 = arith.constant 40 : i32
      %add3A_64 = arith.addi %add3A_43, %add3A_63 : i32
      %dma_start3A_65 = tpu.memref_slice %arg4[%add3A_64] : memref<320000xi32, #tpu.memory_space<hbm>> -> memref<40xi32, #tpu.memory_space<hbm>>
      %dma_start3A_66 = tpu.memref_slice %arg4[%add3A_64] : memref<320000xi32, #tpu.memory_space<hbm>> -> memref<40xi32, #tpu.memory_space<hbm>>
      tpu.enqueue_dma source(%dma_start3A_66 : memref<40xi32, #tpu.memory_space<hbm>>) target(%arg9 : memref<40xi32, #tpu.memory_space<vmem>>) target_semaphore(%arg19 : memref<!tpu.dma_semaphore, #tpu.memory_space<semaphore_mem>>)
      %dma_start3A_67 = arith.constant 0 : i32
      %dma_start3A_68 = arith.constant 0 : i32
      %dma_start3A_69 = tpu.memref_slice %arg10[%dma_start3A_67, %dma_start3A_68] : memref<80x128xf32, #tpu.memory_space<vmem>> -> memref<40x128xf32, #tpu.memory_space<vmem>>
      %dma_start3A_70 = arith.constant 0 : i32
      %dma_start3A_71 = tpu.memref_slice %arg5[%add3A_43, %dma_start3A_70] : memref<320000x128xf32, #tpu.memory_space<hbm>> -> memref<40x128xf32, #tpu.memory_space<hbm>>
      %dma_start3A_72 = arith.constant 0 : i32
      %dma_start3A_73 = arith.constant 0 : i32
      %dma_start3A_74 = tpu.memref_slice %arg10[%dma_start3A_72, %dma_start3A_73] : memref<80x128xf32, #tpu.memory_space<vmem>> -> memref<40x128xf32, #tpu.memory_space<vmem>>
      %dma_start3A_75 = arith.constant 0 : i32
      %dma_start3A_76 = tpu.memref_slice %arg5[%add3A_43, %dma_start3A_75] : memref<320000x128xf32, #tpu.memory_space<hbm>> -> memref<40x128xf32, #tpu.memory_space<hbm>>
      tpu.enqueue_dma source(%dma_start3A_76 : memref<40x128xf32, #tpu.memory_space<hbm>>) target(%dma_start3A_74 : memref<40x128xf32, #tpu.memory_space<vmem>>) target_semaphore(%arg14 : memref<!tpu.dma_semaphore, #tpu.memory_space<semaphore_mem>>)
      %add3A_77 = arith.constant 40 : i32
      %add3A_78 = arith.addi %add3A_43, %add3A_77 : i32
      %dma_start3A_79 = arith.constant 40 : i32
      %dma_start3A_80 = arith.constant 0 : i32
      %dma_start3A_81 = tpu.memref_slice %arg10[%dma_start3A_79, %dma_start3A_80] : memref<80x128xf32, #tpu.memory_space<vmem>> -> memref<40x128xf32, #tpu.memory_space<vmem>>
      %dma_start3A_82 = arith.constant 0 : i32
      %dma_start3A_83 = tpu.memref_slice %arg5[%add3A_78, %dma_start3A_82] : memref<320000x128xf32, #tpu.memory_space<hbm>> -> memref<40x128xf32, #tpu.memory_space<hbm>>
      %dma_start3A_84 = arith.constant 40 : i32
      %dma_start3A_85 = arith.constant 0 : i32
      %dma_start3A_86 = tpu.memref_slice %arg10[%dma_start3A_84, %dma_start3A_85] : memref<80x128xf32, #tpu.memory_space<vmem>> -> memref<40x128xf32, #tpu.memory_space<vmem>>
      %dma_start3A_87 = arith.constant 0 : i32
      %dma_start3A_88 = tpu.memref_slice %arg5[%add3A_78, %dma_start3A_87] : memref<320000x128xf32, #tpu.memory_space<hbm>> -> memref<40x128xf32, #tpu.memory_space<hbm>>
      tpu.enqueue_dma source(%dma_start3A_88 : memref<40x128xf32, #tpu.memory_space<hbm>>) target(%dma_start3A_86 : memref<40x128xf32, #tpu.memory_space<vmem>>) target_semaphore(%arg15 : memref<!tpu.dma_semaphore, #tpu.memory_space<semaphore_mem>>)
      %dma_wait3A = arith.constant 0 : i32
      %dma_wait3A_89 = arith.constant 0 : i32
      %dma_wait3A_90 = tpu.memref_slice %arg10[%dma_wait3A, %dma_wait3A_89] : memref<80x128xf32, #tpu.memory_space<vmem>> -> memref<40x128xf32, #tpu.memory_space<vmem>>
      %dma_wait3A_91 = arith.constant 0 : i32
      %dma_wait3A_92 = tpu.memref_slice %arg5[%add3A_43, %dma_wait3A_91] : memref<320000x128xf32, #tpu.memory_space<hbm>> -> memref<40x128xf32, #tpu.memory_space<hbm>>
      %dma_wait3A_93 = arith.constant 0 : i32
      %dma_wait3A_94 = arith.constant 0 : i32
      %dma_wait3A_95 = tpu.memref_slice %arg10[%dma_wait3A_93, %dma_wait3A_94] : memref<80x128xf32, #tpu.memory_space<vmem>> -> memref<40x128xf32, #tpu.memory_space<vmem>>
      %dma_wait3A_96 = arith.constant 0 : i32
      %dma_wait3A_97 = tpu.memref_slice %arg5[%add3A_43, %dma_wait3A_96] : memref<320000x128xf32, #tpu.memory_space<hbm>> -> memref<40x128xf32, #tpu.memory_space<hbm>>
      tpu.wait_dma2 semaphore(%arg14 : memref<!tpu.dma_semaphore, #tpu.memory_space<semaphore_mem>>) src(%dma_wait3A_97 : memref<40x128xf32, #tpu.memory_space<hbm>>) dst(%dma_wait3A_95 : memref<40x128xf32, #tpu.memory_space<vmem>>)
      %dma_wait3A_98 = arith.constant 0 : i32
      %dma_wait3A_99 = arith.constant 0 : i32
      %dma_wait3A_100 = tpu.memref_slice %arg11[%dma_wait3A_98, %dma_wait3A_99] : memref<80x128xf32, #tpu.memory_space<vmem>> -> memref<40x128xf32, #tpu.memory_space<vmem>>
      %dma_wait3A_101 = arith.constant 0 : i32
      %dma_wait3A_102 = tpu.memref_slice %arg7[%scan3A_40, %dma_wait3A_101] : memref<125x80xi32, #tpu.memory_space<vmem>> -> memref<1x40xi32, #tpu.memory_space<vmem>>
      %dma_wait3A_103 = tpu.memref_squeeze %dma_wait3A_102 : memref<1x40xi32, #tpu.memory_space<vmem>> -> memref<40xi32, #tpu.memory_space<vmem>>
      %dma_wait3A_104 = arith.constant 0 : i32
      %dma_wait3A_105 = arith.constant 0 : i32
      %dma_wait3A_106 = tpu.memref_slice %arg2[%dma_wait3A_104, %dma_wait3A_105] : memref<10000x128xf32, #tpu.memory_space<hbm>> -> memref<10000x128xf32, #tpu.memory_space<hbm>>
      tpu.wait_indirect_dma semaphore(%arg13 : memref<!tpu.dma_semaphore, #tpu.memory_space<semaphore_mem>>) src(%dma_wait3A_106 : memref<10000x128xf32, #tpu.memory_space<hbm>>) dst(%dma_wait3A_100 : memref<40x128xf32, #tpu.memory_space<vmem>>)
      %scan3A_107 = arith.constant 0 : i32
      %scan3A_108 = arith.constant 0 : i32
      %scan3A_109 = arith.constant 40 : i32
      %scan3A_110 = arith.addi %scan3A_108, %scan3A_109 : i32
      %scan3A_111 = arith.constant 1 : i32
      scf.for %scan3A_170 = %scan3A_108 to %scan3A_110 step %scan3A_111  : i32 {
        %get3A = arith.index_cast %scan3A_170 : i32 to index
        %get3A_171 = arith.constant 0 : index
        %get3A_172 = tpu.vector_load %arg10[%get3A, %get3A_171] {strides = array<i32>} : memref<80x128xf32, #tpu.memory_space<vmem>>, vector<1x16xf32>,
        %get3A_173 = vector.shape_cast %get3A_172 : vector<1x16xf32> to vector<16xf32>
        %get3A_174 = arith.index_cast %scan3A_170 : i32 to index
        %get3A_175 = arith.constant 0 : index
        %get3A_176 = tpu.vector_load %arg11[%get3A_174, %get3A_175] {strides = array<i32>} : memref<80x128xf32, #tpu.memory_space<vmem>>, vector<1x16xf32>,
        %get3A_177 = vector.shape_cast %get3A_176 : vector<1x16xf32> to vector<16xf32>
        %add3A_178 = arith.addf %get3A_173, %get3A_177 : vector<16xf32>
        %max3A = arith.constant 0.000000e+00 : f32
        %max3A_179 = vector.broadcast %max3A : f32 to vector<16xf32>
        %max3A_180 = arith.maximumf %add3A_178, %max3A_179 : vector<16xf32>
        %swap3A = arith.index_cast %scan3A_170 : i32 to index
        %swap3A_181 = arith.constant 0 : index
        %swap3A_182 = tpu.vector_load %arg10[%swap3A, %swap3A_181] {strides = array<i32>} : memref<80x128xf32, #tpu.memory_space<vmem>>, vector<1x16xf32>,
        %swap3A_183 = vector.shape_cast %swap3A_182 : vector<1x16xf32> to vector<16xf32>
        %swap3A_184 = vector.shape_cast %max3A_180 : vector<16xf32> to vector<1x16xf32>
        tpu.vector_store %arg10[%swap3A, %swap3A_181], %swap3A_184 {strides = array<i32>} : memref<80x128xf32, #tpu.memory_space<vmem>>, vector<1x16xf32>,
        %get3A_185 = arith.index_cast %scan3A_170 : i32 to index
        %get3A_186 = arith.constant 16 : index
        %get3A_187 = tpu.vector_load %arg10[%get3A_185, %get3A_186] {strides = array<i32>} : memref<80x128xf32, #tpu.memory_space<vmem>>, vector<1x16xf32>,
        %get3A_188 = vector.shape_cast %get3A_187 : vector<1x16xf32> to vector<16xf32>
        %get3A_189 = arith.index_cast %scan3A_170 : i32 to index
        %get3A_190 = arith.constant 16 : index
        %get3A_191 = tpu.vector_load %arg11[%get3A_189, %get3A_190] {strides = array<i32>} : memref<80x128xf32, #tpu.memory_space<vmem>>, vector<1x16xf32>,
        %get3A_192 = vector.shape_cast %get3A_191 : vector<1x16xf32> to vector<16xf32>
        %add3A_193 = arith.addf %get3A_188, %get3A_192 : vector<16xf32>
        %max3A_194 = arith.constant 0.000000e+00 : f32
        %max3A_195 = vector.broadcast %max3A_194 : f32 to vector<16xf32>
        %max3A_196 = arith.maximumf %add3A_193, %max3A_195 : vector<16xf32>
        %swap3A_197 = arith.index_cast %scan3A_170 : i32 to index
        %swap3A_198 = arith.constant 16 : index
        %swap3A_199 = tpu.vector_load %arg10[%swap3A_197, %swap3A_198] {strides = array<i32>} : memref<80x128xf32, #tpu.memory_space<vmem>>, vector<1x16xf32>,
        %swap3A_200 = vector.shape_cast %swap3A_199 : vector<1x16xf32> to vector<16xf32>
        %swap3A_201 = vector.shape_cast %max3A_196 : vector<16xf32> to vector<1x16xf32>
        tpu.vector_store %arg10[%swap3A_197, %swap3A_198], %swap3A_201 {strides = array<i32>} : memref<80x128xf32, #tpu.memory_space<vmem>>, vector<1x16xf32>,
        %get3A_202 = arith.index_cast %scan3A_170 : i32 to index
        %get3A_203 = arith.constant 32 : index
        %get3A_204 = tpu.vector_load %arg10[%get3A_202, %get3A_203] {strides = array<i32>} : memref<80x128xf32, #tpu.memory_space<vmem>>, vector<1x16xf32>,
        %get3A_205 = vector.shape_cast %get3A_204 : vector<1x16xf32> to vector<16xf32>
        %get3A_206 = arith.index_cast %scan3A_170 : i32 to index
        %get3A_207 = arith.constant 32 : index
        %get3A_208 = tpu.vector_load %arg11[%get3A_206, %get3A_207] {strides = array<i32>} : memref<80x128xf32, #tpu.memory_space<vmem>>, vector<1x16xf32>,
        %get3A_209 = vector.shape_cast %get3A_208 : vector<1x16xf32> to vector<16xf32>
        %add3A_210 = arith.addf %get3A_205, %get3A_209 : vector<16xf32>
        %max3A_211 = arith.constant 0.000000e+00 : f32
        %max3A_212 = vector.broadcast %max3A_211 : f32 to vector<16xf32>
        %max3A_213 = arith.maximumf %add3A_210, %max3A_212 : vector<16xf32>
        %swap3A_214 = arith.index_cast %scan3A_170 : i32 to index
        %swap3A_215 = arith.constant 32 : index
        %swap3A_216 = tpu.vector_load %arg10[%swap3A_214, %swap3A_215] {strides = array<i32>} : memref<80x128xf32, #tpu.memory_space<vmem>>, vector<1x16xf32>,
        %swap3A_217 = vector.shape_cast %swap3A_216 : vector<1x16xf32> to vector<16xf32>
        %swap3A_218 = vector.shape_cast %max3A_213 : vector<16xf32> to vector<1x16xf32>
        tpu.vector_store %arg10[%swap3A_214, %swap3A_215], %swap3A_218 {strides = array<i32>} : memref<80x128xf32, #tpu.memory_space<vmem>>, vector<1x16xf32>,
        %get3A_219 = arith.index_cast %scan3A_170 : i32 to index
        %get3A_220 = arith.constant 48 : index
        %get3A_221 = tpu.vector_load %arg10[%get3A_219, %get3A_220] {strides = array<i32>} : memref<80x128xf32, #tpu.memory_space<vmem>>, vector<1x16xf32>,
        %get3A_222 = vector.shape_cast %get3A_221 : vector<1x16xf32> to vector<16xf32>
        %get3A_223 = arith.index_cast %scan3A_170 : i32 to index
        %get3A_224 = arith.constant 48 : index
        %get3A_225 = tpu.vector_load %arg11[%get3A_223, %get3A_224] {strides = array<i32>} : memref<80x128xf32, #tpu.memory_space<vmem>>, vector<1x16xf32>,
        %get3A_226 = vector.shape_cast %get3A_225 : vector<1x16xf32> to vector<16xf32>
        %add3A_227 = arith.addf %get3A_222, %get3A_226 : vector<16xf32>
        %max3A_228 = arith.constant 0.000000e+00 : f32
        %max3A_229 = vector.broadcast %max3A_228 : f32 to vector<16xf32>
        %max3A_230 = arith.maximumf %add3A_227, %max3A_229 : vector<16xf32>
        %swap3A_231 = arith.index_cast %scan3A_170 : i32 to index
        %swap3A_232 = arith.constant 48 : index
        %swap3A_233 = tpu.vector_load %arg10[%swap3A_231, %swap3A_232] {strides = array<i32>} : memref<80x128xf32, #tpu.memory_space<vmem>>, vector<1x16xf32>,
        %swap3A_234 = vector.shape_cast %swap3A_233 : vector<1x16xf32> to vector<16xf32>
        %swap3A_235 = vector.shape_cast %max3A_230 : vector<16xf32> to vector<1x16xf32>
        tpu.vector_store %arg10[%swap3A_231, %swap3A_232], %swap3A_235 {strides = array<i32>} : memref<80x128xf32, #tpu.memory_space<vmem>>, vector<1x16xf32>,
        %get3A_236 = arith.index_cast %scan3A_170 : i32 to index
        %get3A_237 = arith.constant 64 : index
        %get3A_238 = tpu.vector_load %arg10[%get3A_236, %get3A_237] {strides = array<i32>} : memref<80x128xf32, #tpu.memory_space<vmem>>, vector<1x16xf32>,
        %get3A_239 = vector.shape_cast %get3A_238 : vector<1x16xf32> to vector<16xf32>
        %get3A_240 = arith.index_cast %scan3A_170 : i32 to index
        %get3A_241 = arith.constant 64 : index
        %get3A_242 = tpu.vector_load %arg11[%get3A_240, %get3A_241] {strides = array<i32>} : memref<80x128xf32, #tpu.memory_space<vmem>>, vector<1x16xf32>,
        %get3A_243 = vector.shape_cast %get3A_242 : vector<1x16xf32> to vector<16xf32>
        %add3A_244 = arith.addf %get3A_239, %get3A_243 : vector<16xf32>
        %max3A_245 = arith.constant 0.000000e+00 : f32
        %max3A_246 = vector.broadcast %max3A_245 : f32 to vector<16xf32>
        %max3A_247 = arith.maximumf %add3A_244, %max3A_246 : vector<16xf32>
        %swap3A_248 = arith.index_cast %scan3A_170 : i32 to index
        %swap3A_249 = arith.constant 64 : index
        %swap3A_250 = tpu.vector_load %arg10[%swap3A_248, %swap3A_249] {strides = array<i32>} : memref<80x128xf32, #tpu.memory_space<vmem>>, vector<1x16xf32>,
        %swap3A_251 = vector.shape_cast %swap3A_250 : vector<1x16xf32> to vector<16xf32>
        %swap3A_252 = vector.shape_cast %max3A_247 : vector<16xf32> to vector<1x16xf32>
        tpu.vector_store %arg10[%swap3A_248, %swap3A_249], %swap3A_252 {strides = array<i32>} : memref<80x128xf32, #tpu.memory_space<vmem>>, vector<1x16xf32>,
        %get3A_253 = arith.index_cast %scan3A_170 : i32 to index
        %get3A_254 = arith.constant 80 : index
        %get3A_255 = tpu.vector_load %arg10[%get3A_253, %get3A_254] {strides = array<i32>} : memref<80x128xf32, #tpu.memory_space<vmem>>, vector<1x16xf32>,
        %get3A_256 = vector.shape_cast %get3A_255 : vector<1x16xf32> to vector<16xf32>
        %get3A_257 = arith.index_cast %scan3A_170 : i32 to index
        %get3A_258 = arith.constant 80 : index
        %get3A_259 = tpu.vector_load %arg11[%get3A_257, %get3A_258] {strides = array<i32>} : memref<80x128xf32, #tpu.memory_space<vmem>>, vector<1x16xf32>,
        %get3A_260 = vector.shape_cast %get3A_259 : vector<1x16xf32> to vector<16xf32>
        %add3A_261 = arith.addf %get3A_256, %get3A_260 : vector<16xf32>
        %max3A_262 = arith.constant 0.000000e+00 : f32
        %max3A_263 = vector.broadcast %max3A_262 : f32 to vector<16xf32>
        %max3A_264 = arith.maximumf %add3A_261, %max3A_263 : vector<16xf32>
        %swap3A_265 = arith.index_cast %scan3A_170 : i32 to index
        %swap3A_266 = arith.constant 80 : index
        %swap3A_267 = tpu.vector_load %arg10[%swap3A_265, %swap3A_266] {strides = array<i32>} : memref<80x128xf32, #tpu.memory_space<vmem>>, vector<1x16xf32>,
        %swap3A_268 = vector.shape_cast %swap3A_267 : vector<1x16xf32> to vector<16xf32>
        %swap3A_269 = vector.shape_cast %max3A_264 : vector<16xf32> to vector<1x16xf32>
        tpu.vector_store %arg10[%swap3A_265, %swap3A_266], %swap3A_269 {strides = array<i32>} : memref<80x128xf32, #tpu.memory_space<vmem>>, vector<1x16xf32>,
        %get3A_270 = arith.index_cast %scan3A_170 : i32 to index
        %get3A_271 = arith.constant 96 : index
        %get3A_272 = tpu.vector_load %arg10[%get3A_270, %get3A_271] {strides = array<i32>} : memref<80x128xf32, #tpu.memory_space<vmem>>, vector<1x16xf32>,
        %get3A_273 = vector.shape_cast %get3A_272 : vector<1x16xf32> to vector<16xf32>
        %get3A_274 = arith.index_cast %scan3A_170 : i32 to index
        %get3A_275 = arith.constant 96 : index
        %get3A_276 = tpu.vector_load %arg11[%get3A_274, %get3A_275] {strides = array<i32>} : memref<80x128xf32, #tpu.memory_space<vmem>>, vector<1x16xf32>,
        %get3A_277 = vector.shape_cast %get3A_276 : vector<1x16xf32> to vector<16xf32>
        %add3A_278 = arith.addf %get3A_273, %get3A_277 : vector<16xf32>
        %max3A_279 = arith.constant 0.000000e+00 : f32
        %max3A_280 = vector.broadcast %max3A_279 : f32 to vector<16xf32>
        %max3A_281 = arith.maximumf %add3A_278, %max3A_280 : vector<16xf32>
        %swap3A_282 = arith.index_cast %scan3A_170 : i32 to index
        %swap3A_283 = arith.constant 96 : index
        %swap3A_284 = tpu.vector_load %arg10[%swap3A_282, %swap3A_283] {strides = array<i32>} : memref<80x128xf32, #tpu.memory_space<vmem>>, vector<1x16xf32>,
        %swap3A_285 = vector.shape_cast %swap3A_284 : vector<1x16xf32> to vector<16xf32>
        %swap3A_286 = vector.shape_cast %max3A_281 : vector<16xf32> to vector<1x16xf32>
        tpu.vector_store %arg10[%swap3A_282, %swap3A_283], %swap3A_286 {strides = array<i32>} : memref<80x128xf32, #tpu.memory_space<vmem>>, vector<1x16xf32>,
        %get3A_287 = arith.index_cast %scan3A_170 : i32 to index
        %get3A_288 = arith.constant 112 : index
        %get3A_289 = tpu.vector_load %arg10[%get3A_287, %get3A_288] {strides = array<i32>} : memref<80x128xf32, #tpu.memory_space<vmem>>, vector<1x16xf32>,
        %get3A_290 = vector.shape_cast %get3A_289 : vector<1x16xf32> to vector<16xf32>
        %get3A_291 = arith.index_cast %scan3A_170 : i32 to index
        %get3A_292 = arith.constant 112 : index
        %get3A_293 = tpu.vector_load %arg11[%get3A_291, %get3A_292] {strides = array<i32>} : memref<80x128xf32, #tpu.memory_space<vmem>>, vector<1x16xf32>,
        %get3A_294 = vector.shape_cast %get3A_293 : vector<1x16xf32> to vector<16xf32>
        %add3A_295 = arith.addf %get3A_290, %get3A_294 : vector<16xf32>
        %max3A_296 = arith.constant 0.000000e+00 : f32
        %max3A_297 = vector.broadcast %max3A_296 : f32 to vector<16xf32>
        %max3A_298 = arith.maximumf %add3A_295, %max3A_297 : vector<16xf32>
        %swap3A_299 = arith.index_cast %scan3A_170 : i32 to index
        %swap3A_300 = arith.constant 112 : index
        %swap3A_301 = tpu.vector_load %arg10[%swap3A_299, %swap3A_300] {strides = array<i32>} : memref<80x128xf32, #tpu.memory_space<vmem>>, vector<1x16xf32>,
        %swap3A_302 = vector.shape_cast %swap3A_301 : vector<1x16xf32> to vector<16xf32>
        %swap3A_303 = vector.shape_cast %max3A_298 : vector<16xf32> to vector<1x16xf32>
        tpu.vector_store %arg10[%swap3A_299, %swap3A_300], %swap3A_303 {strides = array<i32>} : memref<80x128xf32, #tpu.memory_space<vmem>>, vector<1x16xf32>,
      }
      %scan3A_112 = arith.constant 40 : i32
      %dma_wait3A_113 = tpu.memref_slice %arg4[%add3A_43] : memref<320000xi32, #tpu.memory_space<hbm>> -> memref<40xi32, #tpu.memory_space<hbm>>
      %dma_wait3A_114 = tpu.memref_slice %arg4[%add3A_43] : memref<320000xi32, #tpu.memory_space<hbm>> -> memref<40xi32, #tpu.memory_space<hbm>>
      tpu.wait_dma2 semaphore(%arg18 : memref<!tpu.dma_semaphore, #tpu.memory_space<semaphore_mem>>) src(%dma_wait3A_114 : memref<40xi32, #tpu.memory_space<hbm>>) dst(%arg8 : memref<40xi32, #tpu.memory_space<vmem>>)
      %dma_start3A_115 = arith.constant 0 : i32
      %dma_start3A_116 = arith.constant 0 : i32
      %dma_start3A_117 = tpu.memref_slice %arg10[%dma_start3A_115, %dma_start3A_116] : memref<80x128xf32, #tpu.memory_space<vmem>> -> memref<40x128xf32, #tpu.memory_space<vmem>>
      %dma_start3A_118 = arith.constant 0 : i32
      %dma_start3A_119 = arith.constant 0 : i32
      %dma_start3A_120 = tpu.memref_slice %arg12[%dma_start3A_118, %dma_start3A_119] : memref<10000x128xf32, #tpu.memory_space<vmem_shared>> -> memref<10000x128xf32, #tpu.memory_space<vmem_shared>>
      tpu.enqueue_indirect_dma source(%dma_start3A_117 : memref<40x128xf32, #tpu.memory_space<vmem>>) target(%dma_start3A_120 : memref<10000x128xf32, #tpu.memory_space<vmem_shared>>) offsets(%arg8 : memref<40xi32, #tpu.memory_space<vmem>>) semaphore(%arg20 : memref<!tpu.dma_semaphore, #tpu.memory_space<semaphore_mem>>) {add = true}
      %add3A_121 = arith.constant 40 : i32
      %add3A_122 = arith.addi %add3A_43, %add3A_121 : i32
      %dma_wait3A_123 = arith.constant 40 : i32
      %dma_wait3A_124 = arith.constant 0 : i32
      %dma_wait3A_125 = tpu.memref_slice %arg10[%dma_wait3A_123, %dma_wait3A_124] : memref<80x128xf32, #tpu.memory_space<vmem>> -> memref<40x128xf32, #tpu.memory_space<vmem>>
      %dma_wait3A_126 = arith.constant 0 : i32
      %dma_wait3A_127 = tpu.memref_slice %arg5[%add3A_122, %dma_wait3A_126] : memref<320000x128xf32, #tpu.memory_space<hbm>> -> memref<40x128xf32, #tpu.memory_space<hbm>>
      %dma_wait3A_128 = arith.constant 40 : i32
      %dma_wait3A_129 = arith.constant 0 : i32
      %dma_wait3A_130 = tpu.memref_slice %arg10[%dma_wait3A_128, %dma_wait3A_129] : memref<80x128xf32, #tpu.memory_space<vmem>> -> memref<40x128xf32, #tpu.memory_space<vmem>>
      %dma_wait3A_131 = arith.constant 0 : i32
      %dma_wait3A_132 = tpu.memref_slice %arg5[%add3A_122, %dma_wait3A_131] : memref<320000x128xf32, #tpu.memory_space<hbm>> -> memref<40x128xf32, #tpu.memory_space<hbm>>
      tpu.wait_dma2 semaphore(%arg15 : memref<!tpu.dma_semaphore, #tpu.memory_space<semaphore_mem>>) src(%dma_wait3A_132 : memref<40x128xf32, #tpu.memory_space<hbm>>) dst(%dma_wait3A_130 : memref<40x128xf32, #tpu.memory_space<vmem>>)
      %dma_wait3A_133 = arith.constant 40 : i32
      %dma_wait3A_134 = arith.constant 0 : i32
      %dma_wait3A_135 = tpu.memref_slice %arg11[%dma_wait3A_133, %dma_wait3A_134] : memref<80x128xf32, #tpu.memory_space<vmem>> -> memref<40x128xf32, #tpu.memory_space<vmem>>
      %dma_wait3A_136 = arith.constant 40 : i32
      %dma_wait3A_137 = tpu.memref_slice %arg7[%scan3A_40, %dma_wait3A_136] : memref<125x80xi32, #tpu.memory_space<vmem>> -> memref<1x40xi32, #tpu.memory_space<vmem>>
      %dma_wait3A_138 = tpu.memref_squeeze %dma_wait3A_137 : memref<1x40xi32, #tpu.memory_space<vmem>> -> memref<40xi32, #tpu.memory_space<vmem>>
      %dma_wait3A_139 = arith.constant 0 : i32
      %dma_wait3A_140 = arith.constant 0 : i32
      %dma_wait3A_141 = tpu.memref_slice %arg2[%dma_wait3A_139, %dma_wait3A_140] : memref<10000x128xf32, #tpu.memory_space<hbm>> -> memref<10000x128xf32, #tpu.memory_space<hbm>>
      tpu.wait_indirect_dma semaphore(%arg16 : memref<!tpu.dma_semaphore, #tpu.memory_space<semaphore_mem>>) src(%dma_wait3A_141 : memref<10000x128xf32, #tpu.memory_space<hbm>>) dst(%dma_wait3A_135 : memref<40x128xf32, #tpu.memory_space<vmem>>)
      %scan3A_142 = arith.constant 0 : i32
      %scan3A_143 = arith.constant 40 : i32
      %scan3A_144 = arith.constant 40 : i32
      %scan3A_145 = arith.addi %scan3A_143, %scan3A_144 : i32
      %scan3A_146 = arith.constant 1 : i32
      scf.for %scan3A_170 = %scan3A_143 to %scan3A_145 step %scan3A_146  : i32 {
        %get3A = arith.index_cast %scan3A_170 : i32 to index
        %get3A_171 = arith.constant 0 : index
        %get3A_172 = tpu.vector_load %arg10[%get3A, %get3A_171] {strides = array<i32>} : memref<80x128xf32, #tpu.memory_space<vmem>>, vector<1x16xf32>,
        %get3A_173 = vector.shape_cast %get3A_172 : vector<1x16xf32> to vector<16xf32>
        %get3A_174 = arith.index_cast %scan3A_170 : i32 to index
        %get3A_175 = arith.constant 0 : index
        %get3A_176 = tpu.vector_load %arg11[%get3A_174, %get3A_175] {strides = array<i32>} : memref<80x128xf32, #tpu.memory_space<vmem>>, vector<1x16xf32>,
        %get3A_177 = vector.shape_cast %get3A_176 : vector<1x16xf32> to vector<16xf32>
        %add3A_178 = arith.addf %get3A_173, %get3A_177 : vector<16xf32>
        %max3A = arith.constant 0.000000e+00 : f32
        %max3A_179 = vector.broadcast %max3A : f32 to vector<16xf32>
        %max3A_180 = arith.maximumf %add3A_178, %max3A_179 : vector<16xf32>
        %swap3A = arith.index_cast %scan3A_170 : i32 to index
        %swap3A_181 = arith.constant 0 : index
        %swap3A_182 = tpu.vector_load %arg10[%swap3A, %swap3A_181] {strides = array<i32>} : memref<80x128xf32, #tpu.memory_space<vmem>>, vector<1x16xf32>,
        %swap3A_183 = vector.shape_cast %swap3A_182 : vector<1x16xf32> to vector<16xf32>
        %swap3A_184 = vector.shape_cast %max3A_180 : vector<16xf32> to vector<1x16xf32>
        tpu.vector_store %arg10[%swap3A, %swap3A_181], %swap3A_184 {strides = array<i32>} : memref<80x128xf32, #tpu.memory_space<vmem>>, vector<1x16xf32>,
        %get3A_185 = arith.index_cast %scan3A_170 : i32 to index
        %get3A_186 = arith.constant 16 : index
        %get3A_187 = tpu.vector_load %arg10[%get3A_185, %get3A_186] {strides = array<i32>} : memref<80x128xf32, #tpu.memory_space<vmem>>, vector<1x16xf32>,
        %get3A_188 = vector.shape_cast %get3A_187 : vector<1x16xf32> to vector<16xf32>
        %get3A_189 = arith.index_cast %scan3A_170 : i32 to index
        %get3A_190 = arith.constant 16 : index
        %get3A_191 = tpu.vector_load %arg11[%get3A_189, %get3A_190] {strides = array<i32>} : memref<80x128xf32, #tpu.memory_space<vmem>>, vector<1x16xf32>,
        %get3A_192 = vector.shape_cast %get3A_191 : vector<1x16xf32> to vector<16xf32>
        %add3A_193 = arith.addf %get3A_188, %get3A_192 : vector<16xf32>
        %max3A_194 = arith.constant 0.000000e+00 : f32
        %max3A_195 = vector.broadcast %max3A_194 : f32 to vector<16xf32>
        %max3A_196 = arith.maximumf %add3A_193, %max3A_195 : vector<16xf32>
        %swap3A_197 = arith.index_cast %scan3A_170 : i32 to index
        %swap3A_198 = arith.constant 16 : index
        %swap3A_199 = tpu.vector_load %arg10[%swap3A_197, %swap3A_198] {strides = array<i32>} : memref<80x128xf32, #tpu.memory_space<vmem>>, vector<1x16xf32>,
        %swap3A_200 = vector.shape_cast %swap3A_199 : vector<1x16xf32> to vector<16xf32>
        %swap3A_201 = vector.shape_cast %max3A_196 : vector<16xf32> to vector<1x16xf32>
        tpu.vector_store %arg10[%swap3A_197, %swap3A_198], %swap3A_201 {strides = array<i32>} : memref<80x128xf32, #tpu.memory_space<vmem>>, vector<1x16xf32>,
        %get3A_202 = arith.index_cast %scan3A_170 : i32 to index
        %get3A_203 = arith.constant 32 : index
        %get3A_204 = tpu.vector_load %arg10[%get3A_202, %get3A_203] {strides = array<i32>} : memref<80x128xf32, #tpu.memory_space<vmem>>, vector<1x16xf32>,
        %get3A_205 = vector.shape_cast %get3A_204 : vector<1x16xf32> to vector<16xf32>
        %get3A_206 = arith.index_cast %scan3A_170 : i32 to index
        %get3A_207 = arith.constant 32 : index
        %get3A_208 = tpu.vector_load %arg11[%get3A_206, %get3A_207] {strides = array<i32>} : memref<80x128xf32, #tpu.memory_space<vmem>>, vector<1x16xf32>,
        %get3A_209 = vector.shape_cast %get3A_208 : vector<1x16xf32> to vector<16xf32>
        %add3A_210 = arith.addf %get3A_205, %get3A_209 : vector<16xf32>
        %max3A_211 = arith.constant 0.000000e+00 : f32
        %max3A_212 = vector.broadcast %max3A_211 : f32 to vector<16xf32>
        %max3A_213 = arith.maximumf %add3A_210, %max3A_212 : vector<16xf32>
        %swap3A_214 = arith.index_cast %scan3A_170 : i32 to index
        %swap3A_215 = arith.constant 32 : index
        %swap3A_216 = tpu.vector_load %arg10[%swap3A_214, %swap3A_215] {strides = array<i32>} : memref<80x128xf32, #tpu.memory_space<vmem>>, vector<1x16xf32>,
        %swap3A_217 = vector.shape_cast %swap3A_216 : vector<1x16xf32> to vector<16xf32>
        %swap3A_218 = vector.shape_cast %max3A_213 : vector<16xf32> to vector<1x16xf32>
        tpu.vector_store %arg10[%swap3A_214, %swap3A_215], %swap3A_218 {strides = array<i32>} : memref<80x128xf32, #tpu.memory_space<vmem>>, vector<1x16xf32>,
        %get3A_219 = arith.index_cast %scan3A_170 : i32 to index
        %get3A_220 = arith.constant 48 : index
        %get3A_221 = tpu.vector_load %arg10[%get3A_219, %get3A_220] {strides = array<i32>} : memref<80x128xf32, #tpu.memory_space<vmem>>, vector<1x16xf32>,
        %get3A_222 = vector.shape_cast %get3A_221 : vector<1x16xf32> to vector<16xf32>
        %get3A_223 = arith.index_cast %scan3A_170 : i32 to index
        %get3A_224 = arith.constant 48 : index
        %get3A_225 = tpu.vector_load %arg11[%get3A_223, %get3A_224] {strides = array<i32>} : memref<80x128xf32, #tpu.memory_space<vmem>>, vector<1x16xf32>,
        %get3A_226 = vector.shape_cast %get3A_225 : vector<1x16xf32> to vector<16xf32>
        %add3A_227 = arith.addf %get3A_222, %get3A_226 : vector<16xf32>
        %max3A_228 = arith.constant 0.000000e+00 : f32
        %max3A_229 = vector.broadcast %max3A_228 : f32 to vector<16xf32>
        %max3A_230 = arith.maximumf %add3A_227, %max3A_229 : vector<16xf32>
        %swap3A_231 = arith.index_cast %scan3A_170 : i32 to index
        %swap3A_232 = arith.constant 48 : index
        %swap3A_233 = tpu.vector_load %arg10[%swap3A_231, %swap3A_232] {strides = array<i32>} : memref<80x128xf32, #tpu.memory_space<vmem>>, vector<1x16xf32>,
        %swap3A_234 = vector.shape_cast %swap3A_233 : vector<1x16xf32> to vector<16xf32>
        %swap3A_235 = vector.shape_cast %max3A_230 : vector<16xf32> to vector<1x16xf32>
        tpu.vector_store %arg10[%swap3A_231, %swap3A_232], %swap3A_235 {strides = array<i32>} : memref<80x128xf32, #tpu.memory_space<vmem>>, vector<1x16xf32>,
        %get3A_236 = arith.index_cast %scan3A_170 : i32 to index
        %get3A_237 = arith.constant 64 : index
        %get3A_238 = tpu.vector_load %arg10[%get3A_236, %get3A_237] {strides = array<i32>} : memref<80x128xf32, #tpu.memory_space<vmem>>, vector<1x16xf32>,
        %get3A_239 = vector.shape_cast %get3A_238 : vector<1x16xf32> to vector<16xf32>
        %get3A_240 = arith.index_cast %scan3A_170 : i32 to index
        %get3A_241 = arith.constant 64 : index
        %get3A_242 = tpu.vector_load %arg11[%get3A_240, %get3A_241] {strides = array<i32>} : memref<80x128xf32, #tpu.memory_space<vmem>>, vector<1x16xf32>,
        %get3A_243 = vector.shape_cast %get3A_242 : vector<1x16xf32> to vector<16xf32>
        %add3A_244 = arith.addf %get3A_239, %get3A_243 : vector<16xf32>
        %max3A_245 = arith.constant 0.000000e+00 : f32
        %max3A_246 = vector.broadcast %max3A_245 : f32 to vector<16xf32>
        %max3A_247 = arith.maximumf %add3A_244, %max3A_246 : vector<16xf32>
        %swap3A_248 = arith.index_cast %scan3A_170 : i32 to index
        %swap3A_249 = arith.constant 64 : index
        %swap3A_250 = tpu.vector_load %arg10[%swap3A_248, %swap3A_249] {strides = array<i32>} : memref<80x128xf32, #tpu.memory_space<vmem>>, vector<1x16xf32>,
        %swap3A_251 = vector.shape_cast %swap3A_250 : vector<1x16xf32> to vector<16xf32>
        %swap3A_252 = vector.shape_cast %max3A_247 : vector<16xf32> to vector<1x16xf32>
        tpu.vector_store %arg10[%swap3A_248, %swap3A_249], %swap3A_252 {strides = array<i32>} : memref<80x128xf32, #tpu.memory_space<vmem>>, vector<1x16xf32>,
        %get3A_253 = arith.index_cast %scan3A_170 : i32 to index
        %get3A_254 = arith.constant 80 : index
        %get3A_255 = tpu.vector_load %arg10[%get3A_253, %get3A_254] {strides = array<i32>} : memref<80x128xf32, #tpu.memory_space<vmem>>, vector<1x16xf32>,
        %get3A_256 = vector.shape_cast %get3A_255 : vector<1x16xf32> to vector<16xf32>
        %get3A_257 = arith.index_cast %scan3A_170 : i32 to index
        %get3A_258 = arith.constant 80 : index
        %get3A_259 = tpu.vector_load %arg11[%get3A_257, %get3A_258] {strides = array<i32>} : memref<80x128xf32, #tpu.memory_space<vmem>>, vector<1x16xf32>,
        %get3A_260 = vector.shape_cast %get3A_259 : vector<1x16xf32> to vector<16xf32>
        %add3A_261 = arith.addf %get3A_256, %get3A_260 : vector<16xf32>
        %max3A_262 = arith.constant 0.000000e+00 : f32
        %max3A_263 = vector.broadcast %max3A_262 : f32 to vector<16xf32>
        %max3A_264 = arith.maximumf %add3A_261, %max3A_263 : vector<16xf32>
        %swap3A_265 = arith.index_cast %scan3A_170 : i32 to index
        %swap3A_266 = arith.constant 80 : index
        %swap3A_267 = tpu.vector_load %arg10[%swap3A_265, %swap3A_266] {strides = array<i32>} : memref<80x128xf32, #tpu.memory_space<vmem>>, vector<1x16xf32>,
        %swap3A_268 = vector.shape_cast %swap3A_267 : vector<1x16xf32> to vector<16xf32>
        %swap3A_269 = vector.shape_cast %max3A_264 : vector<16xf32> to vector<1x16xf32>
        tpu.vector_store %arg10[%swap3A_265, %swap3A_266], %swap3A_269 {strides = array<i32>} : memref<80x128xf32, #tpu.memory_space<vmem>>, vector<1x16xf32>,
        %get3A_270 = arith.index_cast %scan3A_170 : i32 to index
        %get3A_271 = arith.constant 96 : index
        %get3A_272 = tpu.vector_load %arg10[%get3A_270, %get3A_271] {strides = array<i32>} : memref<80x128xf32, #tpu.memory_space<vmem>>, vector<1x16xf32>,
        %get3A_273 = vector.shape_cast %get3A_272 : vector<1x16xf32> to vector<16xf32>
        %get3A_274 = arith.index_cast %scan3A_170 : i32 to index
        %get3A_275 = arith.constant 96 : index
        %get3A_276 = tpu.vector_load %arg11[%get3A_274, %get3A_275] {strides = array<i32>} : memref<80x128xf32, #tpu.memory_space<vmem>>, vector<1x16xf32>,
        %get3A_277 = vector.shape_cast %get3A_276 : vector<1x16xf32> to vector<16xf32>
        %add3A_278 = arith.addf %get3A_273, %get3A_277 : vector<16xf32>
        %max3A_279 = arith.constant 0.000000e+00 : f32
        %max3A_280 = vector.broadcast %max3A_279 : f32 to vector<16xf32>
        %max3A_281 = arith.maximumf %add3A_278, %max3A_280 : vector<16xf32>
        %swap3A_282 = arith.index_cast %scan3A_170 : i32 to index
        %swap3A_283 = arith.constant 96 : index
        %swap3A_284 = tpu.vector_load %arg10[%swap3A_282, %swap3A_283] {strides = array<i32>} : memref<80x128xf32, #tpu.memory_space<vmem>>, vector<1x16xf32>,
        %swap3A_285 = vector.shape_cast %swap3A_284 : vector<1x16xf32> to vector<16xf32>
        %swap3A_286 = vector.shape_cast %max3A_281 : vector<16xf32> to vector<1x16xf32>
        tpu.vector_store %arg10[%swap3A_282, %swap3A_283], %swap3A_286 {strides = array<i32>} : memref<80x128xf32, #tpu.memory_space<vmem>>, vector<1x16xf32>,
        %get3A_287 = arith.index_cast %scan3A_170 : i32 to index
        %get3A_288 = arith.constant 112 : index
        %get3A_289 = tpu.vector_load %arg10[%get3A_287, %get3A_288] {strides = array<i32>} : memref<80x128xf32, #tpu.memory_space<vmem>>, vector<1x16xf32>,
        %get3A_290 = vector.shape_cast %get3A_289 : vector<1x16xf32> to vector<16xf32>
        %get3A_291 = arith.index_cast %scan3A_170 : i32 to index
        %get3A_292 = arith.constant 112 : index
        %get3A_293 = tpu.vector_load %arg11[%get3A_291, %get3A_292] {strides = array<i32>} : memref<80x128xf32, #tpu.memory_space<vmem>>, vector<1x16xf32>,
        %get3A_294 = vector.shape_cast %get3A_293 : vector<1x16xf32> to vector<16xf32>
        %add3A_295 = arith.addf %get3A_290, %get3A_294 : vector<16xf32>
        %max3A_296 = arith.constant 0.000000e+00 : f32
        %max3A_297 = vector.broadcast %max3A_296 : f32 to vector<16xf32>
        %max3A_298 = arith.maximumf %add3A_295, %max3A_297 : vector<16xf32>
        %swap3A_299 = arith.index_cast %scan3A_170 : i32 to index
        %swap3A_300 = arith.constant 112 : index
        %swap3A_301 = tpu.vector_load %arg10[%swap3A_299, %swap3A_300] {strides = array<i32>} : memref<80x128xf32, #tpu.memory_space<vmem>>, vector<1x16xf32>,
        %swap3A_302 = vector.shape_cast %swap3A_301 : vector<1x16xf32> to vector<16xf32>
        %swap3A_303 = vector.shape_cast %max3A_298 : vector<16xf32> to vector<1x16xf32>
        tpu.vector_store %arg10[%swap3A_299, %swap3A_300], %swap3A_303 {strides = array<i32>} : memref<80x128xf32, #tpu.memory_space<vmem>>, vector<1x16xf32>,
      }
      %scan3A_147 = arith.constant 40 : i32
      %add3A_148 = arith.constant 40 : i32
      %add3A_149 = arith.addi %add3A_43, %add3A_148 : i32
      %dma_wait3A_150 = tpu.memref_slice %arg4[%add3A_149] : memref<320000xi32, #tpu.memory_space<hbm>> -> memref<40xi32, #tpu.memory_space<hbm>>
      %dma_wait3A_151 = tpu.memref_slice %arg4[%add3A_149] : memref<320000xi32, #tpu.memory_space<hbm>> -> memref<40xi32, #tpu.memory_space<hbm>>
      tpu.wait_dma2 semaphore(%arg19 : memref<!tpu.dma_semaphore, #tpu.memory_space<semaphore_mem>>) src(%dma_wait3A_151 : memref<40xi32, #tpu.memory_space<hbm>>) dst(%arg9 : memref<40xi32, #tpu.memory_space<vmem>>)
      %dma_start3A_152 = arith.constant 40 : i32
      %dma_start3A_153 = arith.constant 0 : i32
      %dma_start3A_154 = tpu.memref_slice %arg10[%dma_start3A_152, %dma_start3A_153] : memref<80x128xf32, #tpu.memory_space<vmem>> -> memref<40x128xf32, #tpu.memory_space<vmem>>
      %dma_start3A_155 = arith.constant 0 : i32
      %dma_start3A_156 = arith.constant 0 : i32
      %dma_start3A_157 = tpu.memref_slice %arg12[%dma_start3A_155, %dma_start3A_156] : memref<10000x128xf32, #tpu.memory_space<vmem_shared>> -> memref<10000x128xf32, #tpu.memory_space<vmem_shared>>
      tpu.enqueue_indirect_dma source(%dma_start3A_154 : memref<40x128xf32, #tpu.memory_space<vmem>>) target(%dma_start3A_157 : memref<10000x128xf32, #tpu.memory_space<vmem_shared>>) offsets(%arg9 : memref<40xi32, #tpu.memory_space<vmem>>) semaphore(%arg21 : memref<!tpu.dma_semaphore, #tpu.memory_space<semaphore_mem>>) {add = true}
      %dma_wait3A_158 = arith.constant 0 : i32
      %dma_wait3A_159 = arith.constant 0 : i32
      %dma_wait3A_160 = tpu.memref_slice %arg10[%dma_wait3A_158, %dma_wait3A_159] : memref<80x128xf32, #tpu.memory_space<vmem>> -> memref<40x128xf32, #tpu.memory_space<vmem>>
      %dma_wait3A_161 = arith.constant 0 : i32
      %dma_wait3A_162 = arith.constant 0 : i32
      %dma_wait3A_163 = tpu.memref_slice %arg12[%dma_wait3A_161, %dma_wait3A_162] : memref<10000x128xf32, #tpu.memory_space<vmem_shared>> -> memref<10000x128xf32, #tpu.memory_space<vmem_shared>>
      tpu.wait_indirect_dma semaphore(%arg20 : memref<!tpu.dma_semaphore, #tpu.memory_space<semaphore_mem>>) src(%dma_wait3A_160 : memref<40x128xf32, #tpu.memory_space<vmem>>) dst(%dma_wait3A_163 : memref<10000x128xf32, #tpu.memory_space<vmem_shared>>)
      %dma_wait3A_164 = arith.constant 40 : i32
      %dma_wait3A_165 = arith.constant 0 : i32
      %dma_wait3A_166 = tpu.memref_slice %arg10[%dma_wait3A_164, %dma_wait3A_165] : memref<80x128xf32, #tpu.memory_space<vmem>> -> memref<40x128xf32, #tpu.memory_space<vmem>>
      %dma_wait3A_167 = arith.constant 0 : i32
      %dma_wait3A_168 = arith.constant 0 : i32
      %dma_wait3A_169 = tpu.memref_slice %arg12[%dma_wait3A_167, %dma_wait3A_168] : memref<10000x128xf32, #tpu.memory_space<vmem_shared>> -> memref<10000x128xf32, #tpu.memory_space<vmem_shared>>
      tpu.wait_indirect_dma semaphore(%arg21 : memref<!tpu.dma_semaphore, #tpu.memory_space<semaphore_mem>>) src(%dma_wait3A_166 : memref<40x128xf32, #tpu.memory_space<vmem>>) dst(%dma_wait3A_169 : memref<10000x128xf32, #tpu.memory_space<vmem_shared>>)
    }
    %scan3A_33 = arith.constant 125 : i32
    %barrier3A_34 = arith.constant 0 : index
    tpu.barrier barrier_id(%barrier3A_34)
    "tpu.region"() ({
      %run_scoped3A = tpu.sem_alloc : memref<!tpu.dma_semaphore, #tpu.memory_space<semaphore_mem>>
      %dma_start3A = arith.constant 0 : i32
      %dma_start3A_40 = tpu.memref_slice %arg6[%arg0, %mul3A_2, %dma_start3A] : memref<2x10000x128xf32, #tpu.memory_space<hbm>> -> memref<1x624x128xf32, #tpu.memory_space<hbm>>
      %dma_start3A_41 = tpu.memref_squeeze %dma_start3A_40 : memref<1x624x128xf32, #tpu.memory_space<hbm>> -> memref<624x128xf32, #tpu.memory_space<hbm>>
      %dma_start3A_42 = arith.constant 0 : i32
      %dma_start3A_43 = tpu.memref_slice %arg12[%mul3A_2, %dma_start3A_42] : memref<10000x128xf32, #tpu.memory_space<vmem_shared>> -> memref<624x128xf32, #tpu.memory_space<vmem_shared>>
      tpu.enqueue_dma source(%dma_start3A_43 : memref<624x128xf32, #tpu.memory_space<vmem_shared>>) target(%dma_start3A_41 : memref<624x128xf32, #tpu.memory_space<hbm>>) target_semaphore(%run_scoped3A : memref<!tpu.dma_semaphore, #tpu.memory_space<semaphore_mem>>)
      %dma_wait3A = arith.constant 0 : i32
      %dma_wait3A_44 = tpu.memref_slice %arg6[%arg0, %mul3A_2, %dma_wait3A] : memref<2x10000x128xf32, #tpu.memory_space<hbm>> -> memref<1x624x128xf32, #tpu.memory_space<hbm>>
      %dma_wait3A_45 = tpu.memref_squeeze %dma_wait3A_44 : memref<1x624x128xf32, #tpu.memory_space<hbm>> -> memref<624x128xf32, #tpu.memory_space<hbm>>
      %dma_wait3A_46 = arith.constant 0 : i32
      %dma_wait3A_47 = tpu.memref_slice %arg12[%mul3A_2, %dma_wait3A_46] : memref<10000x128xf32, #tpu.memory_space<vmem_shared>> -> memref<624x128xf32, #tpu.memory_space<vmem_shared>>
      tpu.wait_dma2 semaphore(%run_scoped3A : memref<!tpu.dma_semaphore, #tpu.memory_space<semaphore_mem>>) src(%dma_wait3A_47 : memref<624x128xf32, #tpu.memory_space<vmem_shared>>) dst(%dma_wait3A_45 : memref<624x128xf32, #tpu.memory_space<hbm>>)
      tpu.yield
    }) : () -> ()
    %eq3A_35 = arith.constant 15 : i32
    %eq3A_36 = arith.cmpi eq, %arg1, %eq3A_35 : i32
    %convert_element_type3A_37 = arith.extui %eq3A_36 : i1 to i32
    %cond3A_38 = arith.constant 0 : i32
    %cond3A_39 = arith.cmpi ne, %convert_element_type3A_37, %cond3A_38 : i32
    scf.if %cond3A_39 {
      "tpu.region"() ({
        %run_scoped3A = tpu.sem_alloc : memref<!tpu.dma_semaphore, #tpu.memory_space<semaphore_mem>>
        %dma_start3A = arith.constant 9984 : i32
        %dma_start3A_40 = arith.constant 0 : i32
        %dma_start3A_41 = tpu.memref_slice %arg6[%arg0, %dma_start3A, %dma_start3A_40] : memref<2x10000x128xf32, #tpu.memory_space<hbm>> -> memref<1x16x128xf32, #tpu.memory_space<hbm>>
        %dma_start3A_42 = tpu.memref_squeeze %dma_start3A_41 : memref<1x16x128xf32, #tpu.memory_space<hbm>> -> memref<16x128xf32, #tpu.memory_space<hbm>>
        %dma_start3A_43 = arith.constant 9984 : i32
        %dma_start3A_44 = arith.constant 0 : i32
        %dma_start3A_45 = tpu.memref_slice %arg12[%dma_start3A_43, %dma_start3A_44] : memref<10000x128xf32, #tpu.memory_space<vmem_shared>> -> memref<16x128xf32, #tpu.memory_space<vmem_shared>>
        tpu.enqueue_dma source(%dma_start3A_45 : memref<16x128xf32, #tpu.memory_space<vmem_shared>>) target(%dma_start3A_42 : memref<16x128xf32, #tpu.memory_space<hbm>>) target_semaphore(%run_scoped3A : memref<!tpu.dma_semaphore, #tpu.memory_space<semaphore_mem>>)
        %dma_wait3A = arith.constant 9984 : i32
        %dma_wait3A_46 = arith.constant 0 : i32
        %dma_wait3A_47 = tpu.memref_slice %arg6[%arg0, %dma_wait3A, %dma_wait3A_46] : memref<2x10000x128xf32, #tpu.memory_space<hbm>> -> memref<1x16x128xf32, #tpu.memory_space<hbm>>
        %dma_wait3A_48 = tpu.memref_squeeze %dma_wait3A_47 : memref<1x16x128xf32, #tpu.memory_space<hbm>> -> memref<16x128xf32, #tpu.memory_space<hbm>>
        %dma_wait3A_49 = arith.constant 9984 : i32
        %dma_wait3A_50 = arith.constant 0 : i32
        %dma_wait3A_51 = tpu.memref_slice %arg12[%dma_wait3A_49, %dma_wait3A_50] : memref<10000x128xf32, #tpu.memory_space<vmem_shared>> -> memref<16x128xf32, #tpu.memory_space<vmem_shared>>
        tpu.wait_dma2 semaphore(%run_scoped3A : memref<!tpu.dma_semaphore, #tpu.memory_space<semaphore_mem>>) src(%dma_wait3A_51 : memref<16x128xf32, #tpu.memory_space<vmem_shared>>) dst(%dma_wait3A_48 : memref<16x128xf32, #tpu.memory_space<hbm>>)
        tpu.yield
      }) : () -> ()
    } else {
    }
    return
  }
}

#map = affine_map<(d0, d1) -> (0, 0)>
#map1 = affine_map<(d0, d1) -> (0, 0, 0)>
#map2 = affine_map<(d0, d1) -> (0)>
module attributes {stable_mosaic.version = 14 : i64} {
  func.func @agg_kernel(%arg0: i32, %arg1: i32, %arg2: memref<10000x128xf32, #tpu.memory_space<hbm>>, %arg3: memref<32x125x80xi32, #tpu.memory_space<hbm>>, %arg4: memref<320000xi32, #tpu.memory_space<hbm>>, %arg5: memref<320000x128xf32, #tpu.memory_space<hbm>>, %arg6: memref<2x10000x128xf32, #tpu.memory_space<hbm>>, %arg7: memref<125x80xi32, #tpu.memory_space<vmem>>, %arg8: memref<40xi32, #tpu.memory_space<vmem>>, %arg9: memref<40xi32, #tpu.memory_space<vmem>>, %arg10: memref<80x128xf32, #tpu.memory_space<vmem>>, %arg11: memref<80x128xf32, #tpu.memory_space<vmem>>, %arg12: memref<10000x128xf32, #tpu.memory_space<vmem_shared>>, %arg13: memref<!tpu.dma_semaphore, #tpu.memory_space<semaphore_mem>>, %arg14: memref<!tpu.dma_semaphore, #tpu.memory_space<semaphore_mem>>, %arg15: memref<!tpu.dma_semaphore, #tpu.memory_space<semaphore_mem>>, %arg16: memref<!tpu.dma_semaphore, #tpu.memory_space<semaphore_mem>>, %arg17: memref<!tpu.dma_semaphore, #tpu.memory_space<semaphore_mem>>, %arg18: memref<!tpu.dma_semaphore, #tpu.memory_space<semaphore_mem>>, %arg19: memref<!tpu.dma_semaphore, #tpu.memory_space<semaphore_mem>>, %arg20: memref<!tpu.dma_semaphore, #tpu.memory_space<semaphore_mem>>, %arg21: memref<!tpu.dma_semaphore, #tpu.memory_space<semaphore_mem>>) attributes {dimension_semantics = [#tpu.dimension_semantics<core_parallel>, #tpu.dimension_semantics<subcore_parallel>], iteration_bounds = array<i64: 2, 16>, scalar_prefetch = 0 : i64, scratch_operands = 15 : i64, tpu.core_type = #tpu.core_type<sc_vector_subcore>, window_params = [{transform_indices = #map}, {transform_indices = #map1}, {transform_indices = #map2}, {transform_indices = #map}, {transform_indices = #map1}]} {
    %mul3A = arith.constant 16 : i32
    %mul3A_0 = arith.muli %arg0, %mul3A : i32
    %add3A = arith.addi %mul3A_0, %arg1 : i32
    %mul3A_1 = arith.constant 624 : i32
    %mul3A_2 = arith.muli %arg1, %mul3A_1 : i32
    "tpu.region"() ({
      %run_scoped3A = tpu.sem_alloc : memref<!tpu.dma_semaphore, #tpu.memory_space<semaphore_mem>>
      %dma_start3A = arith.constant 0 : i32
      %dma_start3A_40 = arith.constant 0 : i32
      %dma_start3A_41 = tpu.memref_slice %arg3[%add3A, %dma_start3A, %dma_start3A_40] : memref<32x125x80xi32, #tpu.memory_space<hbm>> -> memref<1x125x80xi32, #tpu.memory_space<hbm>>
      %dma_start3A_42 = tpu.memref_squeeze %dma_start3A_41 : memref<1x125x80xi32, #tpu.memory_space<hbm>> -> memref<125x80xi32, #tpu.memory_space<hbm>>
      %dma_start3A_43 = arith.constant 0 : i32
      %dma_start3A_44 = arith.constant 0 : i32
      %dma_start3A_45 = tpu.memref_slice %arg3[%add3A, %dma_start3A_43, %dma_start3A_44] : memref<32x125x80xi32, #tpu.memory_space<hbm>> -> memref<1x125x80xi32, #tpu.memory_space<hbm>>
      %dma_start3A_46 = tpu.memref_squeeze %dma_start3A_45 : memref<1x125x80xi32, #tpu.memory_space<hbm>> -> memref<125x80xi32, #tpu.memory_space<hbm>>
      tpu.enqueue_dma source(%dma_start3A_46 : memref<125x80xi32, #tpu.memory_space<hbm>>) target(%arg7 : memref<125x80xi32, #tpu.memory_space<vmem>>) target_semaphore(%run_scoped3A : memref<!tpu.dma_semaphore, #tpu.memory_space<semaphore_mem>>)
      %dma_wait3A = arith.constant 0 : i32
      %dma_wait3A_47 = arith.constant 0 : i32
      %dma_wait3A_48 = tpu.memref_slice %arg3[%add3A, %dma_wait3A, %dma_wait3A_47] : memref<32x125x80xi32, #tpu.memory_space<hbm>> -> memref<1x125x80xi32, #tpu.memory_space<hbm>>
      %dma_wait3A_49 = tpu.memref_squeeze %dma_wait3A_48 : memref<1x125x80xi32, #tpu.memory_space<hbm>> -> memref<125x80xi32, #tpu.memory_space<hbm>>
      %dma_wait3A_50 = arith.constant 0 : i32
      %dma_wait3A_51 = arith.constant 0 : i32
      %dma_wait3A_52 = tpu.memref_slice %arg3[%add3A, %dma_wait3A_50, %dma_wait3A_51] : memref<32x125x80xi32, #tpu.memory_space<hbm>> -> memref<1x125x80xi32, #tpu.memory_space<hbm>>
      %dma_wait3A_53 = tpu.memref_squeeze %dma_wait3A_52 : memref<1x125x80xi32, #tpu.memory_space<hbm>> -> memref<125x80xi32, #tpu.memory_space<hbm>>
      tpu.wait_dma2 semaphore(%run_scoped3A : memref<!tpu.dma_semaphore, #tpu.memory_space<semaphore_mem>>) src(%dma_wait3A_53 : memref<125x80xi32, #tpu.memory_space<hbm>>) dst(%arg7 : memref<125x80xi32, #tpu.memory_space<vmem>>)
      tpu.yield
    }) : () -> ()
    %scan3A = arith.constant 0 : i32
    %scan3A_3 = arith.constant 0 : i32
    %scan3A_4 = arith.constant 80 : i32
    %scan3A_5 = arith.addi %scan3A_3, %scan3A_4 : i32
    %scan3A_6 = arith.constant 1 : i32
    scf.for %scan3A_40 = %scan3A_3 to %scan3A_5 step %scan3A_6  : i32 {
      %broadcast_in_dim3A = arith.constant 0.000000e+00 : f32
      %broadcast_in_dim3A_41 = vector.broadcast %broadcast_in_dim3A : f32 to vector<16xf32>
      %swap3A = arith.index_cast %scan3A_40 : i32 to index
      %swap3A_42 = arith.constant 0 : index
      %swap3A_43 = tpu.vector_load %arg10[%swap3A, %swap3A_42] {strides = array<i32>} : memref<80x128xf32, #tpu.memory_space<vmem>>, vector<1x16xf32>,
      %swap3A_44 = vector.shape_cast %swap3A_43 : vector<1x16xf32> to vector<16xf32>
      %swap3A_45 = vector.shape_cast %broadcast_in_dim3A_41 : vector<16xf32> to vector<1x16xf32>
      tpu.vector_store %arg10[%swap3A, %swap3A_42], %swap3A_45 {strides = array<i32>} : memref<80x128xf32, #tpu.memory_space<vmem>>, vector<1x16xf32>,
      %broadcast_in_dim3A_46 = arith.constant 0.000000e+00 : f32
      %broadcast_in_dim3A_47 = vector.broadcast %broadcast_in_dim3A_46 : f32 to vector<16xf32>
      %swap3A_48 = arith.index_cast %scan3A_40 : i32 to index
      %swap3A_49 = arith.constant 16 : index
      %swap3A_50 = tpu.vector_load %arg10[%swap3A_48, %swap3A_49] {strides = array<i32>} : memref<80x128xf32, #tpu.memory_space<vmem>>, vector<1x16xf32>,
      %swap3A_51 = vector.shape_cast %swap3A_50 : vector<1x16xf32> to vector<16xf32>
      %swap3A_52 = vector.shape_cast %broadcast_in_dim3A_47 : vector<16xf32> to vector<1x16xf32>
      tpu.vector_store %arg10[%swap3A_48, %swap3A_49], %swap3A_52 {strides = array<i32>} : memref<80x128xf32, #tpu.memory_space<vmem>>, vector<1x16xf32>,
      %broadcast_in_dim3A_53 = arith.constant 0.000000e+00 : f32
      %broadcast_in_dim3A_54 = vector.broadcast %broadcast_in_dim3A_53 : f32 to vector<16xf32>
      %swap3A_55 = arith.index_cast %scan3A_40 : i32 to index
      %swap3A_56 = arith.constant 32 : index
      %swap3A_57 = tpu.vector_load %arg10[%swap3A_55, %swap3A_56] {strides = array<i32>} : memref<80x128xf32, #tpu.memory_space<vmem>>, vector<1x16xf32>,
      %swap3A_58 = vector.shape_cast %swap3A_57 : vector<1x16xf32> to vector<16xf32>
      %swap3A_59 = vector.shape_cast %broadcast_in_dim3A_54 : vector<16xf32> to vector<1x16xf32>
      tpu.vector_store %arg10[%swap3A_55, %swap3A_56], %swap3A_59 {strides = array<i32>} : memref<80x128xf32, #tpu.memory_space<vmem>>, vector<1x16xf32>,
      %broadcast_in_dim3A_60 = arith.constant 0.000000e+00 : f32
      %broadcast_in_dim3A_61 = vector.broadcast %broadcast_in_dim3A_60 : f32 to vector<16xf32>
      %swap3A_62 = arith.index_cast %scan3A_40 : i32 to index
      %swap3A_63 = arith.constant 48 : index
      %swap3A_64 = tpu.vector_load %arg10[%swap3A_62, %swap3A_63] {strides = array<i32>} : memref<80x128xf32, #tpu.memory_space<vmem>>, vector<1x16xf32>,
      %swap3A_65 = vector.shape_cast %swap3A_64 : vector<1x16xf32> to vector<16xf32>
      %swap3A_66 = vector.shape_cast %broadcast_in_dim3A_61 : vector<16xf32> to vector<1x16xf32>
      tpu.vector_store %arg10[%swap3A_62, %swap3A_63], %swap3A_66 {strides = array<i32>} : memref<80x128xf32, #tpu.memory_space<vmem>>, vector<1x16xf32>,
      %broadcast_in_dim3A_67 = arith.constant 0.000000e+00 : f32
      %broadcast_in_dim3A_68 = vector.broadcast %broadcast_in_dim3A_67 : f32 to vector<16xf32>
      %swap3A_69 = arith.index_cast %scan3A_40 : i32 to index
      %swap3A_70 = arith.constant 64 : index
      %swap3A_71 = tpu.vector_load %arg10[%swap3A_69, %swap3A_70] {strides = array<i32>} : memref<80x128xf32, #tpu.memory_space<vmem>>, vector<1x16xf32>,
      %swap3A_72 = vector.shape_cast %swap3A_71 : vector<1x16xf32> to vector<16xf32>
      %swap3A_73 = vector.shape_cast %broadcast_in_dim3A_68 : vector<16xf32> to vector<1x16xf32>
      tpu.vector_store %arg10[%swap3A_69, %swap3A_70], %swap3A_73 {strides = array<i32>} : memref<80x128xf32, #tpu.memory_space<vmem>>, vector<1x16xf32>,
      %broadcast_in_dim3A_74 = arith.constant 0.000000e+00 : f32
      %broadcast_in_dim3A_75 = vector.broadcast %broadcast_in_dim3A_74 : f32 to vector<16xf32>
      %swap3A_76 = arith.index_cast %scan3A_40 : i32 to index
      %swap3A_77 = arith.constant 80 : index
      %swap3A_78 = tpu.vector_load %arg10[%swap3A_76, %swap3A_77] {strides = array<i32>} : memref<80x128xf32, #tpu.memory_space<vmem>>, vector<1x16xf32>,
      %swap3A_79 = vector.shape_cast %swap3A_78 : vector<1x16xf32> to vector<16xf32>
      %swap3A_80 = vector.shape_cast %broadcast_in_dim3A_75 : vector<16xf32> to vector<1x16xf32>
      tpu.vector_store %arg10[%swap3A_76, %swap3A_77], %swap3A_80 {strides = array<i32>} : memref<80x128xf32, #tpu.memory_space<vmem>>, vector<1x16xf32>,
      %broadcast_in_dim3A_81 = arith.constant 0.000000e+00 : f32
      %broadcast_in_dim3A_82 = vector.broadcast %broadcast_in_dim3A_81 : f32 to vector<16xf32>
      %swap3A_83 = arith.index_cast %scan3A_40 : i32 to index
      %swap3A_84 = arith.constant 96 : index
      %swap3A_85 = tpu.vector_load %arg10[%swap3A_83, %swap3A_84] {strides = array<i32>} : memref<80x128xf32, #tpu.memory_space<vmem>>, vector<1x16xf32>,
      %swap3A_86 = vector.shape_cast %swap3A_85 : vector<1x16xf32> to vector<16xf32>
      %swap3A_87 = vector.shape_cast %broadcast_in_dim3A_82 : vector<16xf32> to vector<1x16xf32>
      tpu.vector_store %arg10[%swap3A_83, %swap3A_84], %swap3A_87 {strides = array<i32>} : memref<80x128xf32, #tpu.memory_space<vmem>>, vector<1x16xf32>,
      %broadcast_in_dim3A_88 = arith.constant 0.000000e+00 : f32
      %broadcast_in_dim3A_89 = vector.broadcast %broadcast_in_dim3A_88 : f32 to vector<16xf32>
      %swap3A_90 = arith.index_cast %scan3A_40 : i32 to index
      %swap3A_91 = arith.constant 112 : index
      %swap3A_92 = tpu.vector_load %arg10[%swap3A_90, %swap3A_91] {strides = array<i32>} : memref<80x128xf32, #tpu.memory_space<vmem>>, vector<1x16xf32>,
      %swap3A_93 = vector.shape_cast %swap3A_92 : vector<1x16xf32> to vector<16xf32>
      %swap3A_94 = vector.shape_cast %broadcast_in_dim3A_89 : vector<16xf32> to vector<1x16xf32>
      tpu.vector_store %arg10[%swap3A_90, %swap3A_91], %swap3A_94 {strides = array<i32>} : memref<80x128xf32, #tpu.memory_space<vmem>>, vector<1x16xf32>,
    }
    %scan3A_7 = arith.constant 80 : i32
    %add3A_8 = arith.constant 0 : i32
    %add3A_9 = arith.addi %mul3A_2, %add3A_8 : i32
    "tpu.region"() ({
      %run_scoped3A = tpu.sem_alloc : memref<!tpu.dma_semaphore, #tpu.memory_space<semaphore_mem>>
      %dma_start3A = arith.constant 0 : i32
      %dma_start3A_40 = tpu.memref_slice %arg12[%add3A_9, %dma_start3A] : memref<10000x128xf32, #tpu.memory_space<vmem_shared>> -> memref<80x128xf32, #tpu.memory_space<vmem_shared>>
      %dma_start3A_41 = arith.constant 0 : i32
      %dma_start3A_42 = tpu.memref_slice %arg12[%add3A_9, %dma_start3A_41] : memref<10000x128xf32, #tpu.memory_space<vmem_shared>> -> memref<80x128xf32, #tpu.memory_space<vmem_shared>>
      tpu.enqueue_dma source(%arg10 : memref<80x128xf32, #tpu.memory_space<vmem>>) target(%dma_start3A_42 : memref<80x128xf32, #tpu.memory_space<vmem_shared>>) target_semaphore(%run_scoped3A : memref<!tpu.dma_semaphore, #tpu.memory_space<semaphore_mem>>)
      %dma_wait3A = arith.constant 0 : i32
      %dma_wait3A_43 = tpu.memref_slice %arg12[%add3A_9, %dma_wait3A] : memref<10000x128xf32, #tpu.memory_space<vmem_shared>> -> memref<80x128xf32, #tpu.memory_space<vmem_shared>>
      %dma_wait3A_44 = arith.constant 0 : i32
      %dma_wait3A_45 = tpu.memref_slice %arg12[%add3A_9, %dma_wait3A_44] : memref<10000x128xf32, #tpu.memory_space<vmem_shared>> -> memref<80x128xf32, #tpu.memory_space<vmem_shared>>
      tpu.wait_dma2 semaphore(%run_scoped3A : memref<!tpu.dma_semaphore, #tpu.memory_space<semaphore_mem>>) src(%arg10 : memref<80x128xf32, #tpu.memory_space<vmem>>) dst(%dma_wait3A_45 : memref<80x128xf32, #tpu.memory_space<vmem_shared>>)
      tpu.yield
    }) : () -> ()
    %add3A_10 = arith.constant 80 : i32
    %add3A_11 = arith.addi %mul3A_2, %add3A_10 : i32
    "tpu.region"() ({
      %run_scoped3A = tpu.sem_alloc : memref<!tpu.dma_semaphore, #tpu.memory_space<semaphore_mem>>
      %dma_start3A = arith.constant 0 : i32
      %dma_start3A_40 = tpu.memref_slice %arg12[%add3A_11, %dma_start3A] : memref<10000x128xf32, #tpu.memory_space<vmem_shared>> -> memref<80x128xf32, #tpu.memory_space<vmem_shared>>
      %dma_start3A_41 = arith.constant 0 : i32
      %dma_start3A_42 = tpu.memref_slice %arg12[%add3A_11, %dma_start3A_41] : memref<10000x128xf32, #tpu.memory_space<vmem_shared>> -> memref<80x128xf32, #tpu.memory_space<vmem_shared>>
      tpu.enqueue_dma source(%arg10 : memref<80x128xf32, #tpu.memory_space<vmem>>) target(%dma_start3A_42 : memref<80x128xf32, #tpu.memory_space<vmem_shared>>) target_semaphore(%run_scoped3A : memref<!tpu.dma_semaphore, #tpu.memory_space<semaphore_mem>>)
      %dma_wait3A = arith.constant 0 : i32
      %dma_wait3A_43 = tpu.memref_slice %arg12[%add3A_11, %dma_wait3A] : memref<10000x128xf32, #tpu.memory_space<vmem_shared>> -> memref<80x128xf32, #tpu.memory_space<vmem_shared>>
      %dma_wait3A_44 = arith.constant 0 : i32
      %dma_wait3A_45 = tpu.memref_slice %arg12[%add3A_11, %dma_wait3A_44] : memref<10000x128xf32, #tpu.memory_space<vmem_shared>> -> memref<80x128xf32, #tpu.memory_space<vmem_shared>>
      tpu.wait_dma2 semaphore(%run_scoped3A : memref<!tpu.dma_semaphore, #tpu.memory_space<semaphore_mem>>) src(%arg10 : memref<80x128xf32, #tpu.memory_space<vmem>>) dst(%dma_wait3A_45 : memref<80x128xf32, #tpu.memory_space<vmem_shared>>)
      tpu.yield
    }) : () -> ()
    %add3A_12 = arith.constant 160 : i32
    %add3A_13 = arith.addi %mul3A_2, %add3A_12 : i32
    "tpu.region"() ({
      %run_scoped3A = tpu.sem_alloc : memref<!tpu.dma_semaphore, #tpu.memory_space<semaphore_mem>>
      %dma_start3A = arith.constant 0 : i32
      %dma_start3A_40 = tpu.memref_slice %arg12[%add3A_13, %dma_start3A] : memref<10000x128xf32, #tpu.memory_space<vmem_shared>> -> memref<80x128xf32, #tpu.memory_space<vmem_shared>>
      %dma_start3A_41 = arith.constant 0 : i32
      %dma_start3A_42 = tpu.memref_slice %arg12[%add3A_13, %dma_start3A_41] : memref<10000x128xf32, #tpu.memory_space<vmem_shared>> -> memref<80x128xf32, #tpu.memory_space<vmem_shared>>
      tpu.enqueue_dma source(%arg10 : memref<80x128xf32, #tpu.memory_space<vmem>>) target(%dma_start3A_42 : memref<80x128xf32, #tpu.memory_space<vmem_shared>>) target_semaphore(%run_scoped3A : memref<!tpu.dma_semaphore, #tpu.memory_space<semaphore_mem>>)
      %dma_wait3A = arith.constant 0 : i32
      %dma_wait3A_43 = tpu.memref_slice %arg12[%add3A_13, %dma_wait3A] : memref<10000x128xf32, #tpu.memory_space<vmem_shared>> -> memref<80x128xf32, #tpu.memory_space<vmem_shared>>
      %dma_wait3A_44 = arith.constant 0 : i32
      %dma_wait3A_45 = tpu.memref_slice %arg12[%add3A_13, %dma_wait3A_44] : memref<10000x128xf32, #tpu.memory_space<vmem_shared>> -> memref<80x128xf32, #tpu.memory_space<vmem_shared>>
      tpu.wait_dma2 semaphore(%run_scoped3A : memref<!tpu.dma_semaphore, #tpu.memory_space<semaphore_mem>>) src(%arg10 : memref<80x128xf32, #tpu.memory_space<vmem>>) dst(%dma_wait3A_45 : memref<80x128xf32, #tpu.memory_space<vmem_shared>>)
      tpu.yield
    }) : () -> ()
    %add3A_14 = arith.constant 240 : i32
    %add3A_15 = arith.addi %mul3A_2, %add3A_14 : i32
    "tpu.region"() ({
      %run_scoped3A = tpu.sem_alloc : memref<!tpu.dma_semaphore, #tpu.memory_space<semaphore_mem>>
      %dma_start3A = arith.constant 0 : i32
      %dma_start3A_40 = tpu.memref_slice %arg12[%add3A_15, %dma_start3A] : memref<10000x128xf32, #tpu.memory_space<vmem_shared>> -> memref<80x128xf32, #tpu.memory_space<vmem_shared>>
      %dma_start3A_41 = arith.constant 0 : i32
      %dma_start3A_42 = tpu.memref_slice %arg12[%add3A_15, %dma_start3A_41] : memref<10000x128xf32, #tpu.memory_space<vmem_shared>> -> memref<80x128xf32, #tpu.memory_space<vmem_shared>>
      tpu.enqueue_dma source(%arg10 : memref<80x128xf32, #tpu.memory_space<vmem>>) target(%dma_start3A_42 : memref<80x128xf32, #tpu.memory_space<vmem_shared>>) target_semaphore(%run_scoped3A : memref<!tpu.dma_semaphore, #tpu.memory_space<semaphore_mem>>)
      %dma_wait3A = arith.constant 0 : i32
      %dma_wait3A_43 = tpu.memref_slice %arg12[%add3A_15, %dma_wait3A] : memref<10000x128xf32, #tpu.memory_space<vmem_shared>> -> memref<80x128xf32, #tpu.memory_space<vmem_shared>>
      %dma_wait3A_44 = arith.constant 0 : i32
      %dma_wait3A_45 = tpu.memref_slice %arg12[%add3A_15, %dma_wait3A_44] : memref<10000x128xf32, #tpu.memory_space<vmem_shared>> -> memref<80x128xf32, #tpu.memory_space<vmem_shared>>
      tpu.wait_dma2 semaphore(%run_scoped3A : memref<!tpu.dma_semaphore, #tpu.memory_space<semaphore_mem>>) src(%arg10 : memref<80x128xf32, #tpu.memory_space<vmem>>) dst(%dma_wait3A_45 : memref<80x128xf32, #tpu.memory_space<vmem_shared>>)
      tpu.yield
    }) : () -> ()
    %add3A_16 = arith.constant 320 : i32
    %add3A_17 = arith.addi %mul3A_2, %add3A_16 : i32
    "tpu.region"() ({
      %run_scoped3A = tpu.sem_alloc : memref<!tpu.dma_semaphore, #tpu.memory_space<semaphore_mem>>
      %dma_start3A = arith.constant 0 : i32
      %dma_start3A_40 = tpu.memref_slice %arg12[%add3A_17, %dma_start3A] : memref<10000x128xf32, #tpu.memory_space<vmem_shared>> -> memref<80x128xf32, #tpu.memory_space<vmem_shared>>
      %dma_start3A_41 = arith.constant 0 : i32
      %dma_start3A_42 = tpu.memref_slice %arg12[%add3A_17, %dma_start3A_41] : memref<10000x128xf32, #tpu.memory_space<vmem_shared>> -> memref<80x128xf32, #tpu.memory_space<vmem_shared>>
      tpu.enqueue_dma source(%arg10 : memref<80x128xf32, #tpu.memory_space<vmem>>) target(%dma_start3A_42 : memref<80x128xf32, #tpu.memory_space<vmem_shared>>) target_semaphore(%run_scoped3A : memref<!tpu.dma_semaphore, #tpu.memory_space<semaphore_mem>>)
      %dma_wait3A = arith.constant 0 : i32
      %dma_wait3A_43 = tpu.memref_slice %arg12[%add3A_17, %dma_wait3A] : memref<10000x128xf32, #tpu.memory_space<vmem_shared>> -> memref<80x128xf32, #tpu.memory_space<vmem_shared>>
      %dma_wait3A_44 = arith.constant 0 : i32
      %dma_wait3A_45 = tpu.memref_slice %arg12[%add3A_17, %dma_wait3A_44] : memref<10000x128xf32, #tpu.memory_space<vmem_shared>> -> memref<80x128xf32, #tpu.memory_space<vmem_shared>>
      tpu.wait_dma2 semaphore(%run_scoped3A : memref<!tpu.dma_semaphore, #tpu.memory_space<semaphore_mem>>) src(%arg10 : memref<80x128xf32, #tpu.memory_space<vmem>>) dst(%dma_wait3A_45 : memref<80x128xf32, #tpu.memory_space<vmem_shared>>)
      tpu.yield
    }) : () -> ()
    %add3A_18 = arith.constant 400 : i32
    %add3A_19 = arith.addi %mul3A_2, %add3A_18 : i32
    "tpu.region"() ({
      %run_scoped3A = tpu.sem_alloc : memref<!tpu.dma_semaphore, #tpu.memory_space<semaphore_mem>>
      %dma_start3A = arith.constant 0 : i32
      %dma_start3A_40 = tpu.memref_slice %arg12[%add3A_19, %dma_start3A] : memref<10000x128xf32, #tpu.memory_space<vmem_shared>> -> memref<80x128xf32, #tpu.memory_space<vmem_shared>>
      %dma_start3A_41 = arith.constant 0 : i32
      %dma_start3A_42 = tpu.memref_slice %arg12[%add3A_19, %dma_start3A_41] : memref<10000x128xf32, #tpu.memory_space<vmem_shared>> -> memref<80x128xf32, #tpu.memory_space<vmem_shared>>
      tpu.enqueue_dma source(%arg10 : memref<80x128xf32, #tpu.memory_space<vmem>>) target(%dma_start3A_42 : memref<80x128xf32, #tpu.memory_space<vmem_shared>>) target_semaphore(%run_scoped3A : memref<!tpu.dma_semaphore, #tpu.memory_space<semaphore_mem>>)
      %dma_wait3A = arith.constant 0 : i32
      %dma_wait3A_43 = tpu.memref_slice %arg12[%add3A_19, %dma_wait3A] : memref<10000x128xf32, #tpu.memory_space<vmem_shared>> -> memref<80x128xf32, #tpu.memory_space<vmem_shared>>
      %dma_wait3A_44 = arith.constant 0 : i32
      %dma_wait3A_45 = tpu.memref_slice %arg12[%add3A_19, %dma_wait3A_44] : memref<10000x128xf32, #tpu.memory_space<vmem_shared>> -> memref<80x128xf32, #tpu.memory_space<vmem_shared>>
      tpu.wait_dma2 semaphore(%run_scoped3A : memref<!tpu.dma_semaphore, #tpu.memory_space<semaphore_mem>>) src(%arg10 : memref<80x128xf32, #tpu.memory_space<vmem>>) dst(%dma_wait3A_45 : memref<80x128xf32, #tpu.memory_space<vmem_shared>>)
      tpu.yield
    }) : () -> ()
    %add3A_20 = arith.constant 480 : i32
    %add3A_21 = arith.addi %mul3A_2, %add3A_20 : i32
    "tpu.region"() ({
      %run_scoped3A = tpu.sem_alloc : memref<!tpu.dma_semaphore, #tpu.memory_space<semaphore_mem>>
      %dma_start3A = arith.constant 0 : i32
      %dma_start3A_40 = tpu.memref_slice %arg12[%add3A_21, %dma_start3A] : memref<10000x128xf32, #tpu.memory_space<vmem_shared>> -> memref<80x128xf32, #tpu.memory_space<vmem_shared>>
      %dma_start3A_41 = arith.constant 0 : i32
      %dma_start3A_42 = tpu.memref_slice %arg12[%add3A_21, %dma_start3A_41] : memref<10000x128xf32, #tpu.memory_space<vmem_shared>> -> memref<80x128xf32, #tpu.memory_space<vmem_shared>>
      tpu.enqueue_dma source(%arg10 : memref<80x128xf32, #tpu.memory_space<vmem>>) target(%dma_start3A_42 : memref<80x128xf32, #tpu.memory_space<vmem_shared>>) target_semaphore(%run_scoped3A : memref<!tpu.dma_semaphore, #tpu.memory_space<semaphore_mem>>)
      %dma_wait3A = arith.constant 0 : i32
      %dma_wait3A_43 = tpu.memref_slice %arg12[%add3A_21, %dma_wait3A] : memref<10000x128xf32, #tpu.memory_space<vmem_shared>> -> memref<80x128xf32, #tpu.memory_space<vmem_shared>>
      %dma_wait3A_44 = arith.constant 0 : i32
      %dma_wait3A_45 = tpu.memref_slice %arg12[%add3A_21, %dma_wait3A_44] : memref<10000x128xf32, #tpu.memory_space<vmem_shared>> -> memref<80x128xf32, #tpu.memory_space<vmem_shared>>
      tpu.wait_dma2 semaphore(%run_scoped3A : memref<!tpu.dma_semaphore, #tpu.memory_space<semaphore_mem>>) src(%arg10 : memref<80x128xf32, #tpu.memory_space<vmem>>) dst(%dma_wait3A_45 : memref<80x128xf32, #tpu.memory_space<vmem_shared>>)
      tpu.yield
    }) : () -> ()
    %add3A_22 = arith.constant 560 : i32
    %add3A_23 = arith.addi %mul3A_2, %add3A_22 : i32
    "tpu.region"() ({
      %run_scoped3A = tpu.sem_alloc : memref<!tpu.dma_semaphore, #tpu.memory_space<semaphore_mem>>
      %dma_start3A = arith.constant 0 : i32
      %dma_start3A_40 = arith.constant 0 : i32
      %dma_start3A_41 = tpu.memref_slice %arg10[%dma_start3A, %dma_start3A_40] : memref<80x128xf32, #tpu.memory_space<vmem>> -> memref<64x128xf32, #tpu.memory_space<vmem>>
      %dma_start3A_42 = arith.constant 0 : i32
      %dma_start3A_43 = tpu.memref_slice %arg12[%add3A_23, %dma_start3A_42] : memref<10000x128xf32, #tpu.memory_space<vmem_shared>> -> memref<64x128xf32, #tpu.memory_space<vmem_shared>>
      %dma_start3A_44 = arith.constant 0 : i32
      %dma_start3A_45 = tpu.memref_slice %arg12[%add3A_23, %dma_start3A_44] : memref<10000x128xf32, #tpu.memory_space<vmem_shared>> -> memref<64x128xf32, #tpu.memory_space<vmem_shared>>
      %dma_start3A_46 = arith.constant 0 : i32
      %dma_start3A_47 = arith.constant 0 : i32
      %dma_start3A_48 = tpu.memref_slice %arg10[%dma_start3A_46, %dma_start3A_47] : memref<80x128xf32, #tpu.memory_space<vmem>> -> memref<64x128xf32, #tpu.memory_space<vmem>>
      tpu.enqueue_dma source(%dma_start3A_48 : memref<64x128xf32, #tpu.memory_space<vmem>>) target(%dma_start3A_45 : memref<64x128xf32, #tpu.memory_space<vmem_shared>>) target_semaphore(%run_scoped3A : memref<!tpu.dma_semaphore, #tpu.memory_space<semaphore_mem>>)
      %dma_wait3A = arith.constant 0 : i32
      %dma_wait3A_49 = arith.constant 0 : i32
      %dma_wait3A_50 = tpu.memref_slice %arg10[%dma_wait3A, %dma_wait3A_49] : memref<80x128xf32, #tpu.memory_space<vmem>> -> memref<64x128xf32, #tpu.memory_space<vmem>>
      %dma_wait3A_51 = arith.constant 0 : i32
      %dma_wait3A_52 = tpu.memref_slice %arg12[%add3A_23, %dma_wait3A_51] : memref<10000x128xf32, #tpu.memory_space<vmem_shared>> -> memref<64x128xf32, #tpu.memory_space<vmem_shared>>
      %dma_wait3A_53 = arith.constant 0 : i32
      %dma_wait3A_54 = tpu.memref_slice %arg12[%add3A_23, %dma_wait3A_53] : memref<10000x128xf32, #tpu.memory_space<vmem_shared>> -> memref<64x128xf32, #tpu.memory_space<vmem_shared>>
      %dma_wait3A_55 = arith.constant 0 : i32
      %dma_wait3A_56 = arith.constant 0 : i32
      %dma_wait3A_57 = tpu.memref_slice %arg10[%dma_wait3A_55, %dma_wait3A_56] : memref<80x128xf32, #tpu.memory_space<vmem>> -> memref<64x128xf32, #tpu.memory_space<vmem>>
      tpu.wait_dma2 semaphore(%run_scoped3A : memref<!tpu.dma_semaphore, #tpu.memory_space<semaphore_mem>>) src(%dma_wait3A_57 : memref<64x128xf32, #tpu.memory_space<vmem>>) dst(%dma_wait3A_54 : memref<64x128xf32, #tpu.memory_space<vmem_shared>>)
      tpu.yield
    }) : () -> ()
    %eq3A = arith.constant 15 : i32
    %eq3A_24 = arith.cmpi eq, %arg1, %eq3A : i32
    %convert_element_type3A = arith.extui %eq3A_24 : i1 to i32
    %cond3A = arith.constant 0 : i32
    %cond3A_25 = arith.cmpi ne, %convert_element_type3A, %cond3A : i32
    scf.if %cond3A_25 {
      "tpu.region"() ({
        %run_scoped3A = tpu.sem_alloc : memref<!tpu.dma_semaphore, #tpu.memory_space<semaphore_mem>>
        %dma_start3A = arith.constant 0 : i32
        %dma_start3A_40 = arith.constant 0 : i32
        %dma_start3A_41 = tpu.memref_slice %arg10[%dma_start3A, %dma_start3A_40] : memref<80x128xf32, #tpu.memory_space<vmem>> -> memref<16x128xf32, #tpu.memory_space<vmem>>
        %dma_start3A_42 = arith.constant 9984 : i32
        %dma_start3A_43 = arith.constant 0 : i32
        %dma_start3A_44 = tpu.memref_slice %arg12[%dma_start3A_42, %dma_start3A_43] : memref<10000x128xf32, #tpu.memory_space<vmem_shared>> -> memref<16x128xf32, #tpu.memory_space<vmem_shared>>
        %dma_start3A_45 = arith.constant 9984 : i32
        %dma_start3A_46 = arith.constant 0 : i32
        %dma_start3A_47 = tpu.memref_slice %arg12[%dma_start3A_45, %dma_start3A_46] : memref<10000x128xf32, #tpu.memory_space<vmem_shared>> -> memref<16x128xf32, #tpu.memory_space<vmem_shared>>
        %dma_start3A_48 = arith.constant 0 : i32
        %dma_start3A_49 = arith.constant 0 : i32
        %dma_start3A_50 = tpu.memref_slice %arg10[%dma_start3A_48, %dma_start3A_49] : memref<80x128xf32, #tpu.memory_space<vmem>> -> memref<16x128xf32, #tpu.memory_space<vmem>>
        tpu.enqueue_dma source(%dma_start3A_50 : memref<16x128xf32, #tpu.memory_space<vmem>>) target(%dma_start3A_47 : memref<16x128xf32, #tpu.memory_space<vmem_shared>>) target_semaphore(%run_scoped3A : memref<!tpu.dma_semaphore, #tpu.memory_space<semaphore_mem>>)
        %dma_wait3A = arith.constant 0 : i32
        %dma_wait3A_51 = arith.constant 0 : i32
        %dma_wait3A_52 = tpu.memref_slice %arg10[%dma_wait3A, %dma_wait3A_51] : memref<80x128xf32, #tpu.memory_space<vmem>> -> memref<16x128xf32, #tpu.memory_space<vmem>>
        %dma_wait3A_53 = arith.constant 9984 : i32
        %dma_wait3A_54 = arith.constant 0 : i32
        %dma_wait3A_55 = tpu.memref_slice %arg12[%dma_wait3A_53, %dma_wait3A_54] : memref<10000x128xf32, #tpu.memory_space<vmem_shared>> -> memref<16x128xf32, #tpu.memory_space<vmem_shared>>
        %dma_wait3A_56 = arith.constant 9984 : i32
        %dma_wait3A_57 = arith.constant 0 : i32
        %dma_wait3A_58 = tpu.memref_slice %arg12[%dma_wait3A_56, %dma_wait3A_57] : memref<10000x128xf32, #tpu.memory_space<vmem_shared>> -> memref<16x128xf32, #tpu.memory_space<vmem_shared>>
        %dma_wait3A_59 = arith.constant 0 : i32
        %dma_wait3A_60 = arith.constant 0 : i32
        %dma_wait3A_61 = tpu.memref_slice %arg10[%dma_wait3A_59, %dma_wait3A_60] : memref<80x128xf32, #tpu.memory_space<vmem>> -> memref<16x128xf32, #tpu.memory_space<vmem>>
        tpu.wait_dma2 semaphore(%run_scoped3A : memref<!tpu.dma_semaphore, #tpu.memory_space<semaphore_mem>>) src(%dma_wait3A_61 : memref<16x128xf32, #tpu.memory_space<vmem>>) dst(%dma_wait3A_58 : memref<16x128xf32, #tpu.memory_space<vmem_shared>>)
        tpu.yield
      }) : () -> ()
    } else {
    }
    %barrier3A = arith.constant 0 : index
    tpu.barrier barrier_id(%barrier3A)
    %mul3A_26 = arith.constant 10000 : i32
    %mul3A_27 = arith.muli %add3A, %mul3A_26 : i32
    %scan3A_28 = arith.constant 0 : i32
    %scan3A_29 = arith.constant 0 : i32
    %scan3A_30 = arith.constant 125 : i32
    %scan3A_31 = arith.addi %scan3A_29, %scan3A_30 : i32
    %scan3A_32 = arith.constant 1 : i32
    scf.for %scan3A_40 = %scan3A_29 to %scan3A_31 step %scan3A_32  : i32 {
      %mul3A_41 = arith.constant 80 : i32
      %mul3A_42 = arith.muli %scan3A_40, %mul3A_41 : i32
      %add3A_43 = arith.addi %mul3A_27, %mul3A_42 : i32
      %dma_start3A = arith.constant 0 : i32
      %dma_start3A_44 = arith.constant 0 : i32
      %dma_start3A_45 = tpu.memref_slice %arg11[%dma_start3A, %dma_start3A_44] : memref<80x128xf32, #tpu.memory_space<vmem>> -> memref<40x128xf32, #tpu.memory_space<vmem>>
      %dma_start3A_46 = arith.constant 0 : i32
      %dma_start3A_47 = tpu.memref_slice %arg7[%scan3A_40, %dma_start3A_46] : memref<125x80xi32, #tpu.memory_space<vmem>> -> memref<1x40xi32, #tpu.memory_space<vmem>>
      %dma_start3A_48 = tpu.memref_squeeze %dma_start3A_47 : memref<1x40xi32, #tpu.memory_space<vmem>> -> memref<40xi32, #tpu.memory_space<vmem>>
      %dma_start3A_49 = arith.constant 0 : i32
      %dma_start3A_50 = arith.constant 0 : i32
      %dma_start3A_51 = tpu.memref_slice %arg2[%dma_start3A_49, %dma_start3A_50] : memref<10000x128xf32, #tpu.memory_space<hbm>> -> memref<10000x128xf32, #tpu.memory_space<hbm>>
      tpu.enqueue_indirect_dma source(%dma_start3A_51 : memref<10000x128xf32, #tpu.memory_space<hbm>>) target(%dma_start3A_45 : memref<40x128xf32, #tpu.memory_space<vmem>>) offsets(%dma_start3A_48 : memref<40xi32, #tpu.memory_space<vmem>>) semaphore(%arg13 : memref<!tpu.dma_semaphore, #tpu.memory_space<semaphore_mem>>)
      %dma_start3A_52 = arith.constant 40 : i32
      %dma_start3A_53 = arith.constant 0 : i32
      %dma_start3A_54 = tpu.memref_slice %arg11[%dma_start3A_52, %dma_start3A_53] : memref<80x128xf32, #tpu.memory_space<vmem>> -> memref<40x128xf32, #tpu.memory_space<vmem>>
      %dma_start3A_55 = arith.constant 40 : i32
      %dma_start3A_56 = tpu.memref_slice %arg7[%scan3A_40, %dma_start3A_55] : memref<125x80xi32, #tpu.memory_space<vmem>> -> memref<1x40xi32, #tpu.memory_space<vmem>>
      %dma_start3A_57 = tpu.memref_squeeze %dma_start3A_56 : memref<1x40xi32, #tpu.memory_space<vmem>> -> memref<40xi32, #tpu.memory_space<vmem>>
      %dma_start3A_58 = arith.constant 0 : i32
      %dma_start3A_59 = arith.constant 0 : i32
      %dma_start3A_60 = tpu.memref_slice %arg2[%dma_start3A_58, %dma_start3A_59] : memref<10000x128xf32, #tpu.memory_space<hbm>> -> memref<10000x128xf32, #tpu.memory_space<hbm>>
      tpu.enqueue_indirect_dma source(%dma_start3A_60 : memref<10000x128xf32, #tpu.memory_space<hbm>>) target(%dma_start3A_54 : memref<40x128xf32, #tpu.memory_space<vmem>>) offsets(%dma_start3A_57 : memref<40xi32, #tpu.memory_space<vmem>>) semaphore(%arg16 : memref<!tpu.dma_semaphore, #tpu.memory_space<semaphore_mem>>)
      %dma_start3A_61 = tpu.memref_slice %arg4[%add3A_43] : memref<320000xi32, #tpu.memory_space<hbm>> -> memref<40xi32, #tpu.memory_space<hbm>>
      %dma_start3A_62 = tpu.memref_slice %arg4[%add3A_43] : memref<320000xi32, #tpu.memory_space<hbm>> -> memref<40xi32, #tpu.memory_space<hbm>>
      tpu.enqueue_dma source(%dma_start3A_62 : memref<40xi32, #tpu.memory_space<hbm>>) target(%arg8 : memref<40xi32, #tpu.memory_space<vmem>>) target_semaphore(%arg18 : memref<!tpu.dma_semaphore, #tpu.memory_space<semaphore_mem>>)
      %add3A_63 = arith.constant 40 : i32
      %add3A_64 = arith.addi %add3A_43, %add3A_63 : i32
      %dma_start3A_65 = tpu.memref_slice %arg4[%add3A_64] : memref<320000xi32, #tpu.memory_space<hbm>> -> memref<40xi32, #tpu.memory_space<hbm>>
      %dma_start3A_66 = tpu.memref_slice %arg4[%add3A_64] : memref<320000xi32, #tpu.memory_space<hbm>> -> memref<40xi32, #tpu.memory_space<hbm>>
      tpu.enqueue_dma source(%dma_start3A_66 : memref<40xi32, #tpu.memory_space<hbm>>) target(%arg9 : memref<40xi32, #tpu.memory_space<vmem>>) target_semaphore(%arg19 : memref<!tpu.dma_semaphore, #tpu.memory_space<semaphore_mem>>)
      %dma_start3A_67 = arith.constant 0 : i32
      %dma_start3A_68 = arith.constant 0 : i32
      %dma_start3A_69 = tpu.memref_slice %arg10[%dma_start3A_67, %dma_start3A_68] : memref<80x128xf32, #tpu.memory_space<vmem>> -> memref<40x128xf32, #tpu.memory_space<vmem>>
      %dma_start3A_70 = arith.constant 0 : i32
      %dma_start3A_71 = tpu.memref_slice %arg5[%add3A_43, %dma_start3A_70] : memref<320000x128xf32, #tpu.memory_space<hbm>> -> memref<40x128xf32, #tpu.memory_space<hbm>>
      %dma_start3A_72 = arith.constant 0 : i32
      %dma_start3A_73 = arith.constant 0 : i32
      %dma_start3A_74 = tpu.memref_slice %arg10[%dma_start3A_72, %dma_start3A_73] : memref<80x128xf32, #tpu.memory_space<vmem>> -> memref<40x128xf32, #tpu.memory_space<vmem>>
      %dma_start3A_75 = arith.constant 0 : i32
      %dma_start3A_76 = tpu.memref_slice %arg5[%add3A_43, %dma_start3A_75] : memref<320000x128xf32, #tpu.memory_space<hbm>> -> memref<40x128xf32, #tpu.memory_space<hbm>>
      tpu.enqueue_dma source(%dma_start3A_76 : memref<40x128xf32, #tpu.memory_space<hbm>>) target(%dma_start3A_74 : memref<40x128xf32, #tpu.memory_space<vmem>>) target_semaphore(%arg14 : memref<!tpu.dma_semaphore, #tpu.memory_space<semaphore_mem>>)
      %add3A_77 = arith.constant 40 : i32
      %add3A_78 = arith.addi %add3A_43, %add3A_77 : i32
      %dma_start3A_79 = arith.constant 40 : i32
      %dma_start3A_80 = arith.constant 0 : i32
      %dma_start3A_81 = tpu.memref_slice %arg10[%dma_start3A_79, %dma_start3A_80] : memref<80x128xf32, #tpu.memory_space<vmem>> -> memref<40x128xf32, #tpu.memory_space<vmem>>
      %dma_start3A_82 = arith.constant 0 : i32
      %dma_start3A_83 = tpu.memref_slice %arg5[%add3A_78, %dma_start3A_82] : memref<320000x128xf32, #tpu.memory_space<hbm>> -> memref<40x128xf32, #tpu.memory_space<hbm>>
      %dma_start3A_84 = arith.constant 40 : i32
      %dma_start3A_85 = arith.constant 0 : i32
      %dma_start3A_86 = tpu.memref_slice %arg10[%dma_start3A_84, %dma_start3A_85] : memref<80x128xf32, #tpu.memory_space<vmem>> -> memref<40x128xf32, #tpu.memory_space<vmem>>
      %dma_start3A_87 = arith.constant 0 : i32
      %dma_start3A_88 = tpu.memref_slice %arg5[%add3A_78, %dma_start3A_87] : memref<320000x128xf32, #tpu.memory_space<hbm>> -> memref<40x128xf32, #tpu.memory_space<hbm>>
      tpu.enqueue_dma source(%dma_start3A_88 : memref<40x128xf32, #tpu.memory_space<hbm>>) target(%dma_start3A_86 : memref<40x128xf32, #tpu.memory_space<vmem>>) target_semaphore(%arg15 : memref<!tpu.dma_semaphore, #tpu.memory_space<semaphore_mem>>)
      %dma_wait3A = arith.constant 0 : i32
      %dma_wait3A_89 = arith.constant 0 : i32
      %dma_wait3A_90 = tpu.memref_slice %arg10[%dma_wait3A, %dma_wait3A_89] : memref<80x128xf32, #tpu.memory_space<vmem>> -> memref<40x128xf32, #tpu.memory_space<vmem>>
      %dma_wait3A_91 = arith.constant 0 : i32
      %dma_wait3A_92 = tpu.memref_slice %arg5[%add3A_43, %dma_wait3A_91] : memref<320000x128xf32, #tpu.memory_space<hbm>> -> memref<40x128xf32, #tpu.memory_space<hbm>>
      %dma_wait3A_93 = arith.constant 0 : i32
      %dma_wait3A_94 = arith.constant 0 : i32
      %dma_wait3A_95 = tpu.memref_slice %arg10[%dma_wait3A_93, %dma_wait3A_94] : memref<80x128xf32, #tpu.memory_space<vmem>> -> memref<40x128xf32, #tpu.memory_space<vmem>>
      %dma_wait3A_96 = arith.constant 0 : i32
      %dma_wait3A_97 = tpu.memref_slice %arg5[%add3A_43, %dma_wait3A_96] : memref<320000x128xf32, #tpu.memory_space<hbm>> -> memref<40x128xf32, #tpu.memory_space<hbm>>
      tpu.wait_dma2 semaphore(%arg14 : memref<!tpu.dma_semaphore, #tpu.memory_space<semaphore_mem>>) src(%dma_wait3A_97 : memref<40x128xf32, #tpu.memory_space<hbm>>) dst(%dma_wait3A_95 : memref<40x128xf32, #tpu.memory_space<vmem>>)
      %dma_wait3A_98 = arith.constant 0 : i32
      %dma_wait3A_99 = arith.constant 0 : i32
      %dma_wait3A_100 = tpu.memref_slice %arg11[%dma_wait3A_98, %dma_wait3A_99] : memref<80x128xf32, #tpu.memory_space<vmem>> -> memref<40x128xf32, #tpu.memory_space<vmem>>
      %dma_wait3A_101 = arith.constant 0 : i32
      %dma_wait3A_102 = tpu.memref_slice %arg7[%scan3A_40, %dma_wait3A_101] : memref<125x80xi32, #tpu.memory_space<vmem>> -> memref<1x40xi32, #tpu.memory_space<vmem>>
      %dma_wait3A_103 = tpu.memref_squeeze %dma_wait3A_102 : memref<1x40xi32, #tpu.memory_space<vmem>> -> memref<40xi32, #tpu.memory_space<vmem>>
      %dma_wait3A_104 = arith.constant 0 : i32
      %dma_wait3A_105 = arith.constant 0 : i32
      %dma_wait3A_106 = tpu.memref_slice %arg2[%dma_wait3A_104, %dma_wait3A_105] : memref<10000x128xf32, #tpu.memory_space<hbm>> -> memref<10000x128xf32, #tpu.memory_space<hbm>>
      tpu.wait_indirect_dma semaphore(%arg13 : memref<!tpu.dma_semaphore, #tpu.memory_space<semaphore_mem>>) src(%dma_wait3A_106 : memref<10000x128xf32, #tpu.memory_space<hbm>>) dst(%dma_wait3A_100 : memref<40x128xf32, #tpu.memory_space<vmem>>)
      %scan3A_107 = arith.constant 0 : i32
      %scan3A_108 = arith.constant 0 : i32
      %scan3A_109 = arith.constant 40 : i32
      %scan3A_110 = arith.addi %scan3A_108, %scan3A_109 : i32
      %scan3A_111 = arith.constant 1 : i32
      scf.for %scan3A_170 = %scan3A_108 to %scan3A_110 step %scan3A_111  : i32 {
        %get3A = arith.index_cast %scan3A_170 : i32 to index
        %get3A_171 = arith.constant 0 : index
        %get3A_172 = tpu.vector_load %arg10[%get3A, %get3A_171] {strides = array<i32>} : memref<80x128xf32, #tpu.memory_space<vmem>>, vector<1x16xf32>,
        %get3A_173 = vector.shape_cast %get3A_172 : vector<1x16xf32> to vector<16xf32>
        %get3A_174 = arith.index_cast %scan3A_170 : i32 to index
        %get3A_175 = arith.constant 0 : index
        %get3A_176 = tpu.vector_load %arg11[%get3A_174, %get3A_175] {strides = array<i32>} : memref<80x128xf32, #tpu.memory_space<vmem>>, vector<1x16xf32>,
        %get3A_177 = vector.shape_cast %get3A_176 : vector<1x16xf32> to vector<16xf32>
        %add3A_178 = arith.addf %get3A_173, %get3A_177 : vector<16xf32>
        %max3A = arith.constant 0.000000e+00 : f32
        %max3A_179 = vector.broadcast %max3A : f32 to vector<16xf32>
        %max3A_180 = arith.maximumf %add3A_178, %max3A_179 : vector<16xf32>
        %swap3A = arith.index_cast %scan3A_170 : i32 to index
        %swap3A_181 = arith.constant 0 : index
        %swap3A_182 = tpu.vector_load %arg10[%swap3A, %swap3A_181] {strides = array<i32>} : memref<80x128xf32, #tpu.memory_space<vmem>>, vector<1x16xf32>,
        %swap3A_183 = vector.shape_cast %swap3A_182 : vector<1x16xf32> to vector<16xf32>
        %swap3A_184 = vector.shape_cast %max3A_180 : vector<16xf32> to vector<1x16xf32>
        tpu.vector_store %arg10[%swap3A, %swap3A_181], %swap3A_184 {strides = array<i32>} : memref<80x128xf32, #tpu.memory_space<vmem>>, vector<1x16xf32>,
        %get3A_185 = arith.index_cast %scan3A_170 : i32 to index
        %get3A_186 = arith.constant 16 : index
        %get3A_187 = tpu.vector_load %arg10[%get3A_185, %get3A_186] {strides = array<i32>} : memref<80x128xf32, #tpu.memory_space<vmem>>, vector<1x16xf32>,
        %get3A_188 = vector.shape_cast %get3A_187 : vector<1x16xf32> to vector<16xf32>
        %get3A_189 = arith.index_cast %scan3A_170 : i32 to index
        %get3A_190 = arith.constant 16 : index
        %get3A_191 = tpu.vector_load %arg11[%get3A_189, %get3A_190] {strides = array<i32>} : memref<80x128xf32, #tpu.memory_space<vmem>>, vector<1x16xf32>,
        %get3A_192 = vector.shape_cast %get3A_191 : vector<1x16xf32> to vector<16xf32>
        %add3A_193 = arith.addf %get3A_188, %get3A_192 : vector<16xf32>
        %max3A_194 = arith.constant 0.000000e+00 : f32
        %max3A_195 = vector.broadcast %max3A_194 : f32 to vector<16xf32>
        %max3A_196 = arith.maximumf %add3A_193, %max3A_195 : vector<16xf32>
        %swap3A_197 = arith.index_cast %scan3A_170 : i32 to index
        %swap3A_198 = arith.constant 16 : index
        %swap3A_199 = tpu.vector_load %arg10[%swap3A_197, %swap3A_198] {strides = array<i32>} : memref<80x128xf32, #tpu.memory_space<vmem>>, vector<1x16xf32>,
        %swap3A_200 = vector.shape_cast %swap3A_199 : vector<1x16xf32> to vector<16xf32>
        %swap3A_201 = vector.shape_cast %max3A_196 : vector<16xf32> to vector<1x16xf32>
        tpu.vector_store %arg10[%swap3A_197, %swap3A_198], %swap3A_201 {strides = array<i32>} : memref<80x128xf32, #tpu.memory_space<vmem>>, vector<1x16xf32>,
        %get3A_202 = arith.index_cast %scan3A_170 : i32 to index
        %get3A_203 = arith.constant 32 : index
        %get3A_204 = tpu.vector_load %arg10[%get3A_202, %get3A_203] {strides = array<i32>} : memref<80x128xf32, #tpu.memory_space<vmem>>, vector<1x16xf32>,
        %get3A_205 = vector.shape_cast %get3A_204 : vector<1x16xf32> to vector<16xf32>
        %get3A_206 = arith.index_cast %scan3A_170 : i32 to index
        %get3A_207 = arith.constant 32 : index
        %get3A_208 = tpu.vector_load %arg11[%get3A_206, %get3A_207] {strides = array<i32>} : memref<80x128xf32, #tpu.memory_space<vmem>>, vector<1x16xf32>,
        %get3A_209 = vector.shape_cast %get3A_208 : vector<1x16xf32> to vector<16xf32>
        %add3A_210 = arith.addf %get3A_205, %get3A_209 : vector<16xf32>
        %max3A_211 = arith.constant 0.000000e+00 : f32
        %max3A_212 = vector.broadcast %max3A_211 : f32 to vector<16xf32>
        %max3A_213 = arith.maximumf %add3A_210, %max3A_212 : vector<16xf32>
        %swap3A_214 = arith.index_cast %scan3A_170 : i32 to index
        %swap3A_215 = arith.constant 32 : index
        %swap3A_216 = tpu.vector_load %arg10[%swap3A_214, %swap3A_215] {strides = array<i32>} : memref<80x128xf32, #tpu.memory_space<vmem>>, vector<1x16xf32>,
        %swap3A_217 = vector.shape_cast %swap3A_216 : vector<1x16xf32> to vector<16xf32>
        %swap3A_218 = vector.shape_cast %max3A_213 : vector<16xf32> to vector<1x16xf32>
        tpu.vector_store %arg10[%swap3A_214, %swap3A_215], %swap3A_218 {strides = array<i32>} : memref<80x128xf32, #tpu.memory_space<vmem>>, vector<1x16xf32>,
        %get3A_219 = arith.index_cast %scan3A_170 : i32 to index
        %get3A_220 = arith.constant 48 : index
        %get3A_221 = tpu.vector_load %arg10[%get3A_219, %get3A_220] {strides = array<i32>} : memref<80x128xf32, #tpu.memory_space<vmem>>, vector<1x16xf32>,
        %get3A_222 = vector.shape_cast %get3A_221 : vector<1x16xf32> to vector<16xf32>
        %get3A_223 = arith.index_cast %scan3A_170 : i32 to index
        %get3A_224 = arith.constant 48 : index
        %get3A_225 = tpu.vector_load %arg11[%get3A_223, %get3A_224] {strides = array<i32>} : memref<80x128xf32, #tpu.memory_space<vmem>>, vector<1x16xf32>,
        %get3A_226 = vector.shape_cast %get3A_225 : vector<1x16xf32> to vector<16xf32>
        %add3A_227 = arith.addf %get3A_222, %get3A_226 : vector<16xf32>
        %max3A_228 = arith.constant 0.000000e+00 : f32
        %max3A_229 = vector.broadcast %max3A_228 : f32 to vector<16xf32>
        %max3A_230 = arith.maximumf %add3A_227, %max3A_229 : vector<16xf32>
        %swap3A_231 = arith.index_cast %scan3A_170 : i32 to index
        %swap3A_232 = arith.constant 48 : index
        %swap3A_233 = tpu.vector_load %arg10[%swap3A_231, %swap3A_232] {strides = array<i32>} : memref<80x128xf32, #tpu.memory_space<vmem>>, vector<1x16xf32>,
        %swap3A_234 = vector.shape_cast %swap3A_233 : vector<1x16xf32> to vector<16xf32>
        %swap3A_235 = vector.shape_cast %max3A_230 : vector<16xf32> to vector<1x16xf32>
        tpu.vector_store %arg10[%swap3A_231, %swap3A_232], %swap3A_235 {strides = array<i32>} : memref<80x128xf32, #tpu.memory_space<vmem>>, vector<1x16xf32>,
        %get3A_236 = arith.index_cast %scan3A_170 : i32 to index
        %get3A_237 = arith.constant 64 : index
        %get3A_238 = tpu.vector_load %arg10[%get3A_236, %get3A_237] {strides = array<i32>} : memref<80x128xf32, #tpu.memory_space<vmem>>, vector<1x16xf32>,
        %get3A_239 = vector.shape_cast %get3A_238 : vector<1x16xf32> to vector<16xf32>
        %get3A_240 = arith.index_cast %scan3A_170 : i32 to index
        %get3A_241 = arith.constant 64 : index
        %get3A_242 = tpu.vector_load %arg11[%get3A_240, %get3A_241] {strides = array<i32>} : memref<80x128xf32, #tpu.memory_space<vmem>>, vector<1x16xf32>,
        %get3A_243 = vector.shape_cast %get3A_242 : vector<1x16xf32> to vector<16xf32>
        %add3A_244 = arith.addf %get3A_239, %get3A_243 : vector<16xf32>
        %max3A_245 = arith.constant 0.000000e+00 : f32
        %max3A_246 = vector.broadcast %max3A_245 : f32 to vector<16xf32>
        %max3A_247 = arith.maximumf %add3A_244, %max3A_246 : vector<16xf32>
        %swap3A_248 = arith.index_cast %scan3A_170 : i32 to index
        %swap3A_249 = arith.constant 64 : index
        %swap3A_250 = tpu.vector_load %arg10[%swap3A_248, %swap3A_249] {strides = array<i32>} : memref<80x128xf32, #tpu.memory_space<vmem>>, vector<1x16xf32>,
        %swap3A_251 = vector.shape_cast %swap3A_250 : vector<1x16xf32> to vector<16xf32>
        %swap3A_252 = vector.shape_cast %max3A_247 : vector<16xf32> to vector<1x16xf32>
        tpu.vector_store %arg10[%swap3A_248, %swap3A_249], %swap3A_252 {strides = array<i32>} : memref<80x128xf32, #tpu.memory_space<vmem>>, vector<1x16xf32>,
        %get3A_253 = arith.index_cast %scan3A_170 : i32 to index
        %get3A_254 = arith.constant 80 : index
        %get3A_255 = tpu.vector_load %arg10[%get3A_253, %get3A_254] {strides = array<i32>} : memref<80x128xf32, #tpu.memory_space<vmem>>, vector<1x16xf32>,
        %get3A_256 = vector.shape_cast %get3A_255 : vector<1x16xf32> to vector<16xf32>
        %get3A_257 = arith.index_cast %scan3A_170 : i32 to index
        %get3A_258 = arith.constant 80 : index
        %get3A_259 = tpu.vector_load %arg11[%get3A_257, %get3A_258] {strides = array<i32>} : memref<80x128xf32, #tpu.memory_space<vmem>>, vector<1x16xf32>,
        %get3A_260 = vector.shape_cast %get3A_259 : vector<1x16xf32> to vector<16xf32>
        %add3A_261 = arith.addf %get3A_256, %get3A_260 : vector<16xf32>
        %max3A_262 = arith.constant 0.000000e+00 : f32
        %max3A_263 = vector.broadcast %max3A_262 : f32 to vector<16xf32>
        %max3A_264 = arith.maximumf %add3A_261, %max3A_263 : vector<16xf32>
        %swap3A_265 = arith.index_cast %scan3A_170 : i32 to index
        %swap3A_266 = arith.constant 80 : index
        %swap3A_267 = tpu.vector_load %arg10[%swap3A_265, %swap3A_266] {strides = array<i32>} : memref<80x128xf32, #tpu.memory_space<vmem>>, vector<1x16xf32>,
        %swap3A_268 = vector.shape_cast %swap3A_267 : vector<1x16xf32> to vector<16xf32>
        %swap3A_269 = vector.shape_cast %max3A_264 : vector<16xf32> to vector<1x16xf32>
        tpu.vector_store %arg10[%swap3A_265, %swap3A_266], %swap3A_269 {strides = array<i32>} : memref<80x128xf32, #tpu.memory_space<vmem>>, vector<1x16xf32>,
        %get3A_270 = arith.index_cast %scan3A_170 : i32 to index
        %get3A_271 = arith.constant 96 : index
        %get3A_272 = tpu.vector_load %arg10[%get3A_270, %get3A_271] {strides = array<i32>} : memref<80x128xf32, #tpu.memory_space<vmem>>, vector<1x16xf32>,
        %get3A_273 = vector.shape_cast %get3A_272 : vector<1x16xf32> to vector<16xf32>
        %get3A_274 = arith.index_cast %scan3A_170 : i32 to index
        %get3A_275 = arith.constant 96 : index
        %get3A_276 = tpu.vector_load %arg11[%get3A_274, %get3A_275] {strides = array<i32>} : memref<80x128xf32, #tpu.memory_space<vmem>>, vector<1x16xf32>,
        %get3A_277 = vector.shape_cast %get3A_276 : vector<1x16xf32> to vector<16xf32>
        %add3A_278 = arith.addf %get3A_273, %get3A_277 : vector<16xf32>
        %max3A_279 = arith.constant 0.000000e+00 : f32
        %max3A_280 = vector.broadcast %max3A_279 : f32 to vector<16xf32>
        %max3A_281 = arith.maximumf %add3A_278, %max3A_280 : vector<16xf32>
        %swap3A_282 = arith.index_cast %scan3A_170 : i32 to index
        %swap3A_283 = arith.constant 96 : index
        %swap3A_284 = tpu.vector_load %arg10[%swap3A_282, %swap3A_283] {strides = array<i32>} : memref<80x128xf32, #tpu.memory_space<vmem>>, vector<1x16xf32>,
        %swap3A_285 = vector.shape_cast %swap3A_284 : vector<1x16xf32> to vector<16xf32>
        %swap3A_286 = vector.shape_cast %max3A_281 : vector<16xf32> to vector<1x16xf32>
        tpu.vector_store %arg10[%swap3A_282, %swap3A_283], %swap3A_286 {strides = array<i32>} : memref<80x128xf32, #tpu.memory_space<vmem>>, vector<1x16xf32>,
        %get3A_287 = arith.index_cast %scan3A_170 : i32 to index
        %get3A_288 = arith.constant 112 : index
        %get3A_289 = tpu.vector_load %arg10[%get3A_287, %get3A_288] {strides = array<i32>} : memref<80x128xf32, #tpu.memory_space<vmem>>, vector<1x16xf32>,
        %get3A_290 = vector.shape_cast %get3A_289 : vector<1x16xf32> to vector<16xf32>
        %get3A_291 = arith.index_cast %scan3A_170 : i32 to index
        %get3A_292 = arith.constant 112 : index
        %get3A_293 = tpu.vector_load %arg11[%get3A_291, %get3A_292] {strides = array<i32>} : memref<80x128xf32, #tpu.memory_space<vmem>>, vector<1x16xf32>,
        %get3A_294 = vector.shape_cast %get3A_293 : vector<1x16xf32> to vector<16xf32>
        %add3A_295 = arith.addf %get3A_290, %get3A_294 : vector<16xf32>
        %max3A_296 = arith.constant 0.000000e+00 : f32
        %max3A_297 = vector.broadcast %max3A_296 : f32 to vector<16xf32>
        %max3A_298 = arith.maximumf %add3A_295, %max3A_297 : vector<16xf32>
        %swap3A_299 = arith.index_cast %scan3A_170 : i32 to index
        %swap3A_300 = arith.constant 112 : index
        %swap3A_301 = tpu.vector_load %arg10[%swap3A_299, %swap3A_300] {strides = array<i32>} : memref<80x128xf32, #tpu.memory_space<vmem>>, vector<1x16xf32>,
        %swap3A_302 = vector.shape_cast %swap3A_301 : vector<1x16xf32> to vector<16xf32>
        %swap3A_303 = vector.shape_cast %max3A_298 : vector<16xf32> to vector<1x16xf32>
        tpu.vector_store %arg10[%swap3A_299, %swap3A_300], %swap3A_303 {strides = array<i32>} : memref<80x128xf32, #tpu.memory_space<vmem>>, vector<1x16xf32>,
      }
      %scan3A_112 = arith.constant 40 : i32
      %dma_wait3A_113 = tpu.memref_slice %arg4[%add3A_43] : memref<320000xi32, #tpu.memory_space<hbm>> -> memref<40xi32, #tpu.memory_space<hbm>>
      %dma_wait3A_114 = tpu.memref_slice %arg4[%add3A_43] : memref<320000xi32, #tpu.memory_space<hbm>> -> memref<40xi32, #tpu.memory_space<hbm>>
      tpu.wait_dma2 semaphore(%arg18 : memref<!tpu.dma_semaphore, #tpu.memory_space<semaphore_mem>>) src(%dma_wait3A_114 : memref<40xi32, #tpu.memory_space<hbm>>) dst(%arg8 : memref<40xi32, #tpu.memory_space<vmem>>)
      %dma_start3A_115 = arith.constant 0 : i32
      %dma_start3A_116 = arith.constant 0 : i32
      %dma_start3A_117 = tpu.memref_slice %arg10[%dma_start3A_115, %dma_start3A_116] : memref<80x128xf32, #tpu.memory_space<vmem>> -> memref<40x128xf32, #tpu.memory_space<vmem>>
      %dma_start3A_118 = arith.constant 0 : i32
      %dma_start3A_119 = arith.constant 0 : i32
      %dma_start3A_120 = tpu.memref_slice %arg12[%dma_start3A_118, %dma_start3A_119] : memref<10000x128xf32, #tpu.memory_space<vmem_shared>> -> memref<10000x128xf32, #tpu.memory_space<vmem_shared>>
      tpu.enqueue_indirect_dma source(%dma_start3A_117 : memref<40x128xf32, #tpu.memory_space<vmem>>) target(%dma_start3A_120 : memref<10000x128xf32, #tpu.memory_space<vmem_shared>>) offsets(%arg8 : memref<40xi32, #tpu.memory_space<vmem>>) semaphore(%arg20 : memref<!tpu.dma_semaphore, #tpu.memory_space<semaphore_mem>>) {add = true}
      %add3A_121 = arith.constant 40 : i32
      %add3A_122 = arith.addi %add3A_43, %add3A_121 : i32
      %dma_wait3A_123 = arith.constant 40 : i32
      %dma_wait3A_124 = arith.constant 0 : i32
      %dma_wait3A_125 = tpu.memref_slice %arg10[%dma_wait3A_123, %dma_wait3A_124] : memref<80x128xf32, #tpu.memory_space<vmem>> -> memref<40x128xf32, #tpu.memory_space<vmem>>
      %dma_wait3A_126 = arith.constant 0 : i32
      %dma_wait3A_127 = tpu.memref_slice %arg5[%add3A_122, %dma_wait3A_126] : memref<320000x128xf32, #tpu.memory_space<hbm>> -> memref<40x128xf32, #tpu.memory_space<hbm>>
      %dma_wait3A_128 = arith.constant 40 : i32
      %dma_wait3A_129 = arith.constant 0 : i32
      %dma_wait3A_130 = tpu.memref_slice %arg10[%dma_wait3A_128, %dma_wait3A_129] : memref<80x128xf32, #tpu.memory_space<vmem>> -> memref<40x128xf32, #tpu.memory_space<vmem>>
      %dma_wait3A_131 = arith.constant 0 : i32
      %dma_wait3A_132 = tpu.memref_slice %arg5[%add3A_122, %dma_wait3A_131] : memref<320000x128xf32, #tpu.memory_space<hbm>> -> memref<40x128xf32, #tpu.memory_space<hbm>>
      tpu.wait_dma2 semaphore(%arg15 : memref<!tpu.dma_semaphore, #tpu.memory_space<semaphore_mem>>) src(%dma_wait3A_132 : memref<40x128xf32, #tpu.memory_space<hbm>>) dst(%dma_wait3A_130 : memref<40x128xf32, #tpu.memory_space<vmem>>)
      %dma_wait3A_133 = arith.constant 40 : i32
      %dma_wait3A_134 = arith.constant 0 : i32
      %dma_wait3A_135 = tpu.memref_slice %arg11[%dma_wait3A_133, %dma_wait3A_134] : memref<80x128xf32, #tpu.memory_space<vmem>> -> memref<40x128xf32, #tpu.memory_space<vmem>>
      %dma_wait3A_136 = arith.constant 40 : i32
      %dma_wait3A_137 = tpu.memref_slice %arg7[%scan3A_40, %dma_wait3A_136] : memref<125x80xi32, #tpu.memory_space<vmem>> -> memref<1x40xi32, #tpu.memory_space<vmem>>
      %dma_wait3A_138 = tpu.memref_squeeze %dma_wait3A_137 : memref<1x40xi32, #tpu.memory_space<vmem>> -> memref<40xi32, #tpu.memory_space<vmem>>
      %dma_wait3A_139 = arith.constant 0 : i32
      %dma_wait3A_140 = arith.constant 0 : i32
      %dma_wait3A_141 = tpu.memref_slice %arg2[%dma_wait3A_139, %dma_wait3A_140] : memref<10000x128xf32, #tpu.memory_space<hbm>> -> memref<10000x128xf32, #tpu.memory_space<hbm>>
      tpu.wait_indirect_dma semaphore(%arg16 : memref<!tpu.dma_semaphore, #tpu.memory_space<semaphore_mem>>) src(%dma_wait3A_141 : memref<10000x128xf32, #tpu.memory_space<hbm>>) dst(%dma_wait3A_135 : memref<40x128xf32, #tpu.memory_space<vmem>>)
      %scan3A_142 = arith.constant 0 : i32
      %scan3A_143 = arith.constant 40 : i32
      %scan3A_144 = arith.constant 40 : i32
      %scan3A_145 = arith.addi %scan3A_143, %scan3A_144 : i32
      %scan3A_146 = arith.constant 1 : i32
      scf.for %scan3A_170 = %scan3A_143 to %scan3A_145 step %scan3A_146  : i32 {
        %get3A = arith.index_cast %scan3A_170 : i32 to index
        %get3A_171 = arith.constant 0 : index
        %get3A_172 = tpu.vector_load %arg10[%get3A, %get3A_171] {strides = array<i32>} : memref<80x128xf32, #tpu.memory_space<vmem>>, vector<1x16xf32>,
        %get3A_173 = vector.shape_cast %get3A_172 : vector<1x16xf32> to vector<16xf32>
        %get3A_174 = arith.index_cast %scan3A_170 : i32 to index
        %get3A_175 = arith.constant 0 : index
        %get3A_176 = tpu.vector_load %arg11[%get3A_174, %get3A_175] {strides = array<i32>} : memref<80x128xf32, #tpu.memory_space<vmem>>, vector<1x16xf32>,
        %get3A_177 = vector.shape_cast %get3A_176 : vector<1x16xf32> to vector<16xf32>
        %add3A_178 = arith.addf %get3A_173, %get3A_177 : vector<16xf32>
        %max3A = arith.constant 0.000000e+00 : f32
        %max3A_179 = vector.broadcast %max3A : f32 to vector<16xf32>
        %max3A_180 = arith.maximumf %add3A_178, %max3A_179 : vector<16xf32>
        %swap3A = arith.index_cast %scan3A_170 : i32 to index
        %swap3A_181 = arith.constant 0 : index
        %swap3A_182 = tpu.vector_load %arg10[%swap3A, %swap3A_181] {strides = array<i32>} : memref<80x128xf32, #tpu.memory_space<vmem>>, vector<1x16xf32>,
        %swap3A_183 = vector.shape_cast %swap3A_182 : vector<1x16xf32> to vector<16xf32>
        %swap3A_184 = vector.shape_cast %max3A_180 : vector<16xf32> to vector<1x16xf32>
        tpu.vector_store %arg10[%swap3A, %swap3A_181], %swap3A_184 {strides = array<i32>} : memref<80x128xf32, #tpu.memory_space<vmem>>, vector<1x16xf32>,
        %get3A_185 = arith.index_cast %scan3A_170 : i32 to index
        %get3A_186 = arith.constant 16 : index
        %get3A_187 = tpu.vector_load %arg10[%get3A_185, %get3A_186] {strides = array<i32>} : memref<80x128xf32, #tpu.memory_space<vmem>>, vector<1x16xf32>,
        %get3A_188 = vector.shape_cast %get3A_187 : vector<1x16xf32> to vector<16xf32>
        %get3A_189 = arith.index_cast %scan3A_170 : i32 to index
        %get3A_190 = arith.constant 16 : index
        %get3A_191 = tpu.vector_load %arg11[%get3A_189, %get3A_190] {strides = array<i32>} : memref<80x128xf32, #tpu.memory_space<vmem>>, vector<1x16xf32>,
        %get3A_192 = vector.shape_cast %get3A_191 : vector<1x16xf32> to vector<16xf32>
        %add3A_193 = arith.addf %get3A_188, %get3A_192 : vector<16xf32>
        %max3A_194 = arith.constant 0.000000e+00 : f32
        %max3A_195 = vector.broadcast %max3A_194 : f32 to vector<16xf32>
        %max3A_196 = arith.maximumf %add3A_193, %max3A_195 : vector<16xf32>
        %swap3A_197 = arith.index_cast %scan3A_170 : i32 to index
        %swap3A_198 = arith.constant 16 : index
        %swap3A_199 = tpu.vector_load %arg10[%swap3A_197, %swap3A_198] {strides = array<i32>} : memref<80x128xf32, #tpu.memory_space<vmem>>, vector<1x16xf32>,
        %swap3A_200 = vector.shape_cast %swap3A_199 : vector<1x16xf32> to vector<16xf32>
        %swap3A_201 = vector.shape_cast %max3A_196 : vector<16xf32> to vector<1x16xf32>
        tpu.vector_store %arg10[%swap3A_197, %swap3A_198], %swap3A_201 {strides = array<i32>} : memref<80x128xf32, #tpu.memory_space<vmem>>, vector<1x16xf32>,
        %get3A_202 = arith.index_cast %scan3A_170 : i32 to index
        %get3A_203 = arith.constant 32 : index
        %get3A_204 = tpu.vector_load %arg10[%get3A_202, %get3A_203] {strides = array<i32>} : memref<80x128xf32, #tpu.memory_space<vmem>>, vector<1x16xf32>,
        %get3A_205 = vector.shape_cast %get3A_204 : vector<1x16xf32> to vector<16xf32>
        %get3A_206 = arith.index_cast %scan3A_170 : i32 to index
        %get3A_207 = arith.constant 32 : index
        %get3A_208 = tpu.vector_load %arg11[%get3A_206, %get3A_207] {strides = array<i32>} : memref<80x128xf32, #tpu.memory_space<vmem>>, vector<1x16xf32>,
        %get3A_209 = vector.shape_cast %get3A_208 : vector<1x16xf32> to vector<16xf32>
        %add3A_210 = arith.addf %get3A_205, %get3A_209 : vector<16xf32>
        %max3A_211 = arith.constant 0.000000e+00 : f32
        %max3A_212 = vector.broadcast %max3A_211 : f32 to vector<16xf32>
        %max3A_213 = arith.maximumf %add3A_210, %max3A_212 : vector<16xf32>
        %swap3A_214 = arith.index_cast %scan3A_170 : i32 to index
        %swap3A_215 = arith.constant 32 : index
        %swap3A_216 = tpu.vector_load %arg10[%swap3A_214, %swap3A_215] {strides = array<i32>} : memref<80x128xf32, #tpu.memory_space<vmem>>, vector<1x16xf32>,
        %swap3A_217 = vector.shape_cast %swap3A_216 : vector<1x16xf32> to vector<16xf32>
        %swap3A_218 = vector.shape_cast %max3A_213 : vector<16xf32> to vector<1x16xf32>
        tpu.vector_store %arg10[%swap3A_214, %swap3A_215], %swap3A_218 {strides = array<i32>} : memref<80x128xf32, #tpu.memory_space<vmem>>, vector<1x16xf32>,
        %get3A_219 = arith.index_cast %scan3A_170 : i32 to index
        %get3A_220 = arith.constant 48 : index
        %get3A_221 = tpu.vector_load %arg10[%get3A_219, %get3A_220] {strides = array<i32>} : memref<80x128xf32, #tpu.memory_space<vmem>>, vector<1x16xf32>,
        %get3A_222 = vector.shape_cast %get3A_221 : vector<1x16xf32> to vector<16xf32>
        %get3A_223 = arith.index_cast %scan3A_170 : i32 to index
        %get3A_224 = arith.constant 48 : index
        %get3A_225 = tpu.vector_load %arg11[%get3A_223, %get3A_224] {strides = array<i32>} : memref<80x128xf32, #tpu.memory_space<vmem>>, vector<1x16xf32>,
        %get3A_226 = vector.shape_cast %get3A_225 : vector<1x16xf32> to vector<16xf32>
        %add3A_227 = arith.addf %get3A_222, %get3A_226 : vector<16xf32>
        %max3A_228 = arith.constant 0.000000e+00 : f32
        %max3A_229 = vector.broadcast %max3A_228 : f32 to vector<16xf32>
        %max3A_230 = arith.maximumf %add3A_227, %max3A_229 : vector<16xf32>
        %swap3A_231 = arith.index_cast %scan3A_170 : i32 to index
        %swap3A_232 = arith.constant 48 : index
        %swap3A_233 = tpu.vector_load %arg10[%swap3A_231, %swap3A_232] {strides = array<i32>} : memref<80x128xf32, #tpu.memory_space<vmem>>, vector<1x16xf32>,
        %swap3A_234 = vector.shape_cast %swap3A_233 : vector<1x16xf32> to vector<16xf32>
        %swap3A_235 = vector.shape_cast %max3A_230 : vector<16xf32> to vector<1x16xf32>
        tpu.vector_store %arg10[%swap3A_231, %swap3A_232], %swap3A_235 {strides = array<i32>} : memref<80x128xf32, #tpu.memory_space<vmem>>, vector<1x16xf32>,
        %get3A_236 = arith.index_cast %scan3A_170 : i32 to index
        %get3A_237 = arith.constant 64 : index
        %get3A_238 = tpu.vector_load %arg10[%get3A_236, %get3A_237] {strides = array<i32>} : memref<80x128xf32, #tpu.memory_space<vmem>>, vector<1x16xf32>,
        %get3A_239 = vector.shape_cast %get3A_238 : vector<1x16xf32> to vector<16xf32>
        %get3A_240 = arith.index_cast %scan3A_170 : i32 to index
        %get3A_241 = arith.constant 64 : index
        %get3A_242 = tpu.vector_load %arg11[%get3A_240, %get3A_241] {strides = array<i32>} : memref<80x128xf32, #tpu.memory_space<vmem>>, vector<1x16xf32>,
        %get3A_243 = vector.shape_cast %get3A_242 : vector<1x16xf32> to vector<16xf32>
        %add3A_244 = arith.addf %get3A_239, %get3A_243 : vector<16xf32>
        %max3A_245 = arith.constant 0.000000e+00 : f32
        %max3A_246 = vector.broadcast %max3A_245 : f32 to vector<16xf32>
        %max3A_247 = arith.maximumf %add3A_244, %max3A_246 : vector<16xf32>
        %swap3A_248 = arith.index_cast %scan3A_170 : i32 to index
        %swap3A_249 = arith.constant 64 : index
        %swap3A_250 = tpu.vector_load %arg10[%swap3A_248, %swap3A_249] {strides = array<i32>} : memref<80x128xf32, #tpu.memory_space<vmem>>, vector<1x16xf32>,
        %swap3A_251 = vector.shape_cast %swap3A_250 : vector<1x16xf32> to vector<16xf32>
        %swap3A_252 = vector.shape_cast %max3A_247 : vector<16xf32> to vector<1x16xf32>
        tpu.vector_store %arg10[%swap3A_248, %swap3A_249], %swap3A_252 {strides = array<i32>} : memref<80x128xf32, #tpu.memory_space<vmem>>, vector<1x16xf32>,
        %get3A_253 = arith.index_cast %scan3A_170 : i32 to index
        %get3A_254 = arith.constant 80 : index
        %get3A_255 = tpu.vector_load %arg10[%get3A_253, %get3A_254] {strides = array<i32>} : memref<80x128xf32, #tpu.memory_space<vmem>>, vector<1x16xf32>,
        %get3A_256 = vector.shape_cast %get3A_255 : vector<1x16xf32> to vector<16xf32>
        %get3A_257 = arith.index_cast %scan3A_170 : i32 to index
        %get3A_258 = arith.constant 80 : index
        %get3A_259 = tpu.vector_load %arg11[%get3A_257, %get3A_258] {strides = array<i32>} : memref<80x128xf32, #tpu.memory_space<vmem>>, vector<1x16xf32>,
        %get3A_260 = vector.shape_cast %get3A_259 : vector<1x16xf32> to vector<16xf32>
        %add3A_261 = arith.addf %get3A_256, %get3A_260 : vector<16xf32>
        %max3A_262 = arith.constant 0.000000e+00 : f32
        %max3A_263 = vector.broadcast %max3A_262 : f32 to vector<16xf32>
        %max3A_264 = arith.maximumf %add3A_261, %max3A_263 : vector<16xf32>
        %swap3A_265 = arith.index_cast %scan3A_170 : i32 to index
        %swap3A_266 = arith.constant 80 : index
        %swap3A_267 = tpu.vector_load %arg10[%swap3A_265, %swap3A_266] {strides = array<i32>} : memref<80x128xf32, #tpu.memory_space<vmem>>, vector<1x16xf32>,
        %swap3A_268 = vector.shape_cast %swap3A_267 : vector<1x16xf32> to vector<16xf32>
        %swap3A_269 = vector.shape_cast %max3A_264 : vector<16xf32> to vector<1x16xf32>
        tpu.vector_store %arg10[%swap3A_265, %swap3A_266], %swap3A_269 {strides = array<i32>} : memref<80x128xf32, #tpu.memory_space<vmem>>, vector<1x16xf32>,
        %get3A_270 = arith.index_cast %scan3A_170 : i32 to index
        %get3A_271 = arith.constant 96 : index
        %get3A_272 = tpu.vector_load %arg10[%get3A_270, %get3A_271] {strides = array<i32>} : memref<80x128xf32, #tpu.memory_space<vmem>>, vector<1x16xf32>,
        %get3A_273 = vector.shape_cast %get3A_272 : vector<1x16xf32> to vector<16xf32>
        %get3A_274 = arith.index_cast %scan3A_170 : i32 to index
        %get3A_275 = arith.constant 96 : index
        %get3A_276 = tpu.vector_load %arg11[%get3A_274, %get3A_275] {strides = array<i32>} : memref<80x128xf32, #tpu.memory_space<vmem>>, vector<1x16xf32>,
        %get3A_277 = vector.shape_cast %get3A_276 : vector<1x16xf32> to vector<16xf32>
        %add3A_278 = arith.addf %get3A_273, %get3A_277 : vector<16xf32>
        %max3A_279 = arith.constant 0.000000e+00 : f32
        %max3A_280 = vector.broadcast %max3A_279 : f32 to vector<16xf32>
        %max3A_281 = arith.maximumf %add3A_278, %max3A_280 : vector<16xf32>
        %swap3A_282 = arith.index_cast %scan3A_170 : i32 to index
        %swap3A_283 = arith.constant 96 : index
        %swap3A_284 = tpu.vector_load %arg10[%swap3A_282, %swap3A_283] {strides = array<i32>} : memref<80x128xf32, #tpu.memory_space<vmem>>, vector<1x16xf32>,
        %swap3A_285 = vector.shape_cast %swap3A_284 : vector<1x16xf32> to vector<16xf32>
        %swap3A_286 = vector.shape_cast %max3A_281 : vector<16xf32> to vector<1x16xf32>
        tpu.vector_store %arg10[%swap3A_282, %swap3A_283], %swap3A_286 {strides = array<i32>} : memref<80x128xf32, #tpu.memory_space<vmem>>, vector<1x16xf32>,
        %get3A_287 = arith.index_cast %scan3A_170 : i32 to index
        %get3A_288 = arith.constant 112 : index
        %get3A_289 = tpu.vector_load %arg10[%get3A_287, %get3A_288] {strides = array<i32>} : memref<80x128xf32, #tpu.memory_space<vmem>>, vector<1x16xf32>,
        %get3A_290 = vector.shape_cast %get3A_289 : vector<1x16xf32> to vector<16xf32>
        %get3A_291 = arith.index_cast %scan3A_170 : i32 to index
        %get3A_292 = arith.constant 112 : index
        %get3A_293 = tpu.vector_load %arg11[%get3A_291, %get3A_292] {strides = array<i32>} : memref<80x128xf32, #tpu.memory_space<vmem>>, vector<1x16xf32>,
        %get3A_294 = vector.shape_cast %get3A_293 : vector<1x16xf32> to vector<16xf32>
        %add3A_295 = arith.addf %get3A_290, %get3A_294 : vector<16xf32>
        %max3A_296 = arith.constant 0.000000e+00 : f32
        %max3A_297 = vector.broadcast %max3A_296 : f32 to vector<16xf32>
        %max3A_298 = arith.maximumf %add3A_295, %max3A_297 : vector<16xf32>
        %swap3A_299 = arith.index_cast %scan3A_170 : i32 to index
        %swap3A_300 = arith.constant 112 : index
        %swap3A_301 = tpu.vector_load %arg10[%swap3A_299, %swap3A_300] {strides = array<i32>} : memref<80x128xf32, #tpu.memory_space<vmem>>, vector<1x16xf32>,
        %swap3A_302 = vector.shape_cast %swap3A_301 : vector<1x16xf32> to vector<16xf32>
        %swap3A_303 = vector.shape_cast %max3A_298 : vector<16xf32> to vector<1x16xf32>
        tpu.vector_store %arg10[%swap3A_299, %swap3A_300], %swap3A_303 {strides = array<i32>} : memref<80x128xf32, #tpu.memory_space<vmem>>, vector<1x16xf32>,
      }
      %scan3A_147 = arith.constant 40 : i32
      %add3A_148 = arith.constant 40 : i32
      %add3A_149 = arith.addi %add3A_43, %add3A_148 : i32
      %dma_wait3A_150 = tpu.memref_slice %arg4[%add3A_149] : memref<320000xi32, #tpu.memory_space<hbm>> -> memref<40xi32, #tpu.memory_space<hbm>>
      %dma_wait3A_151 = tpu.memref_slice %arg4[%add3A_149] : memref<320000xi32, #tpu.memory_space<hbm>> -> memref<40xi32, #tpu.memory_space<hbm>>
      tpu.wait_dma2 semaphore(%arg19 : memref<!tpu.dma_semaphore, #tpu.memory_space<semaphore_mem>>) src(%dma_wait3A_151 : memref<40xi32, #tpu.memory_space<hbm>>) dst(%arg9 : memref<40xi32, #tpu.memory_space<vmem>>)
      %dma_start3A_152 = arith.constant 40 : i32
      %dma_start3A_153 = arith.constant 0 : i32
      %dma_start3A_154 = tpu.memref_slice %arg10[%dma_start3A_152, %dma_start3A_153] : memref<80x128xf32, #tpu.memory_space<vmem>> -> memref<40x128xf32, #tpu.memory_space<vmem>>
      %dma_start3A_155 = arith.constant 0 : i32
      %dma_start3A_156 = arith.constant 0 : i32
      %dma_start3A_157 = tpu.memref_slice %arg12[%dma_start3A_155, %dma_start3A_156] : memref<10000x128xf32, #tpu.memory_space<vmem_shared>> -> memref<10000x128xf32, #tpu.memory_space<vmem_shared>>
      tpu.enqueue_indirect_dma source(%dma_start3A_154 : memref<40x128xf32, #tpu.memory_space<vmem>>) target(%dma_start3A_157 : memref<10000x128xf32, #tpu.memory_space<vmem_shared>>) offsets(%arg9 : memref<40xi32, #tpu.memory_space<vmem>>) semaphore(%arg21 : memref<!tpu.dma_semaphore, #tpu.memory_space<semaphore_mem>>) {add = true}
      %dma_wait3A_158 = arith.constant 0 : i32
      %dma_wait3A_159 = arith.constant 0 : i32
      %dma_wait3A_160 = tpu.memref_slice %arg10[%dma_wait3A_158, %dma_wait3A_159] : memref<80x128xf32, #tpu.memory_space<vmem>> -> memref<40x128xf32, #tpu.memory_space<vmem>>
      %dma_wait3A_161 = arith.constant 0 : i32
      %dma_wait3A_162 = arith.constant 0 : i32
      %dma_wait3A_163 = tpu.memref_slice %arg12[%dma_wait3A_161, %dma_wait3A_162] : memref<10000x128xf32, #tpu.memory_space<vmem_shared>> -> memref<10000x128xf32, #tpu.memory_space<vmem_shared>>
      tpu.wait_indirect_dma semaphore(%arg20 : memref<!tpu.dma_semaphore, #tpu.memory_space<semaphore_mem>>) src(%dma_wait3A_160 : memref<40x128xf32, #tpu.memory_space<vmem>>) dst(%dma_wait3A_163 : memref<10000x128xf32, #tpu.memory_space<vmem_shared>>)
      %dma_wait3A_164 = arith.constant 40 : i32
      %dma_wait3A_165 = arith.constant 0 : i32
      %dma_wait3A_166 = tpu.memref_slice %arg10[%dma_wait3A_164, %dma_wait3A_165] : memref<80x128xf32, #tpu.memory_space<vmem>> -> memref<40x128xf32, #tpu.memory_space<vmem>>
      %dma_wait3A_167 = arith.constant 0 : i32
      %dma_wait3A_168 = arith.constant 0 : i32
      %dma_wait3A_169 = tpu.memref_slice %arg12[%dma_wait3A_167, %dma_wait3A_168] : memref<10000x128xf32, #tpu.memory_space<vmem_shared>> -> memref<10000x128xf32, #tpu.memory_space<vmem_shared>>
      tpu.wait_indirect_dma semaphore(%arg21 : memref<!tpu.dma_semaphore, #tpu.memory_space<semaphore_mem>>) src(%dma_wait3A_166 : memref<40x128xf32, #tpu.memory_space<vmem>>) dst(%dma_wait3A_169 : memref<10000x128xf32, #tpu.memory_space<vmem_shared>>)
    }
    %scan3A_33 = arith.constant 125 : i32
    %barrier3A_34 = arith.constant 0 : index
    tpu.barrier barrier_id(%barrier3A_34)
    "tpu.region"() ({
      %run_scoped3A = tpu.sem_alloc : memref<!tpu.dma_semaphore, #tpu.memory_space<semaphore_mem>>
      %dma_start3A = arith.constant 0 : i32
      %dma_start3A_40 = tpu.memref_slice %arg6[%arg0, %mul3A_2, %dma_start3A] : memref<2x10000x128xf32, #tpu.memory_space<hbm>> -> memref<1x624x128xf32, #tpu.memory_space<hbm>>
      %dma_start3A_41 = tpu.memref_squeeze %dma_start3A_40 : memref<1x624x128xf32, #tpu.memory_space<hbm>> -> memref<624x128xf32, #tpu.memory_space<hbm>>
      %dma_start3A_42 = arith.constant 0 : i32
      %dma_start3A_43 = tpu.memref_slice %arg12[%mul3A_2, %dma_start3A_42] : memref<10000x128xf32, #tpu.memory_space<vmem_shared>> -> memref<624x128xf32, #tpu.memory_space<vmem_shared>>
      tpu.enqueue_dma source(%dma_start3A_43 : memref<624x128xf32, #tpu.memory_space<vmem_shared>>) target(%dma_start3A_41 : memref<624x128xf32, #tpu.memory_space<hbm>>) target_semaphore(%run_scoped3A : memref<!tpu.dma_semaphore, #tpu.memory_space<semaphore_mem>>)
      %dma_wait3A = arith.constant 0 : i32
      %dma_wait3A_44 = tpu.memref_slice %arg6[%arg0, %mul3A_2, %dma_wait3A] : memref<2x10000x128xf32, #tpu.memory_space<hbm>> -> memref<1x624x128xf32, #tpu.memory_space<hbm>>
      %dma_wait3A_45 = tpu.memref_squeeze %dma_wait3A_44 : memref<1x624x128xf32, #tpu.memory_space<hbm>> -> memref<624x128xf32, #tpu.memory_space<hbm>>
      %dma_wait3A_46 = arith.constant 0 : i32
      %dma_wait3A_47 = tpu.memref_slice %arg12[%mul3A_2, %dma_wait3A_46] : memref<10000x128xf32, #tpu.memory_space<vmem_shared>> -> memref<624x128xf32, #tpu.memory_space<vmem_shared>>
      tpu.wait_dma2 semaphore(%run_scoped3A : memref<!tpu.dma_semaphore, #tpu.memory_space<semaphore_mem>>) src(%dma_wait3A_47 : memref<624x128xf32, #tpu.memory_space<vmem_shared>>) dst(%dma_wait3A_45 : memref<624x128xf32, #tpu.memory_space<hbm>>)
      tpu.yield
    }) : () -> ()
    %eq3A_35 = arith.constant 15 : i32
    %eq3A_36 = arith.cmpi eq, %arg1, %eq3A_35 : i32
    %convert_element_type3A_37 = arith.extui %eq3A_36 : i1 to i32
    %cond3A_38 = arith.constant 0 : i32
    %cond3A_39 = arith.cmpi ne, %convert_element_type3A_37, %cond3A_38 : i32
    scf.if %cond3A_39 {
      "tpu.region"() ({
        %run_scoped3A = tpu.sem_alloc : memref<!tpu.dma_semaphore, #tpu.memory_space<semaphore_mem>>
        %dma_start3A = arith.constant 9984 : i32
        %dma_start3A_40 = arith.constant 0 : i32
        %dma_start3A_41 = tpu.memref_slice %arg6[%arg0, %dma_start3A, %dma_start3A_40] : memref<2x10000x128xf32, #tpu.memory_space<hbm>> -> memref<1x16x128xf32, #tpu.memory_space<hbm>>
        %dma_start3A_42 = tpu.memref_squeeze %dma_start3A_41 : memref<1x16x128xf32, #tpu.memory_space<hbm>> -> memref<16x128xf32, #tpu.memory_space<hbm>>
        %dma_start3A_43 = arith.constant 9984 : i32
        %dma_start3A_44 = arith.constant 0 : i32
        %dma_start3A_45 = tpu.memref_slice %arg12[%dma_start3A_43, %dma_start3A_44] : memref<10000x128xf32, #tpu.memory_space<vmem_shared>> -> memref<16x128xf32, #tpu.memory_space<vmem_shared>>
        tpu.enqueue_dma source(%dma_start3A_45 : memref<16x128xf32, #tpu.memory_space<vmem_shared>>) target(%dma_start3A_42 : memref<16x128xf32, #tpu.memory_space<hbm>>) target_semaphore(%run_scoped3A : memref<!tpu.dma_semaphore, #tpu.memory_space<semaphore_mem>>)
        %dma_wait3A = arith.constant 9984 : i32
        %dma_wait3A_46 = arith.constant 0 : i32
        %dma_wait3A_47 = tpu.memref_slice %arg6[%arg0, %dma_wait3A, %dma_wait3A_46] : memref<2x10000x128xf32, #tpu.memory_space<hbm>> -> memref<1x16x128xf32, #tpu.memory_space<hbm>>
        %dma_wait3A_48 = tpu.memref_squeeze %dma_wait3A_47 : memref<1x16x128xf32, #tpu.memory_space<hbm>> -> memref<16x128xf32, #tpu.memory_space<hbm>>
        %dma_wait3A_49 = arith.constant 9984 : i32
        %dma_wait3A_50 = arith.constant 0 : i32
        %dma_wait3A_51 = tpu.memref_slice %arg12[%dma_wait3A_49, %dma_wait3A_50] : memref<10000x128xf32, #tpu.memory_space<vmem_shared>> -> memref<16x128xf32, #tpu.memory_space<vmem_shared>>
        tpu.wait_dma2 semaphore(%run_scoped3A : memref<!tpu.dma_semaphore, #tpu.memory_space<semaphore_mem>>) src(%dma_wait3A_51 : memref<16x128xf32, #tpu.memory_space<vmem_shared>>) dst(%dma_wait3A_48 : memref<16x128xf32, #tpu.memory_space<hbm>>)
        tpu.yield
      }) : () -> ()
    } else {
    }
    return
  }
}

module attributes {stable_mosaic.version = 14 : i64} {
  func.func @body(%arg0: i32, %arg1: memref<1000x128xf32, #tpu.memory_space<vmem>>, %arg2: memref<1000x128xf32, #tpu.memory_space<vmem>>, %arg3: memref<1000x128xf32, #tpu.memory_space<vmem>>, %arg4: memref<128x128xf32, #tpu.memory_space<vmem>>, %arg5: memref<1x128xf32, #tpu.memory_space<vmem>>, %arg6: memref<1000x128xf32, #tpu.memory_space<vmem>>) attributes {dimension_semantics = [#tpu.dimension_semantics<arbitrary>], iteration_bounds = array<i64: 10>, scalar_prefetch = 0 : i64, scratch_operands = 0 : i64, tpu.core_type = #tpu.core_type<tc>, window_params = [{transform_indices = @transform_0, window_bounds = array<i64: 1000, 128>}, {transform_indices = @transform_1, window_bounds = array<i64: 1000, 128>}, {transform_indices = @transform_2, window_bounds = array<i64: 1000, 128>}, {pipeline_mode = #tpu.pipeline_mode<synchronous>, transform_indices = @transform_3, window_bounds = array<i64: 128, 128>}, {pipeline_mode = #tpu.pipeline_mode<synchronous>, transform_indices = @transform_4, window_bounds = array<i64: 1, 128>}, {transform_indices = @transform_5, window_bounds = array<i64: 1000, 128>}]} {
    %get3A = arith.constant 0 : index
    %get3A_0 = arith.constant 0 : index
    %get3A_1 = vector.load %arg1[%get3A, %get3A_0] : memref<1000x128xf32, #tpu.memory_space<vmem>>, vector<1000x128xf32>
    %get3A_2 = arith.constant 0 : index
    %get3A_3 = arith.constant 0 : index
    %get3A_4 = vector.load %arg2[%get3A_2, %get3A_3] : memref<1000x128xf32, #tpu.memory_space<vmem>>, vector<1000x128xf32>
    %add3A = arith.addf %get3A_1, %get3A_4 : vector<1000x128xf32>
    %get3A_5 = arith.constant 0 : index
    %get3A_6 = arith.constant 0 : index
    %get3A_7 = vector.load %arg3[%get3A_5, %get3A_6] : memref<1000x128xf32, #tpu.memory_space<vmem>>, vector<1000x128xf32>
    %add3A_8 = arith.addf %add3A, %get3A_7 : vector<1000x128xf32>
    %get3A_9 = arith.constant 0 : index
    %get3A_10 = arith.constant 0 : index
    %get3A_11 = vector.load %arg4[%get3A_9, %get3A_10] : memref<128x128xf32, #tpu.memory_space<vmem>>, vector<128x128xf32>
    %dot_general3A = arith.constant dense<0.000000e+00> : vector<1000x128xf32>
    %dot_general3A_12 = tpu.matmul %add3A_8, %get3A_11, %dot_general3A {dimension_numbers = #tpu.dot_dimension_numbers<[1], [0], [0], [1], [0, 0, 1, 1], [], []>, transpose_lhs_hint = false} : vector<1000x128xf32>, vector<128x128xf32>, vector<1000x128xf32> -> vector<1000x128xf32>
    %get3A_13 = arith.constant 0 : index
    %get3A_14 = arith.constant 0 : index
    %get3A_15 = vector.load %arg5[%get3A_13, %get3A_14] : memref<1x128xf32, #tpu.memory_space<vmem>>, vector<1x128xf32>
    %add3A_16 = vector.broadcast %get3A_15 : vector<1x128xf32> to vector<1000x128xf32>
    %add3A_17 = arith.addf %dot_general3A_12, %add3A_16 : vector<1000x128xf32>
    %max3A = arith.constant 0.000000e+00 : f32
    %max3A_18 = vector.broadcast %max3A : f32 to vector<1000x128xf32>
    %max3A_19 = arith.maximumf %add3A_17, %max3A_18 : vector<1000x128xf32>
    %swap3A = arith.constant 0 : index
    %swap3A_20 = arith.constant 0 : index
    %swap3A_21 = vector.load %arg6[%swap3A, %swap3A_20] : memref<1000x128xf32, #tpu.memory_space<vmem>>, vector<1000x128xf32>
    tpu.vector_store %arg6[%swap3A, %swap3A_20], %max3A_19 {strides = array<i32>} : memref<1000x128xf32, #tpu.memory_space<vmem>>, vector<1000x128xf32>,
    return
  }
  func.func @transform_0(%arg0: i32) -> (i32, i32) {
    %c0_i32 = arith.constant 0 : i32
    %c0_i32_0 = arith.constant 0 : i32
    return %arg0, %c0_i32 : i32, i32
  }
  func.func @transform_1(%arg0: i32) -> (i32, i32) {
    %c0_i32 = arith.constant 0 : i32
    %c0_i32_0 = arith.constant 0 : i32
    return %arg0, %c0_i32 : i32, i32
  }
  func.func @transform_2(%arg0: i32) -> (i32, i32) {
    %c0_i32 = arith.constant 0 : i32
    %c0_i32_0 = arith.constant 0 : i32
    return %arg0, %c0_i32 : i32, i32
  }
  func.func @transform_3(%arg0: i32) -> (i32, i32) {
    %c0_i32 = arith.constant 0 : i32
    %c0_i32_0 = arith.constant 0 : i32
    %c0_i32_1 = arith.constant 0 : i32
    return %c0_i32, %c0_i32_0 : i32, i32
  }
  func.func @transform_4(%arg0: i32) -> (i32, i32) {
    %c0_i32 = arith.constant 0 : i32
    %c0_i32_0 = arith.constant 0 : i32
    %c0_i32_1 = arith.constant 0 : i32
    return %c0_i32, %c0_i32_0 : i32, i32
  }
  func.func @transform_5(%arg0: i32) -> (i32, i32) {
    %c0_i32 = arith.constant 0 : i32
    %c0_i32_0 = arith.constant 0 : i32
    return %arg0, %c0_i32 : i32, i32
  }
}

module attributes {stable_mosaic.version = 14 : i64} {
  func.func @body(%arg0: i32, %arg1: memref<1000x128xf32, #tpu.memory_space<vmem>>, %arg2: memref<1000x128xf32, #tpu.memory_space<vmem>>, %arg3: memref<1000x128xf32, #tpu.memory_space<vmem>>, %arg4: memref<128x128xf32, #tpu.memory_space<vmem>>, %arg5: memref<1x128xf32, #tpu.memory_space<vmem>>, %arg6: memref<1000x128xf32, #tpu.memory_space<vmem>>) attributes {dimension_semantics = [#tpu.dimension_semantics<arbitrary>], iteration_bounds = array<i64: 10>, scalar_prefetch = 0 : i64, scratch_operands = 0 : i64, tpu.core_type = #tpu.core_type<tc>, window_params = [{transform_indices = @transform_0, window_bounds = array<i64: 1000, 128>}, {transform_indices = @transform_1, window_bounds = array<i64: 1000, 128>}, {transform_indices = @transform_2, window_bounds = array<i64: 1000, 128>}, {pipeline_mode = #tpu.pipeline_mode<synchronous>, transform_indices = @transform_3, window_bounds = array<i64: 128, 128>}, {pipeline_mode = #tpu.pipeline_mode<synchronous>, transform_indices = @transform_4, window_bounds = array<i64: 1, 128>}, {transform_indices = @transform_5, window_bounds = array<i64: 1000, 128>}]} {
    %get3A = arith.constant 0 : index
    %get3A_0 = arith.constant 0 : index
    %get3A_1 = vector.load %arg1[%get3A, %get3A_0] : memref<1000x128xf32, #tpu.memory_space<vmem>>, vector<1000x128xf32>
    %get3A_2 = arith.constant 0 : index
    %get3A_3 = arith.constant 0 : index
    %get3A_4 = vector.load %arg2[%get3A_2, %get3A_3] : memref<1000x128xf32, #tpu.memory_space<vmem>>, vector<1000x128xf32>
    %add3A = arith.addf %get3A_1, %get3A_4 : vector<1000x128xf32>
    %get3A_5 = arith.constant 0 : index
    %get3A_6 = arith.constant 0 : index
    %get3A_7 = vector.load %arg3[%get3A_5, %get3A_6] : memref<1000x128xf32, #tpu.memory_space<vmem>>, vector<1000x128xf32>
    %add3A_8 = arith.addf %add3A, %get3A_7 : vector<1000x128xf32>
    %get3A_9 = arith.constant 0 : index
    %get3A_10 = arith.constant 0 : index
    %get3A_11 = vector.load %arg4[%get3A_9, %get3A_10] : memref<128x128xf32, #tpu.memory_space<vmem>>, vector<128x128xf32>
    %dot_general3A = arith.constant dense<0.000000e+00> : vector<1000x128xf32>
    %dot_general3A_12 = tpu.matmul %add3A_8, %get3A_11, %dot_general3A {dimension_numbers = #tpu.dot_dimension_numbers<[1], [0], [0], [1], [0, 0, 1, 1], [], []>, transpose_lhs_hint = false} : vector<1000x128xf32>, vector<128x128xf32>, vector<1000x128xf32> -> vector<1000x128xf32>
    %get3A_13 = arith.constant 0 : index
    %get3A_14 = arith.constant 0 : index
    %get3A_15 = vector.load %arg5[%get3A_13, %get3A_14] : memref<1x128xf32, #tpu.memory_space<vmem>>, vector<1x128xf32>
    %add3A_16 = vector.broadcast %get3A_15 : vector<1x128xf32> to vector<1000x128xf32>
    %add3A_17 = arith.addf %dot_general3A_12, %add3A_16 : vector<1000x128xf32>
    %max3A = arith.constant 0.000000e+00 : f32
    %max3A_18 = vector.broadcast %max3A : f32 to vector<1000x128xf32>
    %max3A_19 = arith.maximumf %add3A_17, %max3A_18 : vector<1000x128xf32>
    %swap3A = arith.constant 0 : index
    %swap3A_20 = arith.constant 0 : index
    %swap3A_21 = vector.load %arg6[%swap3A, %swap3A_20] : memref<1000x128xf32, #tpu.memory_space<vmem>>, vector<1000x128xf32>
    tpu.vector_store %arg6[%swap3A, %swap3A_20], %max3A_19 {strides = array<i32>} : memref<1000x128xf32, #tpu.memory_space<vmem>>, vector<1000x128xf32>,
    return
  }
  func.func @transform_0(%arg0: i32) -> (i32, i32) {
    %c0_i32 = arith.constant 0 : i32
    %c0_i32_0 = arith.constant 0 : i32
    return %arg0, %c0_i32 : i32, i32
  }
  func.func @transform_1(%arg0: i32) -> (i32, i32) {
    %c0_i32 = arith.constant 0 : i32
    %c0_i32_0 = arith.constant 0 : i32
    return %arg0, %c0_i32 : i32, i32
  }
  func.func @transform_2(%arg0: i32) -> (i32, i32) {
    %c0_i32 = arith.constant 0 : i32
    %c0_i32_0 = arith.constant 0 : i32
    return %arg0, %c0_i32 : i32, i32
  }
  func.func @transform_3(%arg0: i32) -> (i32, i32) {
    %c0_i32 = arith.constant 0 : i32
    %c0_i32_0 = arith.constant 0 : i32
    %c0_i32_1 = arith.constant 0 : i32
    return %c0_i32, %c0_i32_0 : i32, i32
  }
  func.func @transform_4(%arg0: i32) -> (i32, i32) {
    %c0_i32 = arith.constant 0 : i32
    %c0_i32_0 = arith.constant 0 : i32
    %c0_i32_1 = arith.constant 0 : i32
    return %c0_i32, %c0_i32_0 : i32, i32
  }
  func.func @transform_5(%arg0: i32) -> (i32, i32) {
    %c0_i32 = arith.constant 0 : i32
    %c0_i32_0 = arith.constant 0 : i32
    return %arg0, %c0_i32 : i32, i32
  }
}

</mosaic_0001>

<sc_bundles>
// kernel: kernel.6.cloned.1.call-start
scs
__scs_entry_jumppad:
0x0: {  	(pc) =	sbr.rel $0x88, $3  }
0x1: {  	(tag) =	ssettag $0x0;
	lr =	simm.s32 $0x1  }
0x2: {  	[smem:$0x3F9A] =	sst lr;
	_ =	strace $0xD0000000  }
0x3: {  	_ = 	snop  }
0x4: {  	_ = 	snop  }
0x5: {  	_ = 	snop  }
0x6: {  	_ = 	snop  }
0x7: {  	_ = 	snop  }
__scs_overlays_trampoline_lowered:
0x8: {  	[smem:$0x3FA9] =	sst s0  }
0x9: {  	[smem:$0x3FAA] =	sst s1  }
0xa: {  	[smem:$0x3FAB] =	sst s2  }
0xb: {  	[smem:$0x3FAC] =	sst s3  }
0xc: {  	[smem:$0x3FAD] =	sst s4  }
0xd: {  	[smem:$0x3FAE] =	sst s5  }
0xe: {  	[smem:$0x3FAF] =	sst s6  }
0xf: {  	[smem:$0x3FB0] =	sst s7  }
0x10: {  	[smem:$0x3FB1] =	sst s8  }
0x11: {  	[smem:$0x3FB2] =	sst s9;
	s0 =	simm.s32 @!p0 $0x0  }
0x12: {  	s1 =	sld [smem:$0x3F98];
	s0 =	simm.s32 @p0 $0x1  }
0x13: {  	[smem:$0x3FB3] =	sst s0;
	s0 =	simm.s32 @!p1 $0x0  }
0x14: {  	s2 =	sld [smem:$0x3F97];
	s0 =	simm.s32 @p1 $0x1  }
0x15: {  	[smem:$0x3FB4] =	sst s0;
	s0 =	simm.s32 @!p2 $0x0  }
0x16: {  	s3 =	sld [smem:$0x3FDB];
	s0 =	simm.s32 @p2 $0x1  }
0x17: {  	s4 =	simm.s32 $0x1BF5;
	[smem:$0x3FB6] =	sst s0  }
0x18: {  	s0 =	sld [smem:$0x3F99];
	_ =	swait.ge [sflag:s4], $0x0  }
0x19: {  	s7 =	sld [smem:$0x3F9A]  }
0x1a: {  	s8 =	sadd.s32 $0xFFFFE003, lr  }
0x1b: {  	s9 =	sadd.s32 $0xFFFFFEF7, lr;
	s5 =	simm.s32 $0xFFFFFFFF;
	p2 =	slt.u32 s8, $0xFFFFF086  }
0x1c: {  	p1 =	slt.u32 s9, $0xF7A;
	s5 =	simm.s32 @!p2 $0x0  }
0x1d: {  	s5 =	simm.s32 @p1 $0x1;
	p0 =	seq.s32 s7, s2  }
0x1e: {  	s7 =	smul.u32 @!p0 $0xF7A, s2;
	p2 =	seq.s32 @!p0 s5, $0x0  }
0x1f: {  	s9 =	smul.u32 $0xF7A, s1;
	s8 =	simm.s32 @!p0 $0x1BF5;
	p2 =	por !p2, p0  }
0x20: {  	[sflag:s8] =	ssyncset.s32 @!p0 $0xFFFFF086;
	s6 =	sadd.s32 @!p0 s3, s7;
	s7 =	simm.s32 @!p0 $0x108  }
0x21: {  	s3 =	sadd.s32 s3, s9;
	s6 =	sadd.s32 @!p0 $0x88, s6;
	s7 =	simm.s32 @p2 $0x1082  }
0x22: {  	[simem:s7], [sflag:s8] =	dma.local @!p0 [hbm:s6], $0xF7A  }
0x23: {  	s9 =	sor.u32 $0xD0000000, s2;
	s6 =	simm.s32 $0x108;
	_ =	swait.ge @!p0 [sflag:s8], $0x0  }
0x24: {  	s3 =	sadd.s32 $0x88, s3;
	s6 =	simm.s32 @!p1 $0x1082;
	[sflag:s4] =	ssyncset.s32 $0xFFFFF086  }
0x25: {  	[simem:s6], [sflag:s4] =	dma.local [hbm:s3], $0xF7A  }
0x26: {  	[smem:$0x3F9A] =	sst s1;
	(tag) =	ssettag s2;
	_ =	strace s9  }
0x27: {  	s1 =	sld [smem:$0x3FAA]  }
0x28: {  	s2 =	sld [smem:$0x3FAB]  }
0x29: {  	s4 =	sld [smem:$0x3FAD]  }
0x2a: {  	p0 =	seq.s32 s5, $0x0;
	s5 =	sld [smem:$0x3FAE]  }
0x2b: {  	s6 =	sld [smem:$0x3FAF]  }
0x2c: {  	s7 =	sld [smem:$0x3FB0]  }
0x2d: {  	s3 =	simm.s32 $0x108;
	s8 =	sld [smem:$0x3FB1]  }
0x2e: {  	s3 =	simm.s32 @!p0 $0x1082;
	s9 =	sld [smem:$0x3FB2]  }
0x2f: {  	lr =	sadd.s32 s0, s3;
	s0 =	sld [smem:$0x3FA9]  }
0x30: {  	s3 =	sld [smem:$0x3FAC]  }
0x31: {  	[smem:$0x3FB5] =	sst s10  }
0x32: {  	s10 =	sld [smem:$0x3FB3];
	_ =	sdelay $0x3  }
0x33: {  	p0 =	seq.s32 s10, $0x1;
	s10 =	sld [smem:$0x3FB5];
	_ =	sdelay $0x3  }
0x34: {  	[smem:$0x3FB5] =	sst s10  }
0x35: {  	s10 =	sld [smem:$0x3FB4];
	_ =	sdelay $0x3  }
0x36: {  	p1 =	seq.s32 s10, $0x1;
	s10 =	sld [smem:$0x3FB5];
	_ =	sdelay $0x3  }
0x37: {  	[smem:$0x3FB5] =	sst s10  }
0x38: {  	s10 =	sld [smem:$0x3FB6]  }
0x39: {  	_ = 	snop;
	(pc) =	sbr.ind lr, $3  }
0x3a: {  	_ = 	snop  }
0x3b: {  	_ = 	snop  }
0x3c: {  	p2 =	seq.s32 s10, $0x1;
	s10 =	sld [smem:$0x3FB5]  }
0x3d: {  	_ =	shalt  }
0x3e: {  	_ =	shalt  }
0x3f: {  	_ =	shalt  }
0x40: {  	_ =	shalt  }
0x41: {  	_ =	shalt  }
0x42: {  	_ =	shalt  }
0x43: {  	_ =	shalt  }
0x44: {  	_ =	shalt  }
0x45: {  	_ =	shalt  }
0x46: {  	_ =	shalt  }
0x47: {  	_ =	shalt  }
0x48: {  	_ =	shalt  }
0x49: {  	_ =	shalt  }
0x4a: {  	_ =	shalt  }
0x4b: {  	_ =	shalt  }
0x4c: {  	_ =	shalt  }
0x4d: {  	_ =	shalt  }
0x4e: {  	_ =	shalt  }
0x4f: {  	_ =	shalt  }
0x50: {  	_ =	shalt  }
0x51: {  	_ =	shalt  }
0x52: {  	_ =	shalt  }
0x53: {  	_ =	shalt  }
0x54: {  	_ =	shalt  }
0x55: {  	_ =	shalt  }
0x56: {  	_ =	shalt  }
0x57: {  	_ =	shalt  }
0x58: {  	_ =	shalt  }
0x59: {  	_ =	shalt  }
0x5a: {  	_ =	shalt  }
0x5b: {  	_ =	shalt  }
0x5c: {  	_ =	shalt  }
0x5d: {  	_ =	shalt  }
0x5e: {  	_ =	shalt  }
0x5f: {  	_ =	shalt  }
0x60: {  	_ =	shalt  }
0x61: {  	_ =	shalt  }
0x62: {  	_ =	shalt  }
0x63: {  	_ =	shalt  }
0x64: {  	_ =	shalt  }
0x65: {  	_ =	shalt  }
0x66: {  	_ =	shalt  }
0x67: {  	_ =	shalt  }
0x68: {  	_ =	shalt  }
0x69: {  	_ =	shalt  }
0x6a: {  	_ =	shalt  }
0x6b: {  	_ =	shalt  }
0x6c: {  	_ =	shalt  }
0x6d: {  	_ =	shalt  }
0x6e: {  	_ =	shalt  }
0x6f: {  	_ =	shalt  }
0x70: {  	_ =	shalt  }
0x71: {  	_ =	shalt  }
0x72: {  	_ =	shalt  }
0x73: {  	_ =	shalt  }
0x74: {  	_ =	shalt  }
0x75: {  	_ =	shalt  }
0x76: {  	_ =	shalt  }
0x77: {  	_ =	shalt  }
0x78: {  	_ =	shalt  }
0x79: {  	_ =	shalt  }
0x7a: {  	_ =	shalt  }
0x7b: {  	_ =	shalt  }
0x7c: {  	_ =	shalt  }
0x7d: {  	_ =	shalt  }
0x7e: {  	_ =	shalt  }
0x7f: {  	_ =	shalt  }
0x80: {  	_ =	shalt  }
0x81: {  	_ =	shalt  }
0x82: {  	_ =	shalt  }
0x83: {  	_ =	shalt  }
0x84: {  	_ =	shalt  }
0x85: {  	_ =	shalt  }
0x86: {  	_ =	shalt  }
0x87: {  	_ =	shalt  }
.Lfunc_end0:
.L_simem_size_0:
called_computation_lowered:
.L_overlay_start_0:
0x88: {  	s2 =	sld [smem:$0x3FD9]  }
0x89: {  	s3 =	sld [smem:$0x3FFE];
	_ =	sdelay $0x1  }
0x8a: {  	s1 =	srdreg.scid  }
0x8b: {  	s0 =	sand.u32 $0x1, s1  }
0x8c: {  	s17 =	sshll.u32 s0, $0xA;
	s2 =	sadd.s32 s3, s2  }
0x8d: {  	s2 =	sadd.s32 s2, s17  }
0x8e: {  	[smem:$0x3FC1] =	sst s2  }
0x8f: {  	_ = 	snop  }
0x90: {  	s2 =	sld [smem:$0x3FC9]  }
0x91: {  	s18 =	sld [smem:$0x3FC7];
	(tm) =	ssettm $0x1  }
0x92: {  	s4 =	sld [smem:$0x3FFB];
	_ =	sdelay $0x3  }
0x93: {  	_ =	strace s4  }
0x94: {  	s4 =	sld [smem:$0x3FFC];
	_ =	sdelay $0x3  }
0x95: {  	_ =	strace s4  }
0x96: {  	s4 =	sld [smem:$0x3FFD];
	_ =	sdelay $0x3  }
0x97: {  	_ =	strace s4  }
0x98: {  	_ =	strace $0x8FFFFFFF  }
0x99: {  	s19 =	sld [smem:$0x3FDB];
	_ =	sdelay $0x1  }
0x9a: {  	s5 =	simm.s32 $_scs_section_size  }
0x9b: {  	s6 =	simm.s32 $_size__tile_overlayer_lowered;
	s7 =	simm.s32 $_tile_overlayer_lowered  }
0x9c: {  	s22 =	simm.s32 $0x1BFF;
	s21 =	sshll.u32 s7, $0x1;
	s4 =	sadd.s32 s5, s19  }
0x9d: {  	s8 =	simm.s32 $0x0;
	s20 =	sshll.u32 s6, $0x1;
	s6 =	sadd.s32 s21, s4  }
0x9e: {  	[timem:s8], [sflag:s22] =	dma.local [hbm:s6], s20  }
0x9f: {  	_ =	swait.ge [sflag:s22], s20  }
0xa0: {  	s5 =	ssub.s32 $0x0, s20;
	[sflag:s22] =	ssyncset.done $0x0  }
0xa1: {  	[sflag:s22] =	ssyncadd.s32 s5;
	_ =	sdelay $0x1  }
0xa2: {  	s23 =	simm.s32 $0x1B8B  }
0xa3: {  	_ =	swait.ge [sflag:s23], $0x1  }
0xa4: {  	[sflag:s23] =	ssyncset.done $0x0  }
0xa5: {  	s25 =	simm.s32 $0x1B8E;
	s24 =	sld [smem:$0x3FFE];
	[sflag:s23] =	ssyncadd.s32 $0xFFFFFFFF  }
0xa6: {  	s26 =	simm.s32 $execute0_lowered;
	[smem:$0x3FD2] =	sst s25  }
0xa7: {  	s6 =	sshll.u32 s26, $0x1;
	_ =	strace $0x80000046;
	[dreg:$0x1] =	wrdreg $0xFFFFFFFF  }
0xa8: {  	s28 =	simm.s32 $_size_execute0_lowered;
	s4 =	sadd.s32 s4, s6;
	[dreg:$0x0] =	wrdreg $0x0  }
0xa9: {  	s6 =	sshll.u32 s28, $0x1;
	[dreg:$0x2] =	wrdreg s4  }
0xaa: {  	[dreg:$0x3] =	wrdreg s6  }
0xab: {  	[dreg:$0x4] =	wrdreg $0xC0  }
0xac: {  	_ =	task [dreg:s8], $0x5FFFF  }
0xad: {  	[dreg:$0x1] =	wrdreg $0xFFFFFFFF  }
0xae: {  	[dreg:$0x0] =	wrdreg $0x60  }
0xaf: {  	[dreg:$0x2] =	wrdreg s2  }
0xb0: {  	[dreg:$0x3] =	wrdreg s24  }
0xb1: {  	[dreg:$0x4] =	wrdreg s18  }
0xb2: {  	[dreg:$0x5] =	wrdreg $0x91000  }
0xb3: {  	[dreg:$0x6] =	wrdreg $0x9  }
0xb4: {  	_ =	task.clear_ibuf [dreg:s8], $0x7FFFF;
	_ =	strace $0x90000046  }
0xb5: {  	s29 =	simm.s32 $0x9;
	_ =	strace $0x80000048  }
0xb6: {  	_ =	swait.ge [sflag:s29], $0x1  }
0xb7: {  	[sflag:s29] =	ssyncadd.s32 $0xFFFFFFFF  }
0xb8: {  	_ =	strace $0x90000048  }
0xb9: {  	_ =	sfence  }
0xba: {  	s30 =	sld [smem:$0x0];
	_ =	sdelay $0x2  }
0xbb: {  	s31 =	sshll.u32 s1, $0xD;
	s1 =	sshrl.u32 s1, $0x2  }
0xbc: {  	s3 =	sand.u32 $0x4000, s31;
	s1 =	sadd.s32 s1, s30  }
0xbd: {  	s0 =	sor.u32 s3, s0;
	s1 =	sshll.u32 s1, $0x11  }
0xbe: {  	s0 =	sor.u32 s1, s0  }
0xbf: {  	s0 =	sadd.s32 $0x8F2B, s0  }
0xc0: {  	[sflag:s0] =	ssyncadd.remote.s32 $0x1  }
0xc1: {  	_ =	sfence.sel $0xFFFF  }
0xc2: {  	[dreg:$0x0] =	wrdreg $0xFFFFFFFF;
	(pc) =	sbr.abs _section_cstart, $3  }
0xc3: {  	[dreg:$0x1] =	wrdreg $0xFFFFFFFF  }
0xc4: {  	_ =	task.clear_ibuf [dreg:s8], $0x2FFFF;
	_ =	strace $0x9FFFFFFF  }
0xc5: {  	(tm) =	ssettm $0x7FFFFFFF  }
tec
execute0_lowered:
.L_overlay_start_1:
0x0: {  	(tag) =	ssettag $0x1  }
0x1: {  	s1 =	rddreg [dreg:$0x0]  }
0x2: {  	s0 =	rddreg [dreg:$0x1]  }
0x3: {  	s2 =	rddreg [dreg:$0x2]  }
0x4: {  	s3 =	rddreg [dreg:$0x3];
	s4 =	srdreg.scid  }
0x5: {  	s6 =	simm.s32 $0x0;
	s11 =	stileid.u32;
	s4 =	sand.u32 $0x1, s4  }
0x6: {  	s28 =	simm.s32 $0x4080;
	s29 =	simm.s32 $0x5500;
	s5 =	sshll.u32 s4, $0x4  }
0x7: {  	s30 =	simm.s32 $0x2;
	s31 =	simm.s32 $0x1;
	s5 =	sor.u32 s11, s5  }
0x8: {  	[smem:$0x7FF] =	sst s6;
	s7 =	smul.u32 $0x4E000, s11;
	s18 =	sshll.u32 s5, $0xB  }
0x9: {  	s6 =	sadd.s32 $0x1800, s0;
	s22 =	smul.u32 $0x13800, s11;
	s8 =	sadd.s32 s18, s0  }
0xa: {  	s16 =	sadd.s32 $0x138000, s3;
	s7 =	sshrl.u32 s7, $0x2;
	s8 =	sadd.s32 $0xB600, s8  }
0xb: {  	_ =	strace $0x80000047;
	[dreg:$0x5] =	wrdreg s8;
	s8 =	sadd.s32 s7, s3  }
0xc: {  	p0 =	sne.s32 s11, $0xF;
	s9 =	ssub.s32 $0x2, s4;
	s7 =	sadd.s32 $0x2800, s8  }
0xd: {  	s4 =	smul.u32 $0x138800, s4;
	s19 =	sadd.s32 $0x5000, s8;
	[dreg:$0x6] =	wrdreg s7  }
0xe: {  	s10 =	sshrl.u32 s9, $0x1;
	s20 =	sadd.s32 $0x7800, s8;
	[dreg:$0x7] =	wrdreg s19  }
0xf: {  	s11 =	simm.s32 $0x0;
	s21 =	sadd.s32 $0xA000, s8;
	[dreg:$0x8] =	wrdreg s20  }
0x10: {  	s9 =	ssub.s32 s9, s10;
	s23 =	sadd.s32 $0xC800, s8;
	[dreg:$0x9] =	wrdreg s21  }
0x11: {  	s17 =	smul.u32 $0x2710, s5;
	s24 =	sadd.s32 $0xF000, s8;
	[dreg:$0xa] =	wrdreg s23  }
0x12: {  	s5 =	simm.s32 $0x3;
	s25 =	sadd.s32 $0x11800, s8;
	[dreg:$0xb] =	wrdreg s24  }
0x13: {  	s10 =	simm.s32 $0x8;
	s0 =	sadd.s32 $0x1B600, s0;
	[dreg:$0xc] =	wrdreg s25  }
0x14: {  	s7 =	sadd.s32 s22, s4;
	s4 =	sshrl.u32 s4, $0x3;
	s20 =	smax.u32 s9, $0x1  }
0x15: {  	s21 =	simm.s32 $0x9;
	s22 =	simm.s32 $0x4100;
	s23 =	simm.s32 $0x28  }
0x16: {  	s24 =	simm.s32 $0x6900;
	s25 =	simm.s32 $0x7D00;
	s9 =	simm.s32 $0x7  }
0x17: {  	s26 =	sshrl.u32 s7, $0x3;
	s4 =	sadd.s32 s0, s4;
	s7 =	simm.s32 $0x6  }
0x18: {  	s0 =	sadd.s32 s0, s26;
	s19 =	sadd.s32 $0x27000, s4;
	s26 =	simm.s32 $0x4000  }
0x19: {  	v0 =	vimm.f32 $0.0e+00;
	s4 =	simm.s32 $0x4;
	[dreg:$0xd] =	wrdreg s0;
	s0 =	simm.s32 $0x5  }
.LBB2_1:
0x1a: {  	s12 =	simm.s32 $0x0;
	s13 =	rddreg [dreg:$0x5]  }
0x1b: {  	[tilespmem:s12], [sflag:$0x9] =	stream.linear.gather [hbm4b:s13+s12], $0x3E80, $0x38;
	[tilespmem:$0x1C980] =	vst v63  }
0x1c: {  	_ =	swait.ge [sflag:s21], $0x3E80  }
0x1d: {  	[sflag:s21] =	ssyncset.done $0x0  }
0x1e: {  	s12 =	simm.s32 $0x0;
	s13 =	simm.s32 $0x200;
	[sflag:s21] =	ssyncadd.s32 $0xFFFFC180  }
.LBB2_2:
0x1f: {  	p1 =	sne.s32 s13, $0x9E00;
	[tilespmem:s12+$0x4170] =	vst v0  }
0x20: {  	[tilespmem:s12+$0x4100] =	vst v0  }
0x21: {  	[tilespmem:s12+$0x4110] =	vst v0  }
.Ltmp0:
0x22: {  	[tilespmem:s12+$0x4120] =	vst v0;
	(pc) =	sbr.rel @p1 .LBB2_2-.Ltmp0, $4  }
0x23: {  	[tilespmem:s12+$0x4130] =	vst v0  }
0x24: {  	[tilespmem:s12+$0x4140] =	vst v0  }
0x25: {  	[tilespmem:s12+$0x4150] =	vst v0  }
0x26: {  	[tilespmem:s12+$0x4160] =	vst v0;
	s12 =	sshra.s32 s13, $0x2;
	s13 =	sadd.s32 $0x200, s13  }
0x27: {  	[tilespmem:s12+$0x4170] =	vst v0  }
0x28: {  	[tilespmem:s12+$0x4100] =	vst v0  }
0x29: {  	[tilespmem:s12+$0x4110] =	vst v0  }
0x2a: {  	[tilespmem:s12+$0x4120] =	vst v0  }
0x2b: {  	[tilespmem:s12+$0x4130] =	vst v0  }
0x2c: {  	[tilespmem:s12+$0x4140] =	vst v0  }
0x2d: {  	[tilespmem:s12+$0x4150] =	vst v0  }
0x2e: {  	[tilespmem:s12+$0x4160] =	vst v0  }
0x2f: {  	[spmem:s8] =	stream.linear.scatter [tilespmem:s22], [sflag:$0x9], $0x2800, $0x38;
	[tilespmem:$0x1C980] =	vst v63  }
0x30: {  	_ =	swait.ge [sflag:s21], $0x2800  }
0x31: {  	[sflag:s21] =	ssyncset.done $0x0  }
0x32: {  	s14 =	rddreg [dreg:$0x6];
	[sflag:s21] =	ssyncadd.s32 $0xFFFFD800  }
0x33: {  	[spmem:s14] =	stream.linear.scatter [tilespmem:s22], [sflag:$0x9], $0x2800, $0x38;
	[tilespmem:$0x1C980] =	vst v63  }
0x34: {  	_ =	swait.ge [sflag:s21], $0x2800  }
0x35: {  	[sflag:s21] =	ssyncset.done $0x0  }
0x36: {  	s15 =	rddreg [dreg:$0x7];
	[sflag:s21] =	ssyncadd.s32 $0xFFFFD800  }
0x37: {  	[spmem:s15] =	stream.linear.scatter [tilespmem:s22], [sflag:$0x9], $0x2800, $0x38;
	[tilespmem:$0x1C980] =	vst v63  }
0x38: {  	_ =	swait.ge [sflag:s21], $0x2800  }
0x39: {  	[sflag:s21] =	ssyncset.done $0x0  }
0x3a: {  	s18 =	rddreg [dreg:$0x8];
	[sflag:s21] =	ssyncadd.s32 $0xFFFFD800  }
0x3b: {  	[spmem:s18] =	stream.linear.scatter [tilespmem:s22], [sflag:$0x9], $0x2800, $0x38;
	[tilespmem:$0x1C980] =	vst v63  }
0x3c: {  	_ =	swait.ge [sflag:s21], $0x2800  }
0x3d: {  	[sflag:s21] =	ssyncset.done $0x0  }
0x3e: {  	s13 =	rddreg [dreg:$0x9];
	[sflag:s21] =	ssyncadd.s32 $0xFFFFD800  }
0x3f: {  	[spmem:s13] =	stream.linear.scatter [tilespmem:s22], [sflag:$0x9], $0x2800, $0x38;
	[tilespmem:$0x1C980] =	vst v63  }
0x40: {  	_ =	swait.ge [sflag:s21], $0x2800  }
0x41: {  	[sflag:s21] =	ssyncset.done $0x0  }
0x42: {  	s14 =	rddreg [dreg:$0xa];
	[sflag:s21] =	ssyncadd.s32 $0xFFFFD800  }
0x43: {  	[spmem:s14] =	stream.linear.scatter [tilespmem:s22], [sflag:$0x9], $0x2800, $0x38;
	[tilespmem:$0x1C980] =	vst v63  }
0x44: {  	_ =	swait.ge [sflag:s21], $0x2800  }
0x45: {  	[sflag:s21] =	ssyncset.done $0x0  }
0x46: {  	s15 =	rddreg [dreg:$0xb];
	[sflag:s21] =	ssyncadd.s32 $0xFFFFD800  }
0x47: {  	[spmem:s15] =	stream.linear.scatter [tilespmem:s22], [sflag:$0x9], $0x2800, $0x38;
	[tilespmem:$0x1C980] =	vst v63  }
0x48: {  	_ =	swait.ge [sflag:s21], $0x2800  }
0x49: {  	[sflag:s21] =	ssyncset.done $0x0  }
0x4a: {  	s18 =	rddreg [dreg:$0xc];
	[sflag:s21] =	ssyncadd.s32 $0xFFFFD800  }
0x4b: {  	[spmem:s18] =	stream.linear.scatter [tilespmem:s22], [sflag:$0x9], $0x2000, $0x38;
	[tilespmem:$0x1C980] =	vst v63  }
0x4c: {  	_ =	swait.ge [sflag:s21], $0x2000  }
0x4d: {  	[sflag:s21] =	ssyncset.done $0x0  }
0x4e: {  	s12 =	simm.s32 @!p0 $0x4100;
	[sflag:s21] =	ssyncadd.s32 $0xFFFFE000  }
0x4f: {  	[spmem:s16] =	stream.linear.scatter @!p0 [tilespmem:s12], [sflag:$0x9], $0x800, $0x38;
	[tilespmem:$0x1C980] =	vst v63  }
0x50: {  	s12 =	simm.s32 @!p0 $0x9  }
0x51: {  	_ =	swait.ge @!p0 [sflag:s12], $0x800  }
0x52: {  	[sflag:s12] =	ssyncset.done @!p0 $0x0  }
0x53: {  	[sflag:s12] =	ssyncadd.s32 @!p0 $0xFFFFF800  }
0x54: {  	s13 =	simm.s32 $0x0;
	s12 =	simm.s32 $0x0;
	[bflag:$0x0] =	sbarrier.arrive $0xFFFF  }
.LBB2_4:
0x55: {  	s14 =	sshll.u32 s13, $0x7  }
0x56: {  	s15 =	smul.u32 $0x50, s13;
	s14 =	sand.u32 $0x3FFFFF80, s14  }
0x57: {  	[tilespmem:s24], [sflag:$0x1] =	stream.indirect.gather [hbm4b:s1+s23], $0x80, s14, s23, $0xb8;
	[tilespmem:$0x1C980] =	vst v63  }
0x58: {  	s15 =	sadd.s32 s17, s15  }
0x59: {  	s14 =	sor.u32 $0x28, s14;
	s18 =	sshrl.u32 s15, $0x3  }
0x5a: {  	[tilespmem:s25], [sflag:$0x4] =	stream.indirect.gather [hbm4b:s1+s23], $0x80, s14, s23, $0xb8;
	[tilespmem:$0x1C980] =	vst v63  }
0x5b: {  	s14 =	sadd.s32 s6, s18  }
0x5c: {  	[tilespmem:s26], [sflag:$0x5] =	stream.linear.gather [hbm4b:s14+s12], $0x28, $0x38;
	[tilespmem:$0x1C980] =	vst v63  }
0x5d: {  	s14 =	sadd.s32 $0x28, s15  }
0x5e: {  	s18 =	sshrl.u32 s14, $0x3  }
0x5f: {  	s15 =	sshll.u32 s15, $0x4;
	s18 =	sadd.s32 s6, s18  }
0x60: {  	[tilespmem:s28], [sflag:$0x6] =	stream.linear.gather [hbm4b:s18+s12], $0x28, $0x38;
	[tilespmem:$0x1C980] =	vst v63  }
0x61: {  	s15 =	sadd.s32 s2, s15;
	s14 =	sshll.u32 s14, $0x4  }
0x62: {  	[tilespmem:s22], [sflag:$0x2] =	stream.linear.gather [hbm4b:s15+s12], $0x1400, $0x38;
	[tilespmem:$0x1C980] =	vst v63  }
0x63: {  	s14 =	sadd.s32 s2, s14  }
0x64: {  	[tilespmem:s29], [sflag:$0x3] =	stream.linear.gather [hbm4b:s14+s12], $0x1400, $0x38;
	[tilespmem:$0x1C980] =	vst v63  }
0x65: {  	_ =	swait.ge [sflag:s30], $0x1400  }
0x66: {  	[sflag:s30] =	ssyncset.done $0x0  }
0x67: {  	[sflag:s30] =	ssyncadd.s32 $0xFFFFEC00  }
0x68: {  	_ =	swait.ge [sflag:s31], $0x1400  }
0x69: {  	[sflag:s31] =	ssyncset.done $0x0  }
0x6a: {  	s14 =	simm.s32 $0x0;
	[sflag:s31] =	ssyncadd.s32 $0xFFFFEC00  }
0x6b: {  	v7 =	vld [tilespmem:s14+$0x6900]  }
0x6c: {  	v12 =	vld [tilespmem:s14+$0x6910]  }
0x6d: {  	v6 =	vld [tilespmem:s14+$0x6920]  }
0x6e: {  	v5 =	vld [tilespmem:s14+$0x6930]  }
0x6f: {  	v4 =	vld [tilespmem:s14+$0x6940]  }
0x70: {  	v3 =	vld [tilespmem:s14+$0x6950]  }
0x71: {  	v2 =	vld [tilespmem:s14+$0x6960]  }
0x72: {  	v1 =	vld [tilespmem:s14+$0x6970]  }
0x73: {  	v13 =	vld [tilespmem:s14+$0x4100]  }
0x74: {  	v14 =	vld [tilespmem:s14+$0x4110]  }
0x75: {  	v11 =	vld [tilespmem:s14+$0x4120]  }
0x76: {  	v10 =	vld [tilespmem:s14+$0x4130]  }
0x77: {  	v9 =	vld [tilespmem:s14+$0x4140]  }
0x78: {  	v8 =	vld [tilespmem:s14+$0x4150];
	v13 =	vadd.f32 v7, v13  }
0x79: {  	s15 =	simm.s32 $0x200;
	v12 =	vadd.f32 v12, v14;
	v7 =	vld [tilespmem:s14+$0x4160]  }
.LBB2_5:
0x7a: {  	s18 =	sshra.s32 s15, $0x2;
	p1 =	sne.s32 s15, $0x4E00;
	v13 =	vmax.f32 v13, $0.0e+00;
	v6 =	vadd.f32 v6, v11;
	v11 =	vld [tilespmem:s14+$0x4170]  }
0x7b: {  	v14 =	vld [tilespmem:s18+$0x6900];
	[tilespmem:s14+$0x4100] =	vst v13;
	v12 =	vmax.f32 v12, $0.0e+00;
	v5 =	vadd.f32 v5, v10  }
0x7c: {  	v15 =	vld [tilespmem:s18+$0x6910];
	[tilespmem:s14+$0x4110] =	vst v12;
	v10 =	vmax.f32 v6, $0.0e+00;
	v4 =	vadd.f32 v4, v9  }
0x7d: {  	v6 =	vld [tilespmem:s18+$0x6920];
	[tilespmem:s14+$0x4120] =	vst v10;
	v9 =	vmax.f32 v5, $0.0e+00;
	v3 =	vadd.f32 v3, v8  }
0x7e: {  	v5 =	vld [tilespmem:s18+$0x6930];
	[tilespmem:s14+$0x4130] =	vst v9;
	v8 =	vmax.f32 v4, $0.0e+00;
	v2 =	vadd.f32 v2, v7  }
0x7f: {  	v4 =	vld [tilespmem:s18+$0x6940];
	[tilespmem:s14+$0x4140] =	vst v8;
	v7 =	vmax.f32 v3, $0.0e+00;
	v1 =	vadd.f32 v1, v11  }
0x80: {  	v3 =	vld [tilespmem:s18+$0x6950];
	[tilespmem:s14+$0x4150] =	vst v7;
	v7 =	vmax.f32 v2, $0.0e+00  }
0x81: {  	v2 =	vld [tilespmem:s18+$0x6960];
	[tilespmem:s14+$0x4160] =	vst v7;
	v7 =	vmax.f32 v1, $0.0e+00  }
0x82: {  	v1 =	vld [tilespmem:s18+$0x6970];
	[tilespmem:s14+$0x4170] =	vst v7;
	s14 =	smov.u32 s18  }
0x83: {  	v7 =	vld [tilespmem:s14+$0x4100]  }
0x84: {  	v12 =	vld [tilespmem:s14+$0x4110]  }
.Ltmp1:
0x85: {  	v11 =	vld [tilespmem:s14+$0x4120];
	(pc) =	sbr.rel @p1 .LBB2_5-.Ltmp1, $4  }
0x86: {  	v10 =	vld [tilespmem:s14+$0x4130]  }
0x87: {  	v9 =	vld [tilespmem:s14+$0x4140]  }
0x88: {  	v13 =	vadd.f32 v14, v7;
	v8 =	vld [tilespmem:s14+$0x4150]  }
0x89: {  	s15 =	sadd.s32 $0x200, s15;
	v12 =	vadd.f32 v15, v12;
	v7 =	vld [tilespmem:s14+$0x4160]  }
0x8a: {  	v13 =	vmax.f32 v13, $0.0e+00;
	v6 =	vadd.f32 v6, v11;
	v11 =	vld [tilespmem:s14+$0x4170]  }
0x8b: {  	[tilespmem:s14+$0x4100] =	vst v13;
	v12 =	vmax.f32 v12, $0.0e+00;
	v5 =	vadd.f32 v5, v10  }
0x8c: {  	[tilespmem:s14+$0x4110] =	vst v12;
	v6 =	vmax.f32 v6, $0.0e+00;
	v4 =	vadd.f32 v4, v9  }
0x8d: {  	[tilespmem:s14+$0x4120] =	vst v6;
	v5 =	vmax.f32 v5, $0.0e+00;
	v3 =	vadd.f32 v3, v8  }
0x8e: {  	[tilespmem:s14+$0x4130] =	vst v5;
	v4 =	vmax.f32 v4, $0.0e+00;
	v2 =	vadd.f32 v2, v7  }
0x8f: {  	[tilespmem:s14+$0x4140] =	vst v4;
	v3 =	vmax.f32 v3, $0.0e+00;
	v1 =	vadd.f32 v1, v11  }
0x90: {  	[tilespmem:s14+$0x4150] =	vst v3;
	v2 =	vmax.f32 v2, $0.0e+00  }
0x91: {  	[tilespmem:s14+$0x4160] =	vst v2;
	v1 =	vmax.f32 v1, $0.0e+00  }
0x92: {  	[tilespmem:s14+$0x4170] =	vst v1  }
0x93: {  	_ =	swait.ge [sflag:s0], $0x28  }
0x94: {  	[sflag:s0] =	ssyncset.done $0x0  }
0x95: {  	[sflag:s0] =	ssyncadd.s32 $0xFFFFFFD8  }
0x96: {  	[spmem:s3] =	stream.indirect.scatter.add.f32 [tilespmem:s22], [sflag:$0x7], $0x80, s26, s23, $0xb8;
	[tilespmem:$0x1C980] =	vst v63  }
0x97: {  	_ =	swait.ge [sflag:s5], $0x1400  }
0x98: {  	[sflag:s5] =	ssyncset.done $0x0  }
0x99: {  	[sflag:s5] =	ssyncadd.s32 $0xFFFFEC00  }
0x9a: {  	_ =	swait.ge [sflag:s4], $0x1400  }
0x9b: {  	[sflag:s4] =	ssyncset.done $0x0  }
0x9c: {  	s14 =	simm.s32 $0x0;
	[sflag:s4] =	ssyncadd.s32 $0xFFFFEC00  }
0x9d: {  	v7 =	vld [tilespmem:s14+$0x7D00]  }
0x9e: {  	v12 =	vld [tilespmem:s14+$0x7D10]  }
0x9f: {  	v6 =	vld [tilespmem:s14+$0x7D20]  }
0xa0: {  	v5 =	vld [tilespmem:s14+$0x7D30]  }
0xa1: {  	v4 =	vld [tilespmem:s14+$0x7D40]  }
0xa2: {  	v3 =	vld [tilespmem:s14+$0x7D50]  }
0xa3: {  	v2 =	vld [tilespmem:s14+$0x7D60]  }
0xa4: {  	v1 =	vld [tilespmem:s14+$0x7D70]  }
0xa5: {  	v13 =	vld [tilespmem:s14+$0x5500]  }
0xa6: {  	v14 =	vld [tilespmem:s14+$0x5510]  }
0xa7: {  	v11 =	vld [tilespmem:s14+$0x5520]  }
0xa8: {  	v10 =	vld [tilespmem:s14+$0x5530]  }
0xa9: {  	v9 =	vld [tilespmem:s14+$0x5540]  }
0xaa: {  	v8 =	vld [tilespmem:s14+$0x5550];
	v13 =	vadd.f32 v7, v13  }
0xab: {  	s15 =	simm.s32 $0x200;
	v12 =	vadd.f32 v12, v14;
	v7 =	vld [tilespmem:s14+$0x5560]  }
.LBB2_7:
0xac: {  	s18 =	sshra.s32 s15, $0x2;
	p1 =	sne.s32 s15, $0x4E00;
	v13 =	vmax.f32 v13, $0.0e+00;
	v6 =	vadd.f32 v6, v11;
	v11 =	vld [tilespmem:s14+$0x5570]  }
0xad: {  	v14 =	vld [tilespmem:s18+$0x7D00];
	[tilespmem:s14+$0x5500] =	vst v13;
	v12 =	vmax.f32 v12, $0.0e+00;
	v5 =	vadd.f32 v5, v10  }
0xae: {  	v15 =	vld [tilespmem:s18+$0x7D10];
	[tilespmem:s14+$0x5510] =	vst v12;
	v10 =	vmax.f32 v6, $0.0e+00;
	v4 =	vadd.f32 v4, v9  }
0xaf: {  	v6 =	vld [tilespmem:s18+$0x7D20];
	[tilespmem:s14+$0x5520] =	vst v10;
	v9 =	vmax.f32 v5, $0.0e+00;
	v3 =	vadd.f32 v3, v8  }
0xb0: {  	v5 =	vld [tilespmem:s18+$0x7D30];
	[tilespmem:s14+$0x5530] =	vst v9;
	v8 =	vmax.f32 v4, $0.0e+00;
	v2 =	vadd.f32 v2, v7  }
0xb1: {  	v4 =	vld [tilespmem:s18+$0x7D40];
	[tilespmem:s14+$0x5540] =	vst v8;
	v7 =	vmax.f32 v3, $0.0e+00;
	v1 =	vadd.f32 v1, v11  }
0xb2: {  	v3 =	vld [tilespmem:s18+$0x7D50];
	[tilespmem:s14+$0x5550] =	vst v7;
	v7 =	vmax.f32 v2, $0.0e+00  }
0xb3: {  	v2 =	vld [tilespmem:s18+$0x7D60];
	[tilespmem:s14+$0x5560] =	vst v7;
	v7 =	vmax.f32 v1, $0.0e+00  }
0xb4: {  	v1 =	vld [tilespmem:s18+$0x7D70];
	[tilespmem:s14+$0x5570] =	vst v7;
	s14 =	smov.u32 s18  }
0xb5: {  	v7 =	vld [tilespmem:s14+$0x5500]  }
0xb6: {  	v12 =	vld [tilespmem:s14+$0x5510]  }
.Ltmp2:
0xb7: {  	v11 =	vld [tilespmem:s14+$0x5520];
	(pc) =	sbr.rel @p1 .LBB2_7-.Ltmp2, $4  }
0xb8: {  	v10 =	vld [tilespmem:s14+$0x5530]  }
0xb9: {  	v9 =	vld [tilespmem:s14+$0x5540]  }
0xba: {  	v13 =	vadd.f32 v14, v7;
	v8 =	vld [tilespmem:s14+$0x5550]  }
0xbb: {  	s15 =	sadd.s32 $0x200, s15;
	v12 =	vadd.f32 v15, v12;
	v7 =	vld [tilespmem:s14+$0x5560]  }
0xbc: {  	v13 =	vmax.f32 v13, $0.0e+00;
	v6 =	vadd.f32 v6, v11;
	v63 =	vld [tilespmem:s14+$0x5570]  }
0xbd: {  	[tilespmem:s14+$0x5500] =	vst v13;
	v12 =	vmax.f32 v12, $0.0e+00;
	v5 =	vadd.f32 v5, v10  }
0xbe: {  	[tilespmem:s14+$0x5510] =	vst v12;
	v6 =	vmax.f32 v6, $0.0e+00;
	v4 =	vadd.f32 v4, v9  }
0xbf: {  	[tilespmem:s14+$0x5520] =	vst v6;
	v5 =	vmax.f32 v5, $0.0e+00;
	v3 =	vadd.f32 v3, v8  }
0xc0: {  	[tilespmem:s14+$0x5530] =	vst v5;
	v4 =	vmax.f32 v4, $0.0e+00;
	v2 =	vadd.f32 v2, v7  }
0xc1: {  	[tilespmem:s14+$0x5540] =	vst v4;
	v3 =	vmax.f32 v3, $0.0e+00;
	v1 =	vadd.f32 v1, v63  }
0xc2: {  	[tilespmem:s14+$0x5550] =	vst v3;
	v2 =	vmax.f32 v2, $0.0e+00  }
0xc3: {  	[tilespmem:s14+$0x5560] =	vst v2;
	v1 =	vmax.f32 v1, $0.0e+00  }
0xc4: {  	[tilespmem:s14+$0x5570] =	vst v1  }
0xc5: {  	_ =	swait.ge [sflag:s7], $0x28  }
0xc6: {  	[sflag:s7] =	ssyncset.done $0x0  }
0xc7: {  	s13 =	sadd.s32 $0x1, s13;
	[sflag:s7] =	ssyncadd.s32 $0xFFFFFFD8  }
0xc8: {  	[spmem:s3] =	stream.indirect.scatter.add.f32 [tilespmem:s29], [sflag:$0x8], $0x80, s28, s23, $0xb8;
	[tilespmem:$0x1C980] =	vst v63  }
0xc9: {  	p1 =	sne.s32 s13, $0x7D;
	_ =	swait.ge [sflag:s9], $0x1400  }
.Ltmp3:
0xca: {  	[sflag:s9] =	ssyncset.done $0x0;
	(pc) =	sbr.rel @p1 .LBB2_4-.Ltmp3, $4  }
0xcb: {  	[sflag:s9] =	ssyncadd.s32 $0xFFFFEC00  }
0xcc: {  	_ =	swait.ge [sflag:s10], $0x1400  }
0xcd: {  	[sflag:s10] =	ssyncset.done $0x0  }
0xce: {  	[sflag:s10] =	ssyncadd.s32 $0xFFFFEC00  }
0xcf: {  	s12 =	stileid.u32  }
0xd0: {  	[bflag:$0x0] =	sbarrier.arrive $0xFFFF;
	s12 =	sshll.u32 s12, $0x6  }
0xd1: {  	s13 =	sshrl.u32 s8, $0x3;
	s14 =	rddreg [dreg:$0xd];
	s12 =	sor.u32 $0x1C09, s12  }
0xd2: {  	[hbm:s14], [sflag:s12] =	dma.local [spmem:s13], $0x2700  }
0xd3: {  	_ =	swait.ge [sflag:s21], $0x2700  }
0xd4: {  	s11 =	sadd.s32 $0x1, s11;
	[sflag:s21] =	ssyncset.done $0x0  }
0xd5: {  	p1 =	sne.s32 s11, s20;
	s13 =	sshrl.u32 @!p0 s16, $0x3;
	[sflag:s21] =	ssyncadd.s32 $0xFFFFD900  }
0xd6: {  	[hbm:s19], [sflag:s12] =	dma.local @!p0 [spmem:s13], $0x100  }
.Ltmp4:
0xd7: {  	_ = 	snop;
	(pc) =	sbr.rel @p1 .LBB2_1-.Ltmp4, $4  }
0xd8: {  	s12 =	simm.s32 @!p0 $0x9  }
0xd9: {  	_ =	swait.ge @!p0 [sflag:s12], $0x100  }
0xda: {  	[sflag:s12] =	ssyncset.done @!p0 $0x0  }
0xdb: {  	[sflag:s12] =	ssyncadd.s32 @!p0 $0xFFFFFF00  }
0xdc: {  	_ =	sfence.sel $0x180000  }
0xdd: {  	[bflag:$0x0] =	sbarrier.arrive $0xFFFF  }
0xde: {  	_ =	strace $0x90000047  }
0xdf: {  	s0 =	stileid.u32;
	[bflag:$0x2] =	sbarrier.arrive $0xFFFF  }
0xe0: {  	p0 =	sne.s32 s0, $0x0;
	s0 =	rddreg [dreg:$0x4]  }
0xe1: {  	s0 =	sadd.s32 @!p0 $0x100000, s0  }
0xe2: {  	[sflag:s0] =	ssyncadd.tile.s32 @!p0 $0x1;
	_ =	shalt  }
.Lfunc_end2:
_tile_overlayer_lowered:
.L_overlay_start_2:
0xe3: {  	(tag) =	ssettag $0x2  }
0xe4: {  	s0 =	rddreg [dreg:$0x0];
	s2 =	stileid.u32  }
0xe5: {  	s1 =	rddreg [dreg:$0x1];
	p0 =	sne.s32 s2, $0x0  }
0xe6: {  	s3 =	rddreg [dreg:$0x2];
	[bflag:$0x3] =	sbarrier.arrive $0xFFFF;
	s2 =	simm.s32 @!p0 $0x1C09  }
0xe7: {  	[timem:s3], [sflag:s2] =	dma.local @!p0 [hbm:s0], s1  }
0xe8: {  	s0 =	simm.s32 @!p0 $0x9  }
0xe9: {  	_ =	swait.ge @!p0 [sflag:s0], s1  }
0xea: {  	s1 =	ssub.s32 @!p0 $0x0, s1;
	[sflag:s0] =	ssyncset.done @!p0 $0x0  }
0xeb: {  	[sflag:s0] =	ssyncadd.s32 @!p0 s1  }
0xec: {  	[bflag:$0x3] =	sbarrier.arrive $0xFFFF  }
0xed: {  	_ =	shalt  }

// kernel: kernel.9.cloned.1.call-start
scs
__scs_entry_jumppad:
0x0: {  	(pc) =	sbr.rel $0x88, $3  }
0x1: {  	(tag) =	ssettag $0x0;
	lr =	simm.s32 $0x1  }
0x2: {  	[smem:$0x3F9A] =	sst lr;
	_ =	strace $0xD0000000  }
0x3: {  	_ = 	snop  }
0x4: {  	_ = 	snop  }
0x5: {  	_ = 	snop  }
0x6: {  	_ = 	snop  }
0x7: {  	_ = 	snop  }
__scs_overlays_trampoline_lowered:
0x8: {  	[smem:$0x3FA9] =	sst s0  }
0x9: {  	[smem:$0x3FAA] =	sst s1  }
0xa: {  	[smem:$0x3FAB] =	sst s2  }
0xb: {  	[smem:$0x3FAC] =	sst s3  }
0xc: {  	[smem:$0x3FAD] =	sst s4  }
0xd: {  	[smem:$0x3FAE] =	sst s5  }
0xe: {  	[smem:$0x3FAF] =	sst s6  }
0xf: {  	[smem:$0x3FB0] =	sst s7  }
0x10: {  	[smem:$0x3FB1] =	sst s8  }
0x11: {  	[smem:$0x3FB2] =	sst s9;
	s0 =	simm.s32 @!p0 $0x0  }
0x12: {  	s1 =	sld [smem:$0x3F98];
	s0 =	simm.s32 @p0 $0x1  }
0x13: {  	[smem:$0x3FB3] =	sst s0;
	s0 =	simm.s32 @!p1 $0x0  }
0x14: {  	s2 =	sld [smem:$0x3F97];
	s0 =	simm.s32 @p1 $0x1  }
0x15: {  	[smem:$0x3FB4] =	sst s0;
	s0 =	simm.s32 @!p2 $0x0  }
0x16: {  	s3 =	sld [smem:$0x3FDB];
	s0 =	simm.s32 @p2 $0x1  }
0x17: {  	s4 =	simm.s32 $0x1BF5;
	[smem:$0x3FB6] =	sst s0  }
0x18: {  	s0 =	sld [smem:$0x3F99];
	_ =	swait.ge [sflag:s4], $0x0  }
0x19: {  	s7 =	sld [smem:$0x3F9A]  }
0x1a: {  	s8 =	sadd.s32 $0xFFFFE003, lr  }
0x1b: {  	s9 =	sadd.s32 $0xFFFFFEF7, lr;
	s5 =	simm.s32 $0xFFFFFFFF;
	p2 =	slt.u32 s8, $0xFFFFF086  }
0x1c: {  	p1 =	slt.u32 s9, $0xF7A;
	s5 =	simm.s32 @!p2 $0x0  }
0x1d: {  	s5 =	simm.s32 @p1 $0x1;
	p0 =	seq.s32 s7, s2  }
0x1e: {  	s7 =	smul.u32 @!p0 $0xF7A, s2;
	p2 =	seq.s32 @!p0 s5, $0x0  }
0x1f: {  	s9 =	smul.u32 $0xF7A, s1;
	s8 =	simm.s32 @!p0 $0x1BF5;
	p2 =	por !p2, p0  }
0x20: {  	[sflag:s8] =	ssyncset.s32 @!p0 $0xFFFFF086;
	s6 =	sadd.s32 @!p0 s3, s7;
	s7 =	simm.s32 @!p0 $0x108  }
0x21: {  	s3 =	sadd.s32 s3, s9;
	s6 =	sadd.s32 @!p0 $0x88, s6;
	s7 =	simm.s32 @p2 $0x1082  }
0x22: {  	[simem:s7], [sflag:s8] =	dma.local @!p0 [hbm:s6], $0xF7A  }
0x23: {  	s9 =	sor.u32 $0xD0000000, s2;
	s6 =	simm.s32 $0x108;
	_ =	swait.ge @!p0 [sflag:s8], $0x0  }
0x24: {  	s3 =	sadd.s32 $0x88, s3;
	s6 =	simm.s32 @!p1 $0x1082;
	[sflag:s4] =	ssyncset.s32 $0xFFFFF086  }
0x25: {  	[simem:s6], [sflag:s4] =	dma.local [hbm:s3], $0xF7A  }
0x26: {  	[smem:$0x3F9A] =	sst s1;
	(tag) =	ssettag s2;
	_ =	strace s9  }
0x27: {  	s1 =	sld [smem:$0x3FAA]  }
0x28: {  	s2 =	sld [smem:$0x3FAB]  }
0x29: {  	s4 =	sld [smem:$0x3FAD]  }
0x2a: {  	p0 =	seq.s32 s5, $0x0;
	s5 =	sld [smem:$0x3FAE]  }
0x2b: {  	s6 =	sld [smem:$0x3FAF]  }
0x2c: {  	s7 =	sld [smem:$0x3FB0]  }
0x2d: {  	s3 =	simm.s32 $0x108;
	s8 =	sld [smem:$0x3FB1]  }
0x2e: {  	s3 =	simm.s32 @!p0 $0x1082;
	s9 =	sld [smem:$0x3FB2]  }
0x2f: {  	lr =	sadd.s32 s0, s3;
	s0 =	sld [smem:$0x3FA9]  }
0x30: {  	s3 =	sld [smem:$0x3FAC]  }
0x31: {  	[smem:$0x3FB5] =	sst s10  }
0x32: {  	s10 =	sld [smem:$0x3FB3];
	_ =	sdelay $0x3  }
0x33: {  	p0 =	seq.s32 s10, $0x1;
	s10 =	sld [smem:$0x3FB5];
	_ =	sdelay $0x3  }
0x34: {  	[smem:$0x3FB5] =	sst s10  }
0x35: {  	s10 =	sld [smem:$0x3FB4];
	_ =	sdelay $0x3  }
0x36: {  	p1 =	seq.s32 s10, $0x1;
	s10 =	sld [smem:$0x3FB5];
	_ =	sdelay $0x3  }
0x37: {  	[smem:$0x3FB5] =	sst s10  }
0x38: {  	s10 =	sld [smem:$0x3FB6]  }
0x39: {  	_ = 	snop;
	(pc) =	sbr.ind lr, $3  }
0x3a: {  	_ = 	snop  }
0x3b: {  	_ = 	snop  }
0x3c: {  	p2 =	seq.s32 s10, $0x1;
	s10 =	sld [smem:$0x3FB5]  }
0x3d: {  	_ =	shalt  }
0x3e: {  	_ =	shalt  }
0x3f: {  	_ =	shalt  }
0x40: {  	_ =	shalt  }
0x41: {  	_ =	shalt  }
0x42: {  	_ =	shalt  }
0x43: {  	_ =	shalt  }
0x44: {  	_ =	shalt  }
0x45: {  	_ =	shalt  }
0x46: {  	_ =	shalt  }
0x47: {  	_ =	shalt  }
0x48: {  	_ =	shalt  }
0x49: {  	_ =	shalt  }
0x4a: {  	_ =	shalt  }
0x4b: {  	_ =	shalt  }
0x4c: {  	_ =	shalt  }
0x4d: {  	_ =	shalt  }
0x4e: {  	_ =	shalt  }
0x4f: {  	_ =	shalt  }
0x50: {  	_ =	shalt  }
0x51: {  	_ =	shalt  }
0x52: {  	_ =	shalt  }
0x53: {  	_ =	shalt  }
0x54: {  	_ =	shalt  }
0x55: {  	_ =	shalt  }
0x56: {  	_ =	shalt  }
0x57: {  	_ =	shalt  }
0x58: {  	_ =	shalt  }
0x59: {  	_ =	shalt  }
0x5a: {  	_ =	shalt  }
0x5b: {  	_ =	shalt  }
0x5c: {  	_ =	shalt  }
0x5d: {  	_ =	shalt  }
0x5e: {  	_ =	shalt  }
0x5f: {  	_ =	shalt  }
0x60: {  	_ =	shalt  }
0x61: {  	_ =	shalt  }
0x62: {  	_ =	shalt  }
0x63: {  	_ =	shalt  }
0x64: {  	_ =	shalt  }
0x65: {  	_ =	shalt  }
0x66: {  	_ =	shalt  }
0x67: {  	_ =	shalt  }
0x68: {  	_ =	shalt  }
0x69: {  	_ =	shalt  }
0x6a: {  	_ =	shalt  }
0x6b: {  	_ =	shalt  }
0x6c: {  	_ =	shalt  }
0x6d: {  	_ =	shalt  }
0x6e: {  	_ =	shalt  }
0x6f: {  	_ =	shalt  }
0x70: {  	_ =	shalt  }
0x71: {  	_ =	shalt  }
0x72: {  	_ =	shalt  }
0x73: {  	_ =	shalt  }
0x74: {  	_ =	shalt  }
0x75: {  	_ =	shalt  }
0x76: {  	_ =	shalt  }
0x77: {  	_ =	shalt  }
0x78: {  	_ =	shalt  }
0x79: {  	_ =	shalt  }
0x7a: {  	_ =	shalt  }
0x7b: {  	_ =	shalt  }
0x7c: {  	_ =	shalt  }
0x7d: {  	_ =	shalt  }
0x7e: {  	_ =	shalt  }
0x7f: {  	_ =	shalt  }
0x80: {  	_ =	shalt  }
0x81: {  	_ =	shalt  }
0x82: {  	_ =	shalt  }
0x83: {  	_ =	shalt  }
0x84: {  	_ =	shalt  }
0x85: {  	_ =	shalt  }
0x86: {  	_ =	shalt  }
0x87: {  	_ =	shalt  }
.Lfunc_end0:
.L_simem_size_0:
called_computation.1_lowered:
.L_overlay_start_0:
0x88: {  	s2 =	sld [smem:$0x3FD9]  }
0x89: {  	s3 =	sld [smem:$0x3FFE];
	_ =	sdelay $0x1  }
0x8a: {  	s1 =	srdreg.scid  }
0x8b: {  	s0 =	sand.u32 $0x1, s1  }
0x8c: {  	s17 =	sshll.u32 s0, $0xA;
	s2 =	sadd.s32 s3, s2  }
0x8d: {  	s2 =	sadd.s32 s2, s17  }
0x8e: {  	[smem:$0x3FC1] =	sst s2  }
0x8f: {  	_ = 	snop  }
0x90: {  	s2 =	sld [smem:$0x3FC7]  }
0x91: {  	s18 =	sld [smem:$0x3FD0];
	(tm) =	ssettm $0x1  }
0x92: {  	s4 =	sld [smem:$0x3FFB];
	_ =	sdelay $0x3  }
0x93: {  	_ =	strace s4  }
0x94: {  	s4 =	sld [smem:$0x3FFC];
	_ =	sdelay $0x3  }
0x95: {  	_ =	strace s4  }
0x96: {  	s4 =	sld [smem:$0x3FFD];
	_ =	sdelay $0x3  }
0x97: {  	_ =	strace s4  }
0x98: {  	_ =	strace $0x8FFFFFFF  }
0x99: {  	s19 =	sld [smem:$0x3FDB];
	_ =	sdelay $0x1  }
0x9a: {  	s5 =	simm.s32 $_scs_section_size  }
0x9b: {  	s6 =	simm.s32 $_size__tile_overlayer_lowered;
	s7 =	simm.s32 $_tile_overlayer_lowered  }
0x9c: {  	s22 =	simm.s32 $0x1BFF;
	s21 =	sshll.u32 s7, $0x1;
	s4 =	sadd.s32 s5, s19  }
0x9d: {  	s8 =	simm.s32 $0x0;
	s20 =	sshll.u32 s6, $0x1;
	s6 =	sadd.s32 s21, s4  }
0x9e: {  	[timem:s8], [sflag:s22] =	dma.local [hbm:s6], s20  }
0x9f: {  	_ =	swait.ge [sflag:s22], s20  }
0xa0: {  	s5 =	ssub.s32 $0x0, s20;
	[sflag:s22] =	ssyncset.done $0x0  }
0xa1: {  	[sflag:s22] =	ssyncadd.s32 s5;
	_ =	sdelay $0x1  }
0xa2: {  	s23 =	simm.s32 $0x1B8B  }
0xa3: {  	_ =	swait.ge [sflag:s23], $0x1  }
0xa4: {  	[sflag:s23] =	ssyncset.done $0x0  }
0xa5: {  	s25 =	simm.s32 $0x1B8E;
	s24 =	sld [smem:$0x3FFE];
	[sflag:s23] =	ssyncadd.s32 $0xFFFFFFFF  }
0xa6: {  	s26 =	simm.s32 $execute0_lowered;
	[smem:$0x3FD2] =	sst s25  }
0xa7: {  	s6 =	sshll.u32 s26, $0x1;
	_ =	strace $0x80000049;
	[dreg:$0x1] =	wrdreg $0xFFFFFFFF  }
0xa8: {  	s28 =	simm.s32 $_size_execute0_lowered;
	s4 =	sadd.s32 s4, s6;
	[dreg:$0x0] =	wrdreg $0x0  }
0xa9: {  	s6 =	sshll.u32 s28, $0x1;
	[dreg:$0x2] =	wrdreg s4  }
0xaa: {  	[dreg:$0x3] =	wrdreg s6  }
0xab: {  	[dreg:$0x4] =	wrdreg $0xC0  }
0xac: {  	_ =	task [dreg:s8], $0x5FFFF  }
0xad: {  	[dreg:$0x1] =	wrdreg $0xFFFFFFFF  }
0xae: {  	[dreg:$0x0] =	wrdreg $0x60  }
0xaf: {  	[dreg:$0x2] =	wrdreg s18  }
0xb0: {  	[dreg:$0x3] =	wrdreg s24  }
0xb1: {  	[dreg:$0x4] =	wrdreg s2  }
0xb2: {  	[dreg:$0x5] =	wrdreg $0x91000  }
0xb3: {  	[dreg:$0x6] =	wrdreg $0x9  }
0xb4: {  	_ =	task.clear_ibuf [dreg:s8], $0x7FFFF;
	_ =	strace $0x90000049  }
0xb5: {  	s29 =	simm.s32 $0x9;
	_ =	strace $0x8000004B  }
0xb6: {  	_ =	swait.ge [sflag:s29], $0x1  }
0xb7: {  	[sflag:s29] =	ssyncadd.s32 $0xFFFFFFFF  }
0xb8: {  	_ =	strace $0x9000004B  }
0xb9: {  	_ =	sfence  }
0xba: {  	s30 =	sld [smem:$0x0];
	_ =	sdelay $0x2  }
0xbb: {  	s31 =	sshll.u32 s1, $0xD;
	s1 =	sshrl.u32 s1, $0x2  }
0xbc: {  	s3 =	sand.u32 $0x4000, s31;
	s1 =	sadd.s32 s1, s30  }
0xbd: {  	s0 =	sor.u32 s3, s0;
	s1 =	sshll.u32 s1, $0x11  }
0xbe: {  	s0 =	sor.u32 s1, s0  }
0xbf: {  	s0 =	sadd.s32 $0x8F2B, s0  }
0xc0: {  	[sflag:s0] =	ssyncadd.remote.s32 $0x1  }
0xc1: {  	_ =	sfence.sel $0xFFFF  }
0xc2: {  	[dreg:$0x0] =	wrdreg $0xFFFFFFFF;
	(pc) =	sbr.abs _section_cstart, $3  }
0xc3: {  	[dreg:$0x1] =	wrdreg $0xFFFFFFFF  }
0xc4: {  	_ =	task.clear_ibuf [dreg:s8], $0x2FFFF;
	_ =	strace $0x9FFFFFFF  }
0xc5: {  	(tm) =	ssettm $0x7FFFFFFF  }
tec
execute0_lowered:
.L_overlay_start_1:
0x0: {  	(tag) =	ssettag $0x1  }
0x1: {  	s1 =	rddreg [dreg:$0x0]  }
0x2: {  	s0 =	rddreg [dreg:$0x1]  }
0x3: {  	s2 =	rddreg [dreg:$0x2]  }
0x4: {  	s3 =	rddreg [dreg:$0x3];
	s4 =	srdreg.scid  }
0x5: {  	s6 =	simm.s32 $0x0;
	s11 =	stileid.u32;
	s4 =	sand.u32 $0x1, s4  }
0x6: {  	s28 =	simm.s32 $0x4080;
	s29 =	simm.s32 $0x5500;
	s5 =	sshll.u32 s4, $0x4  }
0x7: {  	s30 =	simm.s32 $0x2;
	s31 =	simm.s32 $0x1;
	s5 =	sor.u32 s11, s5  }
0x8: {  	[smem:$0x7FF] =	sst s6;
	s7 =	smul.u32 $0x4E000, s11;
	s18 =	sshll.u32 s5, $0xB  }
0x9: {  	s6 =	sadd.s32 $0x1800, s0;
	s22 =	smul.u32 $0x13800, s11;
	s8 =	sadd.s32 s18, s0  }
0xa: {  	s16 =	sadd.s32 $0x138000, s3;
	s7 =	sshrl.u32 s7, $0x2;
	s8 =	sadd.s32 $0xB600, s8  }
0xb: {  	_ =	strace $0x8000004A;
	[dreg:$0x5] =	wrdreg s8;
	s8 =	sadd.s32 s7, s3  }
0xc: {  	p0 =	sne.s32 s11, $0xF;
	s9 =	ssub.s32 $0x2, s4;
	s7 =	sadd.s32 $0x2800, s8  }
0xd: {  	s4 =	smul.u32 $0x138800, s4;
	s19 =	sadd.s32 $0x5000, s8;
	[dreg:$0x6] =	wrdreg s7  }
0xe: {  	s10 =	sshrl.u32 s9, $0x1;
	s20 =	sadd.s32 $0x7800, s8;
	[dreg:$0x7] =	wrdreg s19  }
0xf: {  	s11 =	simm.s32 $0x0;
	s21 =	sadd.s32 $0xA000, s8;
	[dreg:$0x8] =	wrdreg s20  }
0x10: {  	s9 =	ssub.s32 s9, s10;
	s23 =	sadd.s32 $0xC800, s8;
	[dreg:$0x9] =	wrdreg s21  }
0x11: {  	s17 =	smul.u32 $0x2710, s5;
	s24 =	sadd.s32 $0xF000, s8;
	[dreg:$0xa] =	wrdreg s23  }
0x12: {  	s5 =	simm.s32 $0x3;
	s25 =	sadd.s32 $0x11800, s8;
	[dreg:$0xb] =	wrdreg s24  }
0x13: {  	s10 =	simm.s32 $0x8;
	s0 =	sadd.s32 $0x1B600, s0;
	[dreg:$0xc] =	wrdreg s25  }
0x14: {  	s7 =	sadd.s32 s22, s4;
	s4 =	sshrl.u32 s4, $0x3;
	s20 =	smax.u32 s9, $0x1  }
0x15: {  	s21 =	simm.s32 $0x9;
	s22 =	simm.s32 $0x4100;
	s23 =	simm.s32 $0x28  }
0x16: {  	s24 =	simm.s32 $0x6900;
	s25 =	simm.s32 $0x7D00;
	s9 =	simm.s32 $0x7  }
0x17: {  	s26 =	sshrl.u32 s7, $0x3;
	s4 =	sadd.s32 s0, s4;
	s7 =	simm.s32 $0x6  }
0x18: {  	s0 =	sadd.s32 s0, s26;
	s19 =	sadd.s32 $0x27000, s4;
	s26 =	simm.s32 $0x4000  }
0x19: {  	v0 =	vimm.f32 $0.0e+00;
	s4 =	simm.s32 $0x4;
	[dreg:$0xd] =	wrdreg s0;
	s0 =	simm.s32 $0x5  }
.LBB2_1:
0x1a: {  	s12 =	simm.s32 $0x0;
	s13 =	rddreg [dreg:$0x5]  }
0x1b: {  	[tilespmem:s12], [sflag:$0x9] =	stream.linear.gather [hbm4b:s13+s12], $0x3E80, $0x38;
	[tilespmem:$0x1C980] =	vst v63  }
0x1c: {  	_ =	swait.ge [sflag:s21], $0x3E80  }
0x1d: {  	[sflag:s21] =	ssyncset.done $0x0  }
0x1e: {  	s12 =	simm.s32 $0x0;
	s13 =	simm.s32 $0x200;
	[sflag:s21] =	ssyncadd.s32 $0xFFFFC180  }
.LBB2_2:
0x1f: {  	p1 =	sne.s32 s13, $0x9E00;
	[tilespmem:s12+$0x4170] =	vst v0  }
0x20: {  	[tilespmem:s12+$0x4100] =	vst v0  }
0x21: {  	[tilespmem:s12+$0x4110] =	vst v0  }
.Ltmp0:
0x22: {  	[tilespmem:s12+$0x4120] =	vst v0;
	(pc) =	sbr.rel @p1 .LBB2_2-.Ltmp0, $4  }
0x23: {  	[tilespmem:s12+$0x4130] =	vst v0  }
0x24: {  	[tilespmem:s12+$0x4140] =	vst v0  }
0x25: {  	[tilespmem:s12+$0x4150] =	vst v0  }
0x26: {  	[tilespmem:s12+$0x4160] =	vst v0;
	s12 =	sshra.s32 s13, $0x2;
	s13 =	sadd.s32 $0x200, s13  }
0x27: {  	[tilespmem:s12+$0x4170] =	vst v0  }
0x28: {  	[tilespmem:s12+$0x4100] =	vst v0  }
0x29: {  	[tilespmem:s12+$0x4110] =	vst v0  }
0x2a: {  	[tilespmem:s12+$0x4120] =	vst v0  }
0x2b: {  	[tilespmem:s12+$0x4130] =	vst v0  }
0x2c: {  	[tilespmem:s12+$0x4140] =	vst v0  }
0x2d: {  	[tilespmem:s12+$0x4150] =	vst v0  }
0x2e: {  	[tilespmem:s12+$0x4160] =	vst v0  }
0x2f: {  	[spmem:s8] =	stream.linear.scatter [tilespmem:s22], [sflag:$0x9], $0x2800, $0x38;
	[tilespmem:$0x1C980] =	vst v63  }
0x30: {  	_ =	swait.ge [sflag:s21], $0x2800  }
0x31: {  	[sflag:s21] =	ssyncset.done $0x0  }
0x32: {  	s14 =	rddreg [dreg:$0x6];
	[sflag:s21] =	ssyncadd.s32 $0xFFFFD800  }
0x33: {  	[spmem:s14] =	stream.linear.scatter [tilespmem:s22], [sflag:$0x9], $0x2800, $0x38;
	[tilespmem:$0x1C980] =	vst v63  }
0x34: {  	_ =	swait.ge [sflag:s21], $0x2800  }
0x35: {  	[sflag:s21] =	ssyncset.done $0x0  }
0x36: {  	s15 =	rddreg [dreg:$0x7];
	[sflag:s21] =	ssyncadd.s32 $0xFFFFD800  }
0x37: {  	[spmem:s15] =	stream.linear.scatter [tilespmem:s22], [sflag:$0x9], $0x2800, $0x38;
	[tilespmem:$0x1C980] =	vst v63  }
0x38: {  	_ =	swait.ge [sflag:s21], $0x2800  }
0x39: {  	[sflag:s21] =	ssyncset.done $0x0  }
0x3a: {  	s18 =	rddreg [dreg:$0x8];
	[sflag:s21] =	ssyncadd.s32 $0xFFFFD800  }
0x3b: {  	[spmem:s18] =	stream.linear.scatter [tilespmem:s22], [sflag:$0x9], $0x2800, $0x38;
	[tilespmem:$0x1C980] =	vst v63  }
0x3c: {  	_ =	swait.ge [sflag:s21], $0x2800  }
0x3d: {  	[sflag:s21] =	ssyncset.done $0x0  }
0x3e: {  	s13 =	rddreg [dreg:$0x9];
	[sflag:s21] =	ssyncadd.s32 $0xFFFFD800  }
0x3f: {  	[spmem:s13] =	stream.linear.scatter [tilespmem:s22], [sflag:$0x9], $0x2800, $0x38;
	[tilespmem:$0x1C980] =	vst v63  }
0x40: {  	_ =	swait.ge [sflag:s21], $0x2800  }
0x41: {  	[sflag:s21] =	ssyncset.done $0x0  }
0x42: {  	s14 =	rddreg [dreg:$0xa];
	[sflag:s21] =	ssyncadd.s32 $0xFFFFD800  }
0x43: {  	[spmem:s14] =	stream.linear.scatter [tilespmem:s22], [sflag:$0x9], $0x2800, $0x38;
	[tilespmem:$0x1C980] =	vst v63  }
0x44: {  	_ =	swait.ge [sflag:s21], $0x2800  }
0x45: {  	[sflag:s21] =	ssyncset.done $0x0  }
0x46: {  	s15 =	rddreg [dreg:$0xb];
	[sflag:s21] =	ssyncadd.s32 $0xFFFFD800  }
0x47: {  	[spmem:s15] =	stream.linear.scatter [tilespmem:s22], [sflag:$0x9], $0x2800, $0x38;
	[tilespmem:$0x1C980] =	vst v63  }
0x48: {  	_ =	swait.ge [sflag:s21], $0x2800  }
0x49: {  	[sflag:s21] =	ssyncset.done $0x0  }
0x4a: {  	s18 =	rddreg [dreg:$0xc];
	[sflag:s21] =	ssyncadd.s32 $0xFFFFD800  }
0x4b: {  	[spmem:s18] =	stream.linear.scatter [tilespmem:s22], [sflag:$0x9], $0x2000, $0x38;
	[tilespmem:$0x1C980] =	vst v63  }
0x4c: {  	_ =	swait.ge [sflag:s21], $0x2000  }
0x4d: {  	[sflag:s21] =	ssyncset.done $0x0  }
0x4e: {  	s12 =	simm.s32 @!p0 $0x4100;
	[sflag:s21] =	ssyncadd.s32 $0xFFFFE000  }
0x4f: {  	[spmem:s16] =	stream.linear.scatter @!p0 [tilespmem:s12], [sflag:$0x9], $0x800, $0x38;
	[tilespmem:$0x1C980] =	vst v63  }
0x50: {  	s12 =	simm.s32 @!p0 $0x9  }
0x51: {  	_ =	swait.ge @!p0 [sflag:s12], $0x800  }
0x52: {  	[sflag:s12] =	ssyncset.done @!p0 $0x0  }
0x53: {  	[sflag:s12] =	ssyncadd.s32 @!p0 $0xFFFFF800  }
0x54: {  	s13 =	simm.s32 $0x0;
	s12 =	simm.s32 $0x0;
	[bflag:$0x0] =	sbarrier.arrive $0xFFFF  }
.LBB2_4:
0x55: {  	s14 =	sshll.u32 s13, $0x7  }
0x56: {  	s15 =	smul.u32 $0x50, s13;
	s14 =	sand.u32 $0x3FFFFF80, s14  }
0x57: {  	[tilespmem:s24], [sflag:$0x1] =	stream.indirect.gather [hbm4b:s1+s23], $0x80, s14, s23, $0xb8;
	[tilespmem:$0x1C980] =	vst v63  }
0x58: {  	s15 =	sadd.s32 s17, s15  }
0x59: {  	s14 =	sor.u32 $0x28, s14;
	s18 =	sshrl.u32 s15, $0x3  }
0x5a: {  	[tilespmem:s25], [sflag:$0x4] =	stream.indirect.gather [hbm4b:s1+s23], $0x80, s14, s23, $0xb8;
	[tilespmem:$0x1C980] =	vst v63  }
0x5b: {  	s14 =	sadd.s32 s6, s18  }
0x5c: {  	[tilespmem:s26], [sflag:$0x5] =	stream.linear.gather [hbm4b:s14+s12], $0x28, $0x38;
	[tilespmem:$0x1C980] =	vst v63  }
0x5d: {  	s14 =	sadd.s32 $0x28, s15  }
0x5e: {  	s18 =	sshrl.u32 s14, $0x3  }
0x5f: {  	s15 =	sshll.u32 s15, $0x4;
	s18 =	sadd.s32 s6, s18  }
0x60: {  	[tilespmem:s28], [sflag:$0x6] =	stream.linear.gather [hbm4b:s18+s12], $0x28, $0x38;
	[tilespmem:$0x1C980] =	vst v63  }
0x61: {  	s15 =	sadd.s32 s2, s15;
	s14 =	sshll.u32 s14, $0x4  }
0x62: {  	[tilespmem:s22], [sflag:$0x2] =	stream.linear.gather [hbm4b:s15+s12], $0x1400, $0x38;
	[tilespmem:$0x1C980] =	vst v63  }
0x63: {  	s14 =	sadd.s32 s2, s14  }
0x64: {  	[tilespmem:s29], [sflag:$0x3] =	stream.linear.gather [hbm4b:s14+s12], $0x1400, $0x38;
	[tilespmem:$0x1C980] =	vst v63  }
0x65: {  	_ =	swait.ge [sflag:s30], $0x1400  }
0x66: {  	[sflag:s30] =	ssyncset.done $0x0  }
0x67: {  	[sflag:s30] =	ssyncadd.s32 $0xFFFFEC00  }
0x68: {  	_ =	swait.ge [sflag:s31], $0x1400  }
0x69: {  	[sflag:s31] =	ssyncset.done $0x0  }
0x6a: {  	s14 =	simm.s32 $0x0;
	[sflag:s31] =	ssyncadd.s32 $0xFFFFEC00  }
0x6b: {  	v7 =	vld [tilespmem:s14+$0x6900]  }
0x6c: {  	v12 =	vld [tilespmem:s14+$0x6910]  }
0x6d: {  	v6 =	vld [tilespmem:s14+$0x6920]  }
0x6e: {  	v5 =	vld [tilespmem:s14+$0x6930]  }
0x6f: {  	v4 =	vld [tilespmem:s14+$0x6940]  }
0x70: {  	v3 =	vld [tilespmem:s14+$0x6950]  }
0x71: {  	v2 =	vld [tilespmem:s14+$0x6960]  }
0x72: {  	v1 =	vld [tilespmem:s14+$0x6970]  }
0x73: {  	v13 =	vld [tilespmem:s14+$0x4100]  }
0x74: {  	v14 =	vld [tilespmem:s14+$0x4110]  }
0x75: {  	v11 =	vld [tilespmem:s14+$0x4120]  }
0x76: {  	v10 =	vld [tilespmem:s14+$0x4130]  }
0x77: {  	v9 =	vld [tilespmem:s14+$0x4140]  }
0x78: {  	v8 =	vld [tilespmem:s14+$0x4150];
	v13 =	vadd.f32 v7, v13  }
0x79: {  	s15 =	simm.s32 $0x200;
	v12 =	vadd.f32 v12, v14;
	v7 =	vld [tilespmem:s14+$0x4160]  }
.LBB2_5:
0x7a: {  	s18 =	sshra.s32 s15, $0x2;
	p1 =	sne.s32 s15, $0x4E00;
	v13 =	vmax.f32 v13, $0.0e+00;
	v6 =	vadd.f32 v6, v11;
	v11 =	vld [tilespmem:s14+$0x4170]  }
0x7b: {  	v14 =	vld [tilespmem:s18+$0x6900];
	[tilespmem:s14+$0x4100] =	vst v13;
	v12 =	vmax.f32 v12, $0.0e+00;
	v5 =	vadd.f32 v5, v10  }
0x7c: {  	v15 =	vld [tilespmem:s18+$0x6910];
	[tilespmem:s14+$0x4110] =	vst v12;
	v10 =	vmax.f32 v6, $0.0e+00;
	v4 =	vadd.f32 v4, v9  }
0x7d: {  	v6 =	vld [tilespmem:s18+$0x6920];
	[tilespmem:s14+$0x4120] =	vst v10;
	v9 =	vmax.f32 v5, $0.0e+00;
	v3 =	vadd.f32 v3, v8  }
0x7e: {  	v5 =	vld [tilespmem:s18+$0x6930];
	[tilespmem:s14+$0x4130] =	vst v9;
	v8 =	vmax.f32 v4, $0.0e+00;
	v2 =	vadd.f32 v2, v7  }
0x7f: {  	v4 =	vld [tilespmem:s18+$0x6940];
	[tilespmem:s14+$0x4140] =	vst v8;
	v7 =	vmax.f32 v3, $0.0e+00;
	v1 =	vadd.f32 v1, v11  }
0x80: {  	v3 =	vld [tilespmem:s18+$0x6950];
	[tilespmem:s14+$0x4150] =	vst v7;
	v7 =	vmax.f32 v2, $0.0e+00  }
0x81: {  	v2 =	vld [tilespmem:s18+$0x6960];
	[tilespmem:s14+$0x4160] =	vst v7;
	v7 =	vmax.f32 v1, $0.0e+00  }
0x82: {  	v1 =	vld [tilespmem:s18+$0x6970];
	[tilespmem:s14+$0x4170] =	vst v7;
	s14 =	smov.u32 s18  }
0x83: {  	v7 =	vld [tilespmem:s14+$0x4100]  }
0x84: {  	v12 =	vld [tilespmem:s14+$0x4110]  }
.Ltmp1:
0x85: {  	v11 =	vld [tilespmem:s14+$0x4120];
	(pc) =	sbr.rel @p1 .LBB2_5-.Ltmp1, $4  }
0x86: {  	v10 =	vld [tilespmem:s14+$0x4130]  }
0x87: {  	v9 =	vld [tilespmem:s14+$0x4140]  }
0x88: {  	v13 =	vadd.f32 v14, v7;
	v8 =	vld [tilespmem:s14+$0x4150]  }
0x89: {  	s15 =	sadd.s32 $0x200, s15;
	v12 =	vadd.f32 v15, v12;
	v7 =	vld [tilespmem:s14+$0x4160]  }
0x8a: {  	v13 =	vmax.f32 v13, $0.0e+00;
	v6 =	vadd.f32 v6, v11;
	v11 =	vld [tilespmem:s14+$0x4170]  }
0x8b: {  	[tilespmem:s14+$0x4100] =	vst v13;
	v12 =	vmax.f32 v12, $0.0e+00;
	v5 =	vadd.f32 v5, v10  }
0x8c: {  	[tilespmem:s14+$0x4110] =	vst v12;
	v6 =	vmax.f32 v6, $0.0e+00;
	v4 =	vadd.f32 v4, v9  }
0x8d: {  	[tilespmem:s14+$0x4120] =	vst v6;
	v5 =	vmax.f32 v5, $0.0e+00;
	v3 =	vadd.f32 v3, v8  }
0x8e: {  	[tilespmem:s14+$0x4130] =	vst v5;
	v4 =	vmax.f32 v4, $0.0e+00;
	v2 =	vadd.f32 v2, v7  }
0x8f: {  	[tilespmem:s14+$0x4140] =	vst v4;
	v3 =	vmax.f32 v3, $0.0e+00;
	v1 =	vadd.f32 v1, v11  }
0x90: {  	[tilespmem:s14+$0x4150] =	vst v3;
	v2 =	vmax.f32 v2, $0.0e+00  }
0x91: {  	[tilespmem:s14+$0x4160] =	vst v2;
	v1 =	vmax.f32 v1, $0.0e+00  }
0x92: {  	[tilespmem:s14+$0x4170] =	vst v1  }
0x93: {  	_ =	swait.ge [sflag:s0], $0x28  }
0x94: {  	[sflag:s0] =	ssyncset.done $0x0  }
0x95: {  	[sflag:s0] =	ssyncadd.s32 $0xFFFFFFD8  }
0x96: {  	[spmem:s3] =	stream.indirect.scatter.add.f32 [tilespmem:s22], [sflag:$0x7], $0x80, s26, s23, $0xb8;
	[tilespmem:$0x1C980] =	vst v63  }
0x97: {  	_ =	swait.ge [sflag:s5], $0x1400  }
0x98: {  	[sflag:s5] =	ssyncset.done $0x0  }
0x99: {  	[sflag:s5] =	ssyncadd.s32 $0xFFFFEC00  }
0x9a: {  	_ =	swait.ge [sflag:s4], $0x1400  }
0x9b: {  	[sflag:s4] =	ssyncset.done $0x0  }
0x9c: {  	s14 =	simm.s32 $0x0;
	[sflag:s4] =	ssyncadd.s32 $0xFFFFEC00  }
0x9d: {  	v7 =	vld [tilespmem:s14+$0x7D00]  }
0x9e: {  	v12 =	vld [tilespmem:s14+$0x7D10]  }
0x9f: {  	v6 =	vld [tilespmem:s14+$0x7D20]  }
0xa0: {  	v5 =	vld [tilespmem:s14+$0x7D30]  }
0xa1: {  	v4 =	vld [tilespmem:s14+$0x7D40]  }
0xa2: {  	v3 =	vld [tilespmem:s14+$0x7D50]  }
0xa3: {  	v2 =	vld [tilespmem:s14+$0x7D60]  }
0xa4: {  	v1 =	vld [tilespmem:s14+$0x7D70]  }
0xa5: {  	v13 =	vld [tilespmem:s14+$0x5500]  }
0xa6: {  	v14 =	vld [tilespmem:s14+$0x5510]  }
0xa7: {  	v11 =	vld [tilespmem:s14+$0x5520]  }
0xa8: {  	v10 =	vld [tilespmem:s14+$0x5530]  }
0xa9: {  	v9 =	vld [tilespmem:s14+$0x5540]  }
0xaa: {  	v8 =	vld [tilespmem:s14+$0x5550];
	v13 =	vadd.f32 v7, v13  }
0xab: {  	s15 =	simm.s32 $0x200;
	v12 =	vadd.f32 v12, v14;
	v7 =	vld [tilespmem:s14+$0x5560]  }
.LBB2_7:
0xac: {  	s18 =	sshra.s32 s15, $0x2;
	p1 =	sne.s32 s15, $0x4E00;
	v13 =	vmax.f32 v13, $0.0e+00;
	v6 =	vadd.f32 v6, v11;
	v11 =	vld [tilespmem:s14+$0x5570]  }
0xad: {  	v14 =	vld [tilespmem:s18+$0x7D00];
	[tilespmem:s14+$0x5500] =	vst v13;
	v12 =	vmax.f32 v12, $0.0e+00;
	v5 =	vadd.f32 v5, v10  }
0xae: {  	v15 =	vld [tilespmem:s18+$0x7D10];
	[tilespmem:s14+$0x5510] =	vst v12;
	v10 =	vmax.f32 v6, $0.0e+00;
	v4 =	vadd.f32 v4, v9  }
0xaf: {  	v6 =	vld [tilespmem:s18+$0x7D20];
	[tilespmem:s14+$0x5520] =	vst v10;
	v9 =	vmax.f32 v5, $0.0e+00;
	v3 =	vadd.f32 v3, v8  }
0xb0: {  	v5 =	vld [tilespmem:s18+$0x7D30];
	[tilespmem:s14+$0x5530] =	vst v9;
	v8 =	vmax.f32 v4, $0.0e+00;
	v2 =	vadd.f32 v2, v7  }
0xb1: {  	v4 =	vld [tilespmem:s18+$0x7D40];
	[tilespmem:s14+$0x5540] =	vst v8;
	v7 =	vmax.f32 v3, $0.0e+00;
	v1 =	vadd.f32 v1, v11  }
0xb2: {  	v3 =	vld [tilespmem:s18+$0x7D50];
	[tilespmem:s14+$0x5550] =	vst v7;
	v7 =	vmax.f32 v2, $0.0e+00  }
0xb3: {  	v2 =	vld [tilespmem:s18+$0x7D60];
	[tilespmem:s14+$0x5560] =	vst v7;
	v7 =	vmax.f32 v1, $0.0e+00  }
0xb4: {  	v1 =	vld [tilespmem:s18+$0x7D70];
	[tilespmem:s14+$0x5570] =	vst v7;
	s14 =	smov.u32 s18  }
0xb5: {  	v7 =	vld [tilespmem:s14+$0x5500]  }
0xb6: {  	v12 =	vld [tilespmem:s14+$0x5510]  }
.Ltmp2:
0xb7: {  	v11 =	vld [tilespmem:s14+$0x5520];
	(pc) =	sbr.rel @p1 .LBB2_7-.Ltmp2, $4  }
0xb8: {  	v10 =	vld [tilespmem:s14+$0x5530]  }
0xb9: {  	v9 =	vld [tilespmem:s14+$0x5540]  }
0xba: {  	v13 =	vadd.f32 v14, v7;
	v8 =	vld [tilespmem:s14+$0x5550]  }
0xbb: {  	s15 =	sadd.s32 $0x200, s15;
	v12 =	vadd.f32 v15, v12;
	v7 =	vld [tilespmem:s14+$0x5560]  }
0xbc: {  	v13 =	vmax.f32 v13, $0.0e+00;
	v6 =	vadd.f32 v6, v11;
	v63 =	vld [tilespmem:s14+$0x5570]  }
0xbd: {  	[tilespmem:s14+$0x5500] =	vst v13;
	v12 =	vmax.f32 v12, $0.0e+00;
	v5 =	vadd.f32 v5, v10  }
0xbe: {  	[tilespmem:s14+$0x5510] =	vst v12;
	v6 =	vmax.f32 v6, $0.0e+00;
	v4 =	vadd.f32 v4, v9  }
0xbf: {  	[tilespmem:s14+$0x5520] =	vst v6;
	v5 =	vmax.f32 v5, $0.0e+00;
	v3 =	vadd.f32 v3, v8  }
0xc0: {  	[tilespmem:s14+$0x5530] =	vst v5;
	v4 =	vmax.f32 v4, $0.0e+00;
	v2 =	vadd.f32 v2, v7  }
0xc1: {  	[tilespmem:s14+$0x5540] =	vst v4;
	v3 =	vmax.f32 v3, $0.0e+00;
	v1 =	vadd.f32 v1, v63  }
0xc2: {  	[tilespmem:s14+$0x5550] =	vst v3;
	v2 =	vmax.f32 v2, $0.0e+00  }
0xc3: {  	[tilespmem:s14+$0x5560] =	vst v2;
	v1 =	vmax.f32 v1, $0.0e+00  }
0xc4: {  	[tilespmem:s14+$0x5570] =	vst v1  }
0xc5: {  	_ =	swait.ge [sflag:s7], $0x28  }
0xc6: {  	[sflag:s7] =	ssyncset.done $0x0  }
0xc7: {  	s13 =	sadd.s32 $0x1, s13;
	[sflag:s7] =	ssyncadd.s32 $0xFFFFFFD8  }
0xc8: {  	[spmem:s3] =	stream.indirect.scatter.add.f32 [tilespmem:s29], [sflag:$0x8], $0x80, s28, s23, $0xb8;
	[tilespmem:$0x1C980] =	vst v63  }
0xc9: {  	p1 =	sne.s32 s13, $0x7D;
	_ =	swait.ge [sflag:s9], $0x1400  }
.Ltmp3:
0xca: {  	[sflag:s9] =	ssyncset.done $0x0;
	(pc) =	sbr.rel @p1 .LBB2_4-.Ltmp3, $4  }
0xcb: {  	[sflag:s9] =	ssyncadd.s32 $0xFFFFEC00  }
0xcc: {  	_ =	swait.ge [sflag:s10], $0x1400  }
0xcd: {  	[sflag:s10] =	ssyncset.done $0x0  }
0xce: {  	[sflag:s10] =	ssyncadd.s32 $0xFFFFEC00  }
0xcf: {  	s12 =	stileid.u32  }
0xd0: {  	[bflag:$0x0] =	sbarrier.arrive $0xFFFF;
	s12 =	sshll.u32 s12, $0x6  }
0xd1: {  	s13 =	sshrl.u32 s8, $0x3;
	s14 =	rddreg [dreg:$0xd];
	s12 =	sor.u32 $0x1C09, s12  }
0xd2: {  	[hbm:s14], [sflag:s12] =	dma.local [spmem:s13], $0x2700  }
0xd3: {  	_ =	swait.ge [sflag:s21], $0x2700  }
0xd4: {  	s11 =	sadd.s32 $0x1, s11;
	[sflag:s21] =	ssyncset.done $0x0  }
0xd5: {  	p1 =	sne.s32 s11, s20;
	s13 =	sshrl.u32 @!p0 s16, $0x3;
	[sflag:s21] =	ssyncadd.s32 $0xFFFFD900  }
0xd6: {  	[hbm:s19], [sflag:s12] =	dma.local @!p0 [spmem:s13], $0x100  }
.Ltmp4:
0xd7: {  	_ = 	snop;
	(pc) =	sbr.rel @p1 .LBB2_1-.Ltmp4, $4  }
0xd8: {  	s12 =	simm.s32 @!p0 $0x9  }
0xd9: {  	_ =	swait.ge @!p0 [sflag:s12], $0x100  }
0xda: {  	[sflag:s12] =	ssyncset.done @!p0 $0x0  }
0xdb: {  	[sflag:s12] =	ssyncadd.s32 @!p0 $0xFFFFFF00  }
0xdc: {  	_ =	sfence.sel $0x180000  }
0xdd: {  	[bflag:$0x0] =	sbarrier.arrive $0xFFFF  }
0xde: {  	_ =	strace $0x9000004A  }
0xdf: {  	s0 =	stileid.u32;
	[bflag:$0x2] =	sbarrier.arrive $0xFFFF  }
0xe0: {  	p0 =	sne.s32 s0, $0x0;
	s0 =	rddreg [dreg:$0x4]  }
0xe1: {  	s0 =	sadd.s32 @!p0 $0x100000, s0  }
0xe2: {  	[sflag:s0] =	ssyncadd.tile.s32 @!p0 $0x1;
	_ =	shalt  }
.Lfunc_end2:
_tile_overlayer_lowered:
.L_overlay_start_2:
0xe3: {  	(tag) =	ssettag $0x2  }
0xe4: {  	s0 =	rddreg [dreg:$0x0];
	s2 =	stileid.u32  }
0xe5: {  	s1 =	rddreg [dreg:$0x1];
	p0 =	sne.s32 s2, $0x0  }
0xe6: {  	s3 =	rddreg [dreg:$0x2];
	[bflag:$0x3] =	sbarrier.arrive $0xFFFF;
	s2 =	simm.s32 @!p0 $0x1C09  }
0xe7: {  	[timem:s3], [sflag:s2] =	dma.local @!p0 [hbm:s0], s1  }
0xe8: {  	s0 =	simm.s32 @!p0 $0x9  }
0xe9: {  	_ =	swait.ge @!p0 [sflag:s0], s1  }
0xea: {  	s1 =	ssub.s32 @!p0 $0x0, s1;
	[sflag:s0] =	ssyncset.done @!p0 $0x0  }
0xeb: {  	[sflag:s0] =	ssyncadd.s32 @!p0 s1  }
0xec: {  	[bflag:$0x3] =	sbarrier.arrive $0xFFFF  }
0xed: {  	_ =	shalt  }

</sc_bundles>
